<compile_context>
chip_gen: v7x
topology: tpu7x:2x2x1
jax: 0.10.2.dev20260603
libtpu: 0.0.44.dev20260713+nightly
codegen_flags: <defaults>
</compile_context>

<pallas_src>
import functools

import jax
import jax.numpy as jnp
from jax import lax
from jax.experimental import pallas as pl
from jax.experimental.pallas import tpu as pltpu
from jax.experimental.pallas import tpu_sc as plsc

_SCALE = 262144.0
_QBIAS = 131072.0
_MARGIN_Q = 12
_T = 6
_TS = 8
_MAXI = 2**31 - 1


def _exact_tree_dist(z_ref, net_ref, tn, tk, k0):
    def term(dd):
        zc = z_ref[:, dd:dd + 1]
        ec = net_ref[dd:dd + 1, k0:k0 + tk]
        df = zc + ec
        return df * df

    gs = [((term(s) + term(s + 8)) + term(s + 16)) + term(s + 24)
          for s in range(8)]
    hs = [gs[s] + gs[s + 4] for s in range(4)]
    ms = [hs[s] + hs[s + 2] for s in range(2)]
    return ms[0] + ms[1]


def _cand_body(z_ref, net_ref, cand_ref, loss_ref, keys_ref, qbias_ref,
               *, tn, k, d, nsteps):
    pid = pl.program_id(0)

    @pl.when(pid == 0)
    def _():
        sumsq = jnp.sum(net_ref[...] * net_ref[...], axis=0, keepdims=True)
        qbias_ref[...] = jnp.float32(_QBIAS) + jnp.float32(0.5 * _SCALE) * sumsq
        loss_ref[...] = jnp.zeros((1, 1), jnp.float32)

    z = z_ref[...]
    z2 = jnp.sum(z * z, axis=1, keepdims=True)

    dots = jax.lax.dot_general(z, net_ref[...], (((1,), (0,)), ((), ())),
                               preferred_element_type=jnp.float32,
                               precision=jax.lax.Precision.HIGHEST)
    qf = dots * jnp.float32(_SCALE) + qbias_ref[...]
    qi = jnp.clip(qf.astype(jnp.int32), 0, 2**18 - 2)
    kiota = jax.lax.broadcasted_iota(jnp.int32, (tn, k), 1)
    keys_ref[...] = qi * jnp.int32(8192) + kiota

    minkey = jnp.min(keys_ref[...], axis=1, keepdims=True)
    qmin = jax.lax.shift_right_logical(minkey, 13)
    thrq = qmin + jnp.int32(_MARGIN_Q)
    qall = jax.lax.shift_right_logical(keys_ref[...], 13)
    cnt = jnp.sum((qall <= thrq).astype(jnp.int32), axis=1, keepdims=True)
    cntmax = jnp.max(cnt)

    @pl.when(cntmax <= _T)
    def _fast():
        cks = []
        ck0 = jax.lax.bitwise_and(minkey, jnp.int32(8191))
        for t in range(_T):
            if t == 0:
                mk = minkey
            else:
                mk = jnp.min(keys_ref[...], axis=1, keepdims=True)
            eq = keys_ref[...] == mk
            keys_ref[...] = jnp.where(eq, jnp.int32(_MAXI), keys_ref[...])
            ck = jax.lax.bitwise_and(mk, jnp.int32(8191))
            valid = jax.lax.shift_right_logical(mk, 13) <= thrq
            cks.append(jnp.where(valid, ck, ck0))
        while len(cks) < _TS:
            cks.append(ck0)
        cand_ref[...] = jnp.concatenate(cks, axis=1)
        qmin_f = qmin.astype(jnp.float32)
        s_hat = (qmin_f - jnp.float32(_QBIAS - 0.5)) * jnp.float32(1.0 / _SCALE)
        loss_ref[...] += jnp.sum(s_hat + s_hat + z2).reshape(1, 1)

    @pl.when(cntmax > _T)
    def _exact():
        tk = 2048
        runmin = jnp.full((tn, tk), jnp.inf, jnp.float32)
        runarg = jnp.zeros((tn, tk), jnp.int32)
        for c in range(k // tk):
            dist = _exact_tree_dist(z_ref, net_ref, tn, tk, c * tk)
            kidx = jax.lax.broadcasted_iota(jnp.int32, (tn, tk), 1) + c * tk
            upd = dist < runmin
            runmin = jnp.where(upd, dist, runmin)
            runarg = jnp.where(upd, kidx, runarg)
        minval = jnp.min(runmin, axis=1, keepdims=True)
        best = jnp.min(jnp.where(runmin == minval, runarg, jnp.int32(_MAXI)),
                       axis=1, keepdims=True)
        cand_ref[...] = jnp.concatenate([best] * _TS, axis=1)
        loss_ref[...] += jnp.sum(minval).reshape(1, 1)

    @pl.when(pid == nsteps - 1)
    def _():
        loss_ref[...] = loss_ref[...] * jnp.float32(1.25 / (nsteps * tn * d))


def _make_sc_rescue(n, k, d):
    mesh = plsc.VectorSubcoreMesh(core_axis_name="c", subcore_axis_name="s")
    nw = 32
    rows_w = n // nw
    grp = 16
    ngroups = rows_w // grp

    @functools.partial(
        pl.kernel, mesh=mesh,
        compiler_params=pltpu.CompilerParams(needs_layout_passes=False,
                                             use_tc_tiling_on_sc=False),
        out_type=[jax.ShapeDtypeStruct((n, d), jnp.float32),
                  jax.ShapeDtypeStruct((n,), jnp.int32)],
        scratch_types=[
            pltpu.VMEM((grp * _TS,), jnp.int32),
            pltpu.VMEM((grp * _TS, d), jnp.float32),
            pltpu.VMEM((grp, d), jnp.float32),
            pltpu.VMEM((grp, d), jnp.float32),
            pltpu.VMEM((grp,), jnp.int32),
            pltpu.SemaphoreType.DMA,
        ],
    )
    def sc_rescue(e_hbm, z_hbm, cand_hbm, zq_hbm, idx_hbm,
                  idx_v, rows_v, z_v, outz_v, outi_v, sem):
        wid = lax.axis_index("s") * 2 + lax.axis_index("c")
        base = wid * rows_w
        riota = lax.iota(jnp.int32, 16)
        zidx = jnp.zeros((16,), jnp.int32)
        sel_lane = riota == jnp.full((16,), 7, jnp.int32)
        kr8 = jax.lax.bitwise_and(riota + jnp.int32(8), jnp.int32(15))
        kr4 = jax.lax.bitwise_and(riota + jnp.int32(4), jnp.int32(15))
        kr2 = jax.lax.bitwise_and(riota + jnp.int32(2), jnp.int32(15))
        kr1 = jax.lax.bitwise_and(riota + jnp.int32(1), jnp.int32(15))

        def rot(keys, v):
            _, out = plsc.sort_key_val(keys, v)
            return out

        def group(g, carry):
            row0 = base + g * grp
            pltpu.sync_copy(cand_hbm.at[pl.ds(row0 * _TS, grp * _TS)], idx_v)
            pltpu.async_copy(e_hbm.at[idx_v], rows_v, sem).wait()
            pltpu.sync_copy(z_hbm.at[pl.ds(row0, grp)], z_v)

            def row_body(r, owin):
                za = z_v[r, pl.ds(0, 16)]
                zb = z_v[r, pl.ds(16, 16)]
                bd_s = jnp.float32(jnp.inf)
                bk_s = jnp.int32(_MAXI)
                bea = za
                beb = zb
                for t in range(_TS):
                    slot = r * _TS + t
                    ea = rows_v[slot, pl.ds(0, 16)]
                    eb = rows_v[slot, pl.ds(16, 16)]
                    da = za - ea
                    db = zb - eb
                    ta = da * da
                    tb = db * db
                    g1 = ((ta + rot(kr8, ta)) + tb) + rot(kr8, tb)
                    h1 = g1 + rot(kr4, g1)
                    m1 = h1 + rot(kr2, h1)
                    dvv = m1 + rot(kr1, m1)
                    dt_s = jnp.max(jnp.where(sel_lane, dvv,
                                             jnp.float32(-jnp.inf)))
                    ck_s = jnp.max(plsc.load_gather(idx_v, [zidx + slot]))
                    better = (dt_s < bd_s) | ((dt_s == bd_s) & (ck_s < bk_s))
                    bd_s = lax.select(better, dt_s, bd_s)
                    bk_s = lax.select(better, ck_s, bk_s)
                    bea = jnp.where(better, ea, bea)
                    beb = jnp.where(better, eb, beb)
                outz_v[r, pl.ds(0, 16)] = za + (bea - za)
                outz_v[r, pl.ds(16, 16)] = zb + (beb - zb)
                return jnp.where(riota == jnp.full((16,), r, jnp.int32),
                                 jnp.full((16,), bk_s, jnp.int32), owin)

            owin = lax.fori_loop(0, grp, row_body,
                                 jnp.zeros((grp,), jnp.int32))
            outi_v[...] = owin
            pltpu.sync_copy(outz_v, zq_hbm.at[pl.ds(row0, grp)])
            pltpu.sync_copy(outi_v, idx_hbm.at[pl.ds(row0, grp)])
            return carry

        lax.fori_loop(0, ngroups, group, 0)

    return sc_rescue


def kernel(z_e, embeddings):
    n, d = z_e.shape
    k = embeddings.shape[0]
    tn = min(128, n)
    nsteps = n // tn
    net = -embeddings.T

    body = functools.partial(_cand_body, tn=tn, k=k, d=d, nsteps=nsteps)
    cand, loss = pl.pallas_call(
        body,
        grid=(nsteps,),
        in_specs=[
            pl.BlockSpec((tn, d), lambda i: (i, 0)),
            pl.BlockSpec((d, k), lambda i: (0, 0)),
        ],
        out_specs=[
            pl.BlockSpec((tn, _TS), lambda i: (i, 0)),
            pl.BlockSpec((1, 1), lambda i: (0, 0)),
        ],
        out_shape=[
            jax.ShapeDtypeStruct((n, _TS), jnp.int32),
            jax.ShapeDtypeStruct((1, 1), jnp.float32),
        ],
        scratch_shapes=[
            pltpu.VMEM((tn, k), jnp.int32),
            pltpu.VMEM((1, k), jnp.float32),
        ],
        compiler_params=pltpu.CompilerParams(
            dimension_semantics=("arbitrary",)),
    )(z_e, net)

    cand_flat = cand.reshape(n * _TS)
    zq_st, idx = _make_sc_rescue(n, k, d)(embeddings, z_e, cand_flat)
    return (zq_st, loss[0, 0], idx)

# --- scband reference (transcript-rebuilt; emitter-appended) ---
"""Pipeline reference for scband-vector-quantizer-7799660609916 (READ-ONLY COPY).

The authoritative reference and input builder live on the scoring server;
editing this copy changes nothing except your own understanding.
"""

import jax, jax.numpy as jnp
import numpy as np

NUM_EMBEDDINGS = 8192
EMBEDDING_DIM = 32
COMMITMENT_COST = 0.25
N_TOKENS = 16384


def setup_inputs(seed: int = 0) -> dict:
    key = jax.random.key(seed)
    k1, k2 = jax.random.split(key)
    z_e = jax.random.normal(k1, (N_TOKENS, EMBEDDING_DIM), dtype=jnp.float32)
    lim = 1.0 / NUM_EMBEDDINGS
    embeddings = jax.random.uniform(k2, (NUM_EMBEDDINGS, EMBEDDING_DIM), dtype=jnp.float32, minval=-lim, maxval=lim)
    return {"z_e": z_e, "embeddings": embeddings}


def reference(z_e, embeddings):
    # distances: [N, K] = sum over D of (z_e[n] - emb[k])^2
    z_e_expanded = z_e[:, None, :]            # [N, 1, D]
    embeddings_expanded = embeddings[None, :, :]  # [1, K, D]
    distances = jnp.sum((z_e_expanded - embeddings_expanded) ** 2, axis=2)  # [N, K]
    encoding_indices = jnp.argmin(distances, axis=1)  # [N]
    z_q = jnp.take(embeddings, encoding_indices, axis=0)  # [N, D] embedding lookup
    vq_loss = jnp.mean((jax.lax.stop_gradient(z_q) - z_e) ** 2) \
        + COMMITMENT_COST * jnp.mean((z_q - jax.lax.stop_gradient(z_e)) ** 2)
    z_q_st = z_e + jax.lax.stop_gradient(z_q - z_e)
    return (z_q_st, vq_loss, encoding_indices)

if __name__ == "__main__":
    import jax
    _d = setup_inputs()
    print(jax.jit(kernel)(*tuple(_d.values())))

</pallas_src>

<mosaic_0001>
#map = affine_map<(d0, d1) -> (0, 0)>
#map1 = affine_map<(d0, d1) -> (0)>
module attributes {stable_mosaic.version = 14 : i64} {
  func.func @sc_rescue(%arg0: i32, %arg1: i32, %arg2: memref<8192x32xf32, #tpu.memory_space<hbm>>, %arg3: memref<16384x32xf32, #tpu.memory_space<hbm>>, %arg4: memref<131072xi32, #tpu.memory_space<hbm>>, %arg5: memref<16384x32xf32, #tpu.memory_space<hbm>>, %arg6: memref<16384xi32, #tpu.memory_space<hbm>>, %arg7: memref<128xi32, #tpu.memory_space<vmem>>, %arg8: memref<128x32xf32, #tpu.memory_space<vmem>>, %arg9: memref<16x32xf32, #tpu.memory_space<vmem>>, %arg10: memref<16x32xf32, #tpu.memory_space<vmem>>, %arg11: memref<16xi32, #tpu.memory_space<vmem>>, %arg12: memref<!tpu.dma_semaphore, #tpu.memory_space<semaphore_mem>>) attributes {dimension_semantics = [#tpu.dimension_semantics<core_parallel>, #tpu.dimension_semantics<subcore_parallel>], iteration_bounds = array<i64: 2, 16>, scalar_prefetch = 0 : i64, scratch_operands = 6 : i64, tpu.core_type = #tpu.core_type<sc_vector_subcore>, window_params = [{transform_indices = #map}, {transform_indices = #map}, {transform_indices = #map1}, {transform_indices = #map}, {transform_indices = #map1}]} {
    %mul3A = arith.constant 2 : i32
    %mul3A_0 = arith.muli %arg1, %mul3A : i32
    %add3A = arith.addi %mul3A_0, %arg0 : i32
    %mul3A_1 = arith.constant 512 : i32
    %mul3A_2 = arith.muli %add3A, %mul3A_1 : i32
    %iota3A = tpu.iota {dimensions = array<i32: 0>} : vector<16xi32>
    %broadcast_in_dim3A = arith.constant 0 : i32
    %broadcast_in_dim3A_3 = vector.broadcast %broadcast_in_dim3A : i32 to vector<16xi32>
    %broadcast_in_dim3A_4 = arith.constant 7 : i32
    %broadcast_in_dim3A_5 = vector.broadcast %broadcast_in_dim3A_4 : i32 to vector<16xi32>
    %eq3A = arith.cmpi eq, %iota3A, %broadcast_in_dim3A_5 : vector<16xi32>
    %add3A_6 = arith.constant 8 : i32
    %add3A_7 = vector.broadcast %add3A_6 : i32 to vector<16xi32>
    %add3A_8 = arith.addi %iota3A, %add3A_7 : vector<16xi32>
    %and3A = arith.constant 15 : i32
    %and3A_9 = vector.broadcast %and3A : i32 to vector<16xi32>
    %and3A_10 = arith.andi %add3A_8, %and3A_9 : vector<16xi32>
    %add3A_11 = arith.constant 4 : i32
    %add3A_12 = vector.broadcast %add3A_11 : i32 to vector<16xi32>
    %add3A_13 = arith.addi %iota3A, %add3A_12 : vector<16xi32>
    %and3A_14 = arith.constant 15 : i32
    %and3A_15 = vector.broadcast %and3A_14 : i32 to vector<16xi32>
    %and3A_16 = arith.andi %add3A_13, %and3A_15 : vector<16xi32>
    %add3A_17 = arith.constant 2 : i32
    %add3A_18 = vector.broadcast %add3A_17 : i32 to vector<16xi32>
    %add3A_19 = arith.addi %iota3A, %add3A_18 : vector<16xi32>
    %and3A_20 = arith.constant 15 : i32
    %and3A_21 = vector.broadcast %and3A_20 : i32 to vector<16xi32>
    %and3A_22 = arith.andi %add3A_19, %and3A_21 : vector<16xi32>
    %add3A_23 = arith.constant 1 : i32
    %add3A_24 = vector.broadcast %add3A_23 : i32 to vector<16xi32>
    %add3A_25 = arith.addi %iota3A, %add3A_24 : vector<16xi32>
    %and3A_26 = arith.constant 15 : i32
    %and3A_27 = vector.broadcast %and3A_26 : i32 to vector<16xi32>
    %and3A_28 = arith.andi %add3A_25, %and3A_27 : vector<16xi32>
    %scan3A = arith.constant 0 : i32
    %scan3A_29 = arith.constant 0 : i32
    %scan3A_30 = arith.constant 32 : i32
    %scan3A_31 = arith.addi %scan3A_29, %scan3A_30 : i32
    %scan3A_32 = arith.constant 1 : i32
    scf.for %scan3A_34 = %scan3A_29 to %scan3A_31 step %scan3A_32  : i32 {
      %mul3A_35 = arith.constant 16 : i32
      %mul3A_36 = arith.muli %scan3A_34, %mul3A_35 : i32
      %add3A_37 = arith.addi %mul3A_2, %mul3A_36 : i32
      %mul3A_38 = arith.constant 8 : i32
      %mul3A_39 = arith.muli %add3A_37, %mul3A_38 : i32
      "tpu.region"() ({
        %run_scoped3A = tpu.sem_alloc : memref<!tpu.dma_semaphore, #tpu.memory_space<semaphore_mem>>
        %dma_start3A_53 = tpu.memref_slice %arg4[%mul3A_39] : memref<131072xi32, #tpu.memory_space<hbm>> -> memref<128xi32, #tpu.memory_space<hbm>>
        %dma_start3A_54 = tpu.memref_slice %arg4[%mul3A_39] : memref<131072xi32, #tpu.memory_space<hbm>> -> memref<128xi32, #tpu.memory_space<hbm>>
        tpu.enqueue_dma source(%dma_start3A_54 : memref<128xi32, #tpu.memory_space<hbm>>) target(%arg7 : memref<128xi32, #tpu.memory_space<vmem>>) target_semaphore(%run_scoped3A : memref<!tpu.dma_semaphore, #tpu.memory_space<semaphore_mem>>)
        %dma_wait3A_55 = tpu.memref_slice %arg4[%mul3A_39] : memref<131072xi32, #tpu.memory_space<hbm>> -> memref<128xi32, #tpu.memory_space<hbm>>
        %dma_wait3A_56 = tpu.memref_slice %arg4[%mul3A_39] : memref<131072xi32, #tpu.memory_space<hbm>> -> memref<128xi32, #tpu.memory_space<hbm>>
        tpu.wait_dma2 semaphore(%run_scoped3A : memref<!tpu.dma_semaphore, #tpu.memory_space<semaphore_mem>>) src(%dma_wait3A_56 : memref<128xi32, #tpu.memory_space<hbm>>) dst(%arg7 : memref<128xi32, #tpu.memory_space<vmem>>)
        tpu.yield
      }) : () -> ()
      %dma_start3A = arith.constant 0 : i32
      %dma_start3A_40 = arith.constant 0 : i32
      %dma_start3A_41 = tpu.memref_slice %arg2[%dma_start3A, %dma_start3A_40] : memref<8192x32xf32, #tpu.memory_space<hbm>> -> memref<8192x32xf32, #tpu.memory_space<hbm>>
      tpu.enqueue_indirect_dma source(%dma_start3A_41 : memref<8192x32xf32, #tpu.memory_space<hbm>>) target(%arg8 : memref<128x32xf32, #tpu.memory_space<vmem>>) offsets(%arg7 : memref<128xi32, #tpu.memory_space<vmem>>) semaphore(%arg12 : memref<!tpu.dma_semaphore, #tpu.memory_space<semaphore_mem>>)
      %dma_wait3A = arith.constant 0 : i32
      %dma_wait3A_42 = arith.constant 0 : i32
      %dma_wait3A_43 = tpu.memref_slice %arg2[%dma_wait3A, %dma_wait3A_42] : memref<8192x32xf32, #tpu.memory_space<hbm>> -> memref<8192x32xf32, #tpu.memory_space<hbm>>
      tpu.wait_indirect_dma semaphore(%arg12 : memref<!tpu.dma_semaphore, #tpu.memory_space<semaphore_mem>>) src(%dma_wait3A_43 : memref<8192x32xf32, #tpu.memory_space<hbm>>) dst(%arg8 : memref<128x32xf32, #tpu.memory_space<vmem>>)
      "tpu.region"() ({
        %run_scoped3A = tpu.sem_alloc : memref<!tpu.dma_semaphore, #tpu.memory_space<semaphore_mem>>
        %dma_start3A_53 = arith.constant 0 : i32
        %dma_start3A_54 = tpu.memref_slice %arg3[%add3A_37, %dma_start3A_53] : memref<16384x32xf32, #tpu.memory_space<hbm>> -> memref<16x32xf32, #tpu.memory_space<hbm>>
        %dma_start3A_55 = arith.constant 0 : i32
        %dma_start3A_56 = tpu.memref_slice %arg3[%add3A_37, %dma_start3A_55] : memref<16384x32xf32, #tpu.memory_space<hbm>> -> memref<16x32xf32, #tpu.memory_space<hbm>>
        tpu.enqueue_dma source(%dma_start3A_56 : memref<16x32xf32, #tpu.memory_space<hbm>>) target(%arg9 : memref<16x32xf32, #tpu.memory_space<vmem>>) target_semaphore(%run_scoped3A : memref<!tpu.dma_semaphore, #tpu.memory_space<semaphore_mem>>)
        %dma_wait3A_57 = arith.constant 0 : i32
        %dma_wait3A_58 = tpu.memref_slice %arg3[%add3A_37, %dma_wait3A_57] : memref<16384x32xf32, #tpu.memory_space<hbm>> -> memref<16x32xf32, #tpu.memory_space<hbm>>
        %dma_wait3A_59 = arith.constant 0 : i32
        %dma_wait3A_60 = tpu.memref_slice %arg3[%add3A_37, %dma_wait3A_59] : memref<16384x32xf32, #tpu.memory_space<hbm>> -> memref<16x32xf32, #tpu.memory_space<hbm>>
        tpu.wait_dma2 semaphore(%run_scoped3A : memref<!tpu.dma_semaphore, #tpu.memory_space<semaphore_mem>>) src(%dma_wait3A_60 : memref<16x32xf32, #tpu.memory_space<hbm>>) dst(%arg9 : memref<16x32xf32, #tpu.memory_space<vmem>>)
        tpu.yield
      }) : () -> ()
      %broadcast_in_dim3A_44 = arith.constant 0 : i32
      %broadcast_in_dim3A_45 = vector.broadcast %broadcast_in_dim3A_44 : i32 to vector<16xi32>
      %scan3A_46 = arith.constant 0 : i32
      %scan3A_47 = arith.constant 16 : i32
      %scan3A_48 = arith.addi %scan3A_46, %scan3A_47 : i32
      %scan3A_49 = arith.constant 1 : i32
      %scan3A_50 = scf.for %scan3A_53 = %scan3A_46 to %scan3A_48 step %scan3A_49 iter_args(%scan3A_54 = %broadcast_in_dim3A_45) -> (vector<16xi32>)  : i32 {
        %get3A = arith.index_cast %scan3A_53 : i32 to index
        %get3A_55 = arith.constant 0 : index
        %get3A_56 = tpu.vector_load %arg9[%get3A, %get3A_55] {strides = array<i32>} : memref<16x32xf32, #tpu.memory_space<vmem>>, vector<16xf32>,
        %get3A_57 = arith.index_cast %scan3A_53 : i32 to index
        %get3A_58 = arith.constant 16 : index
        %get3A_59 = tpu.vector_load %arg9[%get3A_57, %get3A_58] {strides = array<i32>} : memref<16x32xf32, #tpu.memory_space<vmem>>, vector<16xf32>,
        %mul3A_60 = arith.constant 8 : i32
        %mul3A_61 = arith.muli %scan3A_53, %mul3A_60 : i32
        %add3A_62 = arith.constant 0 : i32
        %add3A_63 = arith.addi %mul3A_61, %add3A_62 : i32
        %get3A_64 = arith.index_cast %add3A_63 : i32 to index
        %get3A_65 = arith.constant 0 : index
        %get3A_66 = tpu.vector_load %arg8[%get3A_64, %get3A_65] {strides = array<i32>} : memref<128x32xf32, #tpu.memory_space<vmem>>, vector<16xf32>,
        %get3A_67 = arith.index_cast %add3A_63 : i32 to index
        %get3A_68 = arith.constant 16 : index
        %get3A_69 = tpu.vector_load %arg8[%get3A_67, %get3A_68] {strides = array<i32>} : memref<128x32xf32, #tpu.memory_space<vmem>>, vector<16xf32>,
        %sub3A = arith.subf %get3A_56, %get3A_66 : vector<16xf32>
        %sub3A_70 = arith.subf %get3A_59, %get3A_69 : vector<16xf32>
        %mul3A_71 = arith.mulf %sub3A, %sub3A : vector<16xf32>
        %mul3A_72 = arith.mulf %sub3A_70, %sub3A_70 : vector<16xf32>
        %masked_sort3A = arith.constant dense<true> : vector<16xi1>
        %masked_sort3A_73 = arith.constant -2147483648 : i32
        %masked_sort3A_74 = vector.broadcast %masked_sort3A_73 : i32 to vector<16xi32>
        %masked_sort3A_75 = arith.xori %and3A_10, %masked_sort3A_74 : vector<16xi32>
        %masked_sort3A_76, %masked_sort3A_77, %masked_sort3A_78 = tpu.sort %masked_sort3A_75, %mul3A_71 masked %masked_sort3A : (vector<16xi32>, vector<16xf32>, vector<16xi1>) -> (vector<16xi1>, vector<16xi32>, vector<16xf32>)
        %masked_sort3A_79 = arith.xori %masked_sort3A_77, %masked_sort3A_74 : vector<16xi32>
        %add3A_80 = arith.addf %mul3A_71, %masked_sort3A_78 : vector<16xf32>
        %add3A_81 = arith.addf %add3A_80, %mul3A_72 : vector<16xf32>
        %masked_sort3A_82 = arith.constant dense<true> : vector<16xi1>
        %masked_sort3A_83 = arith.constant -2147483648 : i32
        %masked_sort3A_84 = vector.broadcast %masked_sort3A_83 : i32 to vector<16xi32>
        %masked_sort3A_85 = arith.xori %and3A_10, %masked_sort3A_84 : vector<16xi32>
        %masked_sort3A_86, %masked_sort3A_87, %masked_sort3A_88 = tpu.sort %masked_sort3A_85, %mul3A_72 masked %masked_sort3A_82 : (vector<16xi32>, vector<16xf32>, vector<16xi1>) -> (vector<16xi1>, vector<16xi32>, vector<16xf32>)
        %masked_sort3A_89 = arith.xori %masked_sort3A_87, %masked_sort3A_84 : vector<16xi32>
        %add3A_90 = arith.addf %add3A_81, %masked_sort3A_88 : vector<16xf32>
        %masked_sort3A_91 = arith.constant dense<true> : vector<16xi1>
        %masked_sort3A_92 = arith.constant -2147483648 : i32
        %masked_sort3A_93 = vector.broadcast %masked_sort3A_92 : i32 to vector<16xi32>
        %masked_sort3A_94 = arith.xori %and3A_16, %masked_sort3A_93 : vector<16xi32>
        %masked_sort3A_95, %masked_sort3A_96, %masked_sort3A_97 = tpu.sort %masked_sort3A_94, %add3A_90 masked %masked_sort3A_91 : (vector<16xi32>, vector<16xf32>, vector<16xi1>) -> (vector<16xi1>, vector<16xi32>, vector<16xf32>)
        %masked_sort3A_98 = arith.xori %masked_sort3A_96, %masked_sort3A_93 : vector<16xi32>
        %add3A_99 = arith.addf %add3A_90, %masked_sort3A_97 : vector<16xf32>
        %masked_sort3A_100 = arith.constant dense<true> : vector<16xi1>
        %masked_sort3A_101 = arith.constant -2147483648 : i32
        %masked_sort3A_102 = vector.broadcast %masked_sort3A_101 : i32 to vector<16xi32>
        %masked_sort3A_103 = arith.xori %and3A_22, %masked_sort3A_102 : vector<16xi32>
        %masked_sort3A_104, %masked_sort3A_105, %masked_sort3A_106 = tpu.sort %masked_sort3A_103, %add3A_99 masked %masked_sort3A_100 : (vector<16xi32>, vector<16xf32>, vector<16xi1>) -> (vector<16xi1>, vector<16xi32>, vector<16xf32>)
        %masked_sort3A_107 = arith.xori %masked_sort3A_105, %masked_sort3A_102 : vector<16xi32>
        %add3A_108 = arith.addf %add3A_99, %masked_sort3A_106 : vector<16xf32>
        %masked_sort3A_109 = arith.constant dense<true> : vector<16xi1>
        %masked_sort3A_110 = arith.constant -2147483648 : i32
        %masked_sort3A_111 = vector.broadcast %masked_sort3A_110 : i32 to vector<16xi32>
        %masked_sort3A_112 = arith.xori %and3A_28, %masked_sort3A_111 : vector<16xi32>
        %masked_sort3A_113, %masked_sort3A_114, %masked_sort3A_115 = tpu.sort %masked_sort3A_112, %add3A_108 masked %masked_sort3A_109 : (vector<16xi32>, vector<16xf32>, vector<16xi1>) -> (vector<16xi1>, vector<16xi32>, vector<16xf32>)
        %masked_sort3A_116 = arith.xori %masked_sort3A_114, %masked_sort3A_111 : vector<16xi32>
        %add3A_117 = arith.addf %add3A_108, %masked_sort3A_115 : vector<16xf32>
        %jit3A = arith.constant 0xFF800000 : f32
        %broadcast_in_dim3A_118 = vector.broadcast %jit3A : f32 to vector<16xf32>
        %select_n3A = arith.select %eq3A, %add3A_117, %broadcast_in_dim3A_118 : vector<16xi1>, vector<16xf32>
        %reduce_max3A = arith.constant true
        %reduce_max3A_119 = vector.broadcast %reduce_max3A : i1 to vector<16xi1>
        %reduce_max3A_120 = tpu.scan <max>, %select_n3A masked %reduce_max3A_119 : vector<16xf32>, vector<16xi1> -> vector<16xf32>
        %reduce_max3A_121 = vector.extract %reduce_max3A_120[15] : f32 from vector<16xf32>
        %add3A_122 = vector.broadcast %add3A_63 : i32 to vector<16xi32>
        %add3A_123 = arith.addi %broadcast_in_dim3A_3, %add3A_122 : vector<16xi32>
        %gather3A = tpu.vector_load_idx %arg7[%add3A_123] : memref<128xi32, #tpu.memory_space<vmem>>[vector<16xi32>], vector<16xi32>,
        %reduce_max3A_124 = arith.constant true
        %reduce_max3A_125 = vector.broadcast %reduce_max3A_124 : i1 to vector<16xi1>
        %reduce_max3A_126 = arith.constant -2147483648 : i32
        %reduce_max3A_127 = vector.broadcast %reduce_max3A_126 : i32 to vector<16xi32>
        %reduce_max3A_128 = arith.xori %gather3A, %reduce_max3A_127 : vector<16xi32>
        %reduce_max3A_129 = tpu.scan <max>, %reduce_max3A_128 masked %reduce_max3A_125 : vector<16xi32>, vector<16xi1> -> vector<16xi32>
        %reduce_max3A_130 = arith.xori %reduce_max3A_129, %reduce_max3A_127 : vector<16xi32>
        %reduce_max3A_131 = vector.extract %reduce_max3A_130[15] : i32 from vector<16xi32>
        %lt3A = arith.constant 0x7F800000 : f32
        %lt3A_132 = arith.cmpf olt, %reduce_max3A_121, %lt3A : f32
        %eq3A_133 = arith.constant 0x7F800000 : f32
        %eq3A_134 = arith.cmpf oeq, %reduce_max3A_121, %eq3A_133 : f32
        %lt3A_135 = arith.constant 2147483647 : i32
        %lt3A_136 = arith.cmpi slt, %reduce_max3A_131, %lt3A_135 : i32
        %and3A_137 = arith.andi %eq3A_134, %lt3A_136 : i1
        %or3A = arith.ori %lt3A_132, %and3A_137 : i1
        %select_n3A_138 = arith.constant 0x7F800000 : f32
        %select_n3A_139 = arith.select %or3A, %reduce_max3A_121, %select_n3A_138 : f32
        %select_n3A_140 = arith.constant 2147483647 : i32
        %select_n3A_141 = arith.select %or3A, %reduce_max3A_131, %select_n3A_140 : i32
        %select_n3A_142 = arith.select %or3A, %get3A_66, %get3A_56 : vector<16xf32>
        %select_n3A_143 = arith.select %or3A, %get3A_69, %get3A_59 : vector<16xf32>
        %mul3A_144 = arith.constant 8 : i32
        %mul3A_145 = arith.muli %scan3A_53, %mul3A_144 : i32
        %add3A_146 = arith.constant 1 : i32
        %add3A_147 = arith.addi %mul3A_145, %add3A_146 : i32
        %get3A_148 = arith.index_cast %add3A_147 : i32 to index
        %get3A_149 = arith.constant 0 : index
        %get3A_150 = tpu.vector_load %arg8[%get3A_148, %get3A_149] {strides = array<i32>} : memref<128x32xf32, #tpu.memory_space<vmem>>, vector<16xf32>,
        %get3A_151 = arith.index_cast %add3A_147 : i32 to index
        %get3A_152 = arith.constant 16 : index
        %get3A_153 = tpu.vector_load %arg8[%get3A_151, %get3A_152] {strides = array<i32>} : memref<128x32xf32, #tpu.memory_space<vmem>>, vector<16xf32>,
        %sub3A_154 = arith.subf %get3A_56, %get3A_150 : vector<16xf32>
        %sub3A_155 = arith.subf %get3A_59, %get3A_153 : vector<16xf32>
        %mul3A_156 = arith.mulf %sub3A_154, %sub3A_154 : vector<16xf32>
        %mul3A_157 = arith.mulf %sub3A_155, %sub3A_155 : vector<16xf32>
        %masked_sort3A_158 = arith.constant dense<true> : vector<16xi1>
        %masked_sort3A_159 = arith.constant -2147483648 : i32
        %masked_sort3A_160 = vector.broadcast %masked_sort3A_159 : i32 to vector<16xi32>
        %masked_sort3A_161 = arith.xori %and3A_10, %masked_sort3A_160 : vector<16xi32>
        %masked_sort3A_162, %masked_sort3A_163, %masked_sort3A_164 = tpu.sort %masked_sort3A_161, %mul3A_156 masked %masked_sort3A_158 : (vector<16xi32>, vector<16xf32>, vector<16xi1>) -> (vector<16xi1>, vector<16xi32>, vector<16xf32>)
        %masked_sort3A_165 = arith.xori %masked_sort3A_163, %masked_sort3A_160 : vector<16xi32>
        %add3A_166 = arith.addf %mul3A_156, %masked_sort3A_164 : vector<16xf32>
        %add3A_167 = arith.addf %add3A_166, %mul3A_157 : vector<16xf32>
        %masked_sort3A_168 = arith.constant dense<true> : vector<16xi1>
        %masked_sort3A_169 = arith.constant -2147483648 : i32
        %masked_sort3A_170 = vector.broadcast %masked_sort3A_169 : i32 to vector<16xi32>
        %masked_sort3A_171 = arith.xori %and3A_10, %masked_sort3A_170 : vector<16xi32>
        %masked_sort3A_172, %masked_sort3A_173, %masked_sort3A_174 = tpu.sort %masked_sort3A_171, %mul3A_157 masked %masked_sort3A_168 : (vector<16xi32>, vector<16xf32>, vector<16xi1>) -> (vector<16xi1>, vector<16xi32>, vector<16xf32>)
        %masked_sort3A_175 = arith.xori %masked_sort3A_173, %masked_sort3A_170 : vector<16xi32>
        %add3A_176 = arith.addf %add3A_167, %masked_sort3A_174 : vector<16xf32>
        %masked_sort3A_177 = arith.constant dense<true> : vector<16xi1>
        %masked_sort3A_178 = arith.constant -2147483648 : i32
        %masked_sort3A_179 = vector.broadcast %masked_sort3A_178 : i32 to vector<16xi32>
        %masked_sort3A_180 = arith.xori %and3A_16, %masked_sort3A_179 : vector<16xi32>
        %masked_sort3A_181, %masked_sort3A_182, %masked_sort3A_183 = tpu.sort %masked_sort3A_180, %add3A_176 masked %masked_sort3A_177 : (vector<16xi32>, vector<16xf32>, vector<16xi1>) -> (vector<16xi1>, vector<16xi32>, vector<16xf32>)
        %masked_sort3A_184 = arith.xori %masked_sort3A_182, %masked_sort3A_179 : vector<16xi32>
        %add3A_185 = arith.addf %add3A_176, %masked_sort3A_183 : vector<16xf32>
        %masked_sort3A_186 = arith.constant dense<true> : vector<16xi1>
        %masked_sort3A_187 = arith.constant -2147483648 : i32
        %masked_sort3A_188 = vector.broadcast %masked_sort3A_187 : i32 to vector<16xi32>
        %masked_sort3A_189 = arith.xori %and3A_22, %masked_sort3A_188 : vector<16xi32>
        %masked_sort3A_190, %masked_sort3A_191, %masked_sort3A_192 = tpu.sort %masked_sort3A_189, %add3A_185 masked %masked_sort3A_186 : (vector<16xi32>, vector<16xf32>, vector<16xi1>) -> (vector<16xi1>, vector<16xi32>, vector<16xf32>)
        %masked_sort3A_193 = arith.xori %masked_sort3A_191, %masked_sort3A_188 : vector<16xi32>
        %add3A_194 = arith.addf %add3A_185, %masked_sort3A_192 : vector<16xf32>
        %masked_sort3A_195 = arith.constant dense<true> : vector<16xi1>
        %masked_sort3A_196 = arith.constant -2147483648 : i32
        %masked_sort3A_197 = vector.broadcast %masked_sort3A_196 : i32 to vector<16xi32>
        %masked_sort3A_198 = arith.xori %and3A_28, %masked_sort3A_197 : vector<16xi32>
        %masked_sort3A_199, %masked_sort3A_200, %masked_sort3A_201 = tpu.sort %masked_sort3A_198, %add3A_194 masked %masked_sort3A_195 : (vector<16xi32>, vector<16xf32>, vector<16xi1>) -> (vector<16xi1>, vector<16xi32>, vector<16xf32>)
        %masked_sort3A_202 = arith.xori %masked_sort3A_200, %masked_sort3A_197 : vector<16xi32>
        %add3A_203 = arith.addf %add3A_194, %masked_sort3A_201 : vector<16xf32>
        %jit3A_204 = arith.constant 0xFF800000 : f32
        %broadcast_in_dim3A_205 = vector.broadcast %jit3A_204 : f32 to vector<16xf32>
        %select_n3A_206 = arith.select %eq3A, %add3A_203, %broadcast_in_dim3A_205 : vector<16xi1>, vector<16xf32>
        %reduce_max3A_207 = arith.constant true
        %reduce_max3A_208 = vector.broadcast %reduce_max3A_207 : i1 to vector<16xi1>
        %reduce_max3A_209 = tpu.scan <max>, %select_n3A_206 masked %reduce_max3A_208 : vector<16xf32>, vector<16xi1> -> vector<16xf32>
        %reduce_max3A_210 = vector.extract %reduce_max3A_209[15] : f32 from vector<16xf32>
        %add3A_211 = vector.broadcast %add3A_147 : i32 to vector<16xi32>
        %add3A_212 = arith.addi %broadcast_in_dim3A_3, %add3A_211 : vector<16xi32>
        %gather3A_213 = tpu.vector_load_idx %arg7[%add3A_212] : memref<128xi32, #tpu.memory_space<vmem>>[vector<16xi32>], vector<16xi32>,
        %reduce_max3A_214 = arith.constant true
        %reduce_max3A_215 = vector.broadcast %reduce_max3A_214 : i1 to vector<16xi1>
        %reduce_max3A_216 = arith.constant -2147483648 : i32
        %reduce_max3A_217 = vector.broadcast %reduce_max3A_216 : i32 to vector<16xi32>
        %reduce_max3A_218 = arith.xori %gather3A_213, %reduce_max3A_217 : vector<16xi32>
        %reduce_max3A_219 = tpu.scan <max>, %reduce_max3A_218 masked %reduce_max3A_215 : vector<16xi32>, vector<16xi1> -> vector<16xi32>
        %reduce_max3A_220 = arith.xori %reduce_max3A_219, %reduce_max3A_217 : vector<16xi32>
        %reduce_max3A_221 = vector.extract %reduce_max3A_220[15] : i32 from vector<16xi32>
        %lt3A_222 = arith.cmpf olt, %reduce_max3A_210, %select_n3A_139 : f32
        %eq3A_223 = arith.cmpf oeq, %reduce_max3A_210, %select_n3A_139 : f32
        %lt3A_224 = arith.cmpi slt, %reduce_max3A_221, %select_n3A_141 : i32
        %and3A_225 = arith.andi %eq3A_223, %lt3A_224 : i1
        %or3A_226 = arith.ori %lt3A_222, %and3A_225 : i1
        %select_n3A_227 = arith.select %or3A_226, %reduce_max3A_210, %select_n3A_139 : f32
        %select_n3A_228 = arith.select %or3A_226, %reduce_max3A_221, %select_n3A_141 : i32
        %select_n3A_229 = arith.select %or3A_226, %get3A_150, %select_n3A_142 : vector<16xf32>
        %select_n3A_230 = arith.select %or3A_226, %get3A_153, %select_n3A_143 : vector<16xf32>
        %mul3A_231 = arith.constant 8 : i32
        %mul3A_232 = arith.muli %scan3A_53, %mul3A_231 : i32
        %add3A_233 = arith.constant 2 : i32
        %add3A_234 = arith.addi %mul3A_232, %add3A_233 : i32
        %get3A_235 = arith.index_cast %add3A_234 : i32 to index
        %get3A_236 = arith.constant 0 : index
        %get3A_237 = tpu.vector_load %arg8[%get3A_235, %get3A_236] {strides = array<i32>} : memref<128x32xf32, #tpu.memory_space<vmem>>, vector<16xf32>,
        %get3A_238 = arith.index_cast %add3A_234 : i32 to index
        %get3A_239 = arith.constant 16 : index
        %get3A_240 = tpu.vector_load %arg8[%get3A_238, %get3A_239] {strides = array<i32>} : memref<128x32xf32, #tpu.memory_space<vmem>>, vector<16xf32>,
        %sub3A_241 = arith.subf %get3A_56, %get3A_237 : vector<16xf32>
        %sub3A_242 = arith.subf %get3A_59, %get3A_240 : vector<16xf32>
        %mul3A_243 = arith.mulf %sub3A_241, %sub3A_241 : vector<16xf32>
        %mul3A_244 = arith.mulf %sub3A_242, %sub3A_242 : vector<16xf32>
        %masked_sort3A_245 = arith.constant dense<true> : vector<16xi1>
        %masked_sort3A_246 = arith.constant -2147483648 : i32
        %masked_sort3A_247 = vector.broadcast %masked_sort3A_246 : i32 to vector<16xi32>
        %masked_sort3A_248 = arith.xori %and3A_10, %masked_sort3A_247 : vector<16xi32>
        %masked_sort3A_249, %masked_sort3A_250, %masked_sort3A_251 = tpu.sort %masked_sort3A_248, %mul3A_243 masked %masked_sort3A_245 : (vector<16xi32>, vector<16xf32>, vector<16xi1>) -> (vector<16xi1>, vector<16xi32>, vector<16xf32>)
        %masked_sort3A_252 = arith.xori %masked_sort3A_250, %masked_sort3A_247 : vector<16xi32>
        %add3A_253 = arith.addf %mul3A_243, %masked_sort3A_251 : vector<16xf32>
        %add3A_254 = arith.addf %add3A_253, %mul3A_244 : vector<16xf32>
        %masked_sort3A_255 = arith.constant dense<true> : vector<16xi1>
        %masked_sort3A_256 = arith.constant -2147483648 : i32
        %masked_sort3A_257 = vector.broadcast %masked_sort3A_256 : i32 to vector<16xi32>
        %masked_sort3A_258 = arith.xori %and3A_10, %masked_sort3A_257 : vector<16xi32>
        %masked_sort3A_259, %masked_sort3A_260, %masked_sort3A_261 = tpu.sort %masked_sort3A_258, %mul3A_244 masked %masked_sort3A_255 : (vector<16xi32>, vector<16xf32>, vector<16xi1>) -> (vector<16xi1>, vector<16xi32>, vector<16xf32>)
        %masked_sort3A_262 = arith.xori %masked_sort3A_260, %masked_sort3A_257 : vector<16xi32>
        %add3A_263 = arith.addf %add3A_254, %masked_sort3A_261 : vector<16xf32>
        %masked_sort3A_264 = arith.constant dense<true> : vector<16xi1>
        %masked_sort3A_265 = arith.constant -2147483648 : i32
        %masked_sort3A_266 = vector.broadcast %masked_sort3A_265 : i32 to vector<16xi32>
        %masked_sort3A_267 = arith.xori %and3A_16, %masked_sort3A_266 : vector<16xi32>
        %masked_sort3A_268, %masked_sort3A_269, %masked_sort3A_270 = tpu.sort %masked_sort3A_267, %add3A_263 masked %masked_sort3A_264 : (vector<16xi32>, vector<16xf32>, vector<16xi1>) -> (vector<16xi1>, vector<16xi32>, vector<16xf32>)
        %masked_sort3A_271 = arith.xori %masked_sort3A_269, %masked_sort3A_266 : vector<16xi32>
        %add3A_272 = arith.addf %add3A_263, %masked_sort3A_270 : vector<16xf32>
        %masked_sort3A_273 = arith.constant dense<true> : vector<16xi1>
        %masked_sort3A_274 = arith.constant -2147483648 : i32
        %masked_sort3A_275 = vector.broadcast %masked_sort3A_274 : i32 to vector<16xi32>
        %masked_sort3A_276 = arith.xori %and3A_22, %masked_sort3A_275 : vector<16xi32>
        %masked_sort3A_277, %masked_sort3A_278, %masked_sort3A_279 = tpu.sort %masked_sort3A_276, %add3A_272 masked %masked_sort3A_273 : (vector<16xi32>, vector<16xf32>, vector<16xi1>) -> (vector<16xi1>, vector<16xi32>, vector<16xf32>)
        %masked_sort3A_280 = arith.xori %masked_sort3A_278, %masked_sort3A_275 : vector<16xi32>
        %add3A_281 = arith.addf %add3A_272, %masked_sort3A_279 : vector<16xf32>
        %masked_sort3A_282 = arith.constant dense<true> : vector<16xi1>
        %masked_sort3A_283 = arith.constant -2147483648 : i32
        %masked_sort3A_284 = vector.broadcast %masked_sort3A_283 : i32 to vector<16xi32>
        %masked_sort3A_285 = arith.xori %and3A_28, %masked_sort3A_284 : vector<16xi32>
        %masked_sort3A_286, %masked_sort3A_287, %masked_sort3A_288 = tpu.sort %masked_sort3A_285, %add3A_281 masked %masked_sort3A_282 : (vector<16xi32>, vector<16xf32>, vector<16xi1>) -> (vector<16xi1>, vector<16xi32>, vector<16xf32>)
        %masked_sort3A_289 = arith.xori %masked_sort3A_287, %masked_sort3A_284 : vector<16xi32>
        %add3A_290 = arith.addf %add3A_281, %masked_sort3A_288 : vector<16xf32>
        %jit3A_291 = arith.constant 0xFF800000 : f32
        %broadcast_in_dim3A_292 = vector.broadcast %jit3A_291 : f32 to vector<16xf32>
        %select_n3A_293 = arith.select %eq3A, %add3A_290, %broadcast_in_dim3A_292 : vector<16xi1>, vector<16xf32>
        %reduce_max3A_294 = arith.constant true
        %reduce_max3A_295 = vector.broadcast %reduce_max3A_294 : i1 to vector<16xi1>
        %reduce_max3A_296 = tpu.scan <max>, %select_n3A_293 masked %reduce_max3A_295 : vector<16xf32>, vector<16xi1> -> vector<16xf32>
        %reduce_max3A_297 = vector.extract %reduce_max3A_296[15] : f32 from vector<16xf32>
        %add3A_298 = vector.broadcast %add3A_234 : i32 to vector<16xi32>
        %add3A_299 = arith.addi %broadcast_in_dim3A_3, %add3A_298 : vector<16xi32>
        %gather3A_300 = tpu.vector_load_idx %arg7[%add3A_299] : memref<128xi32, #tpu.memory_space<vmem>>[vector<16xi32>], vector<16xi32>,
        %reduce_max3A_301 = arith.constant true
        %reduce_max3A_302 = vector.broadcast %reduce_max3A_301 : i1 to vector<16xi1>
        %reduce_max3A_303 = arith.constant -2147483648 : i32
        %reduce_max3A_304 = vector.broadcast %reduce_max3A_303 : i32 to vector<16xi32>
        %reduce_max3A_305 = arith.xori %gather3A_300, %reduce_max3A_304 : vector<16xi32>
        %reduce_max3A_306 = tpu.scan <max>, %reduce_max3A_305 masked %reduce_max3A_302 : vector<16xi32>, vector<16xi1> -> vector<16xi32>
        %reduce_max3A_307 = arith.xori %reduce_max3A_306, %reduce_max3A_304 : vector<16xi32>
        %reduce_max3A_308 = vector.extract %reduce_max3A_307[15] : i32 from vector<16xi32>
        %lt3A_309 = arith.cmpf olt, %reduce_max3A_297, %select_n3A_227 : f32
        %eq3A_310 = arith.cmpf oeq, %reduce_max3A_297, %select_n3A_227 : f32
        %lt3A_311 = arith.cmpi slt, %reduce_max3A_308, %select_n3A_228 : i32
        %and3A_312 = arith.andi %eq3A_310, %lt3A_311 : i1
        %or3A_313 = arith.ori %lt3A_309, %and3A_312 : i1
        %select_n3A_314 = arith.select %or3A_313, %reduce_max3A_297, %select_n3A_227 : f32
        %select_n3A_315 = arith.select %or3A_313, %reduce_max3A_308, %select_n3A_228 : i32
        %select_n3A_316 = arith.select %or3A_313, %get3A_237, %select_n3A_229 : vector<16xf32>
        %select_n3A_317 = arith.select %or3A_313, %get3A_240, %select_n3A_230 : vector<16xf32>
        %mul3A_318 = arith.constant 8 : i32
        %mul3A_319 = arith.muli %scan3A_53, %mul3A_318 : i32
        %add3A_320 = arith.constant 3 : i32
        %add3A_321 = arith.addi %mul3A_319, %add3A_320 : i32
        %get3A_322 = arith.index_cast %add3A_321 : i32 to index
        %get3A_323 = arith.constant 0 : index
        %get3A_324 = tpu.vector_load %arg8[%get3A_322, %get3A_323] {strides = array<i32>} : memref<128x32xf32, #tpu.memory_space<vmem>>, vector<16xf32>,
        %get3A_325 = arith.index_cast %add3A_321 : i32 to index
        %get3A_326 = arith.constant 16 : index
        %get3A_327 = tpu.vector_load %arg8[%get3A_325, %get3A_326] {strides = array<i32>} : memref<128x32xf32, #tpu.memory_space<vmem>>, vector<16xf32>,
        %sub3A_328 = arith.subf %get3A_56, %get3A_324 : vector<16xf32>
        %sub3A_329 = arith.subf %get3A_59, %get3A_327 : vector<16xf32>
        %mul3A_330 = arith.mulf %sub3A_328, %sub3A_328 : vector<16xf32>
        %mul3A_331 = arith.mulf %sub3A_329, %sub3A_329 : vector<16xf32>
        %masked_sort3A_332 = arith.constant dense<true> : vector<16xi1>
        %masked_sort3A_333 = arith.constant -2147483648 : i32
        %masked_sort3A_334 = vector.broadcast %masked_sort3A_333 : i32 to vector<16xi32>
        %masked_sort3A_335 = arith.xori %and3A_10, %masked_sort3A_334 : vector<16xi32>
        %masked_sort3A_336, %masked_sort3A_337, %masked_sort3A_338 = tpu.sort %masked_sort3A_335, %mul3A_330 masked %masked_sort3A_332 : (vector<16xi32>, vector<16xf32>, vector<16xi1>) -> (vector<16xi1>, vector<16xi32>, vector<16xf32>)
        %masked_sort3A_339 = arith.xori %masked_sort3A_337, %masked_sort3A_334 : vector<16xi32>
        %add3A_340 = arith.addf %mul3A_330, %masked_sort3A_338 : vector<16xf32>
        %add3A_341 = arith.addf %add3A_340, %mul3A_331 : vector<16xf32>
        %masked_sort3A_342 = arith.constant dense<true> : vector<16xi1>
        %masked_sort3A_343 = arith.constant -2147483648 : i32
        %masked_sort3A_344 = vector.broadcast %masked_sort3A_343 : i32 to vector<16xi32>
        %masked_sort3A_345 = arith.xori %and3A_10, %masked_sort3A_344 : vector<16xi32>
        %masked_sort3A_346, %masked_sort3A_347, %masked_sort3A_348 = tpu.sort %masked_sort3A_345, %mul3A_331 masked %masked_sort3A_342 : (vector<16xi32>, vector<16xf32>, vector<16xi1>) -> (vector<16xi1>, vector<16xi32>, vector<16xf32>)
        %masked_sort3A_349 = arith.xori %masked_sort3A_347, %masked_sort3A_344 : vector<16xi32>
        %add3A_350 = arith.addf %add3A_341, %masked_sort3A_348 : vector<16xf32>
        %masked_sort3A_351 = arith.constant dense<true> : vector<16xi1>
        %masked_sort3A_352 = arith.constant -2147483648 : i32
        %masked_sort3A_353 = vector.broadcast %masked_sort3A_352 : i32 to vector<16xi32>
        %masked_sort3A_354 = arith.xori %and3A_16, %masked_sort3A_353 : vector<16xi32>
        %masked_sort3A_355, %masked_sort3A_356, %masked_sort3A_357 = tpu.sort %masked_sort3A_354, %add3A_350 masked %masked_sort3A_351 : (vector<16xi32>, vector<16xf32>, vector<16xi1>) -> (vector<16xi1>, vector<16xi32>, vector<16xf32>)
        %masked_sort3A_358 = arith.xori %masked_sort3A_356, %masked_sort3A_353 : vector<16xi32>
        %add3A_359 = arith.addf %add3A_350, %masked_sort3A_357 : vector<16xf32>
        %masked_sort3A_360 = arith.constant dense<true> : vector<16xi1>
        %masked_sort3A_361 = arith.constant -2147483648 : i32
        %masked_sort3A_362 = vector.broadcast %masked_sort3A_361 : i32 to vector<16xi32>
        %masked_sort3A_363 = arith.xori %and3A_22, %masked_sort3A_362 : vector<16xi32>
        %masked_sort3A_364, %masked_sort3A_365, %masked_sort3A_366 = tpu.sort %masked_sort3A_363, %add3A_359 masked %masked_sort3A_360 : (vector<16xi32>, vector<16xf32>, vector<16xi1>) -> (vector<16xi1>, vector<16xi32>, vector<16xf32>)
        %masked_sort3A_367 = arith.xori %masked_sort3A_365, %masked_sort3A_362 : vector<16xi32>
        %add3A_368 = arith.addf %add3A_359, %masked_sort3A_366 : vector<16xf32>
        %masked_sort3A_369 = arith.constant dense<true> : vector<16xi1>
        %masked_sort3A_370 = arith.constant -2147483648 : i32
        %masked_sort3A_371 = vector.broadcast %masked_sort3A_370 : i32 to vector<16xi32>
        %masked_sort3A_372 = arith.xori %and3A_28, %masked_sort3A_371 : vector<16xi32>
        %masked_sort3A_373, %masked_sort3A_374, %masked_sort3A_375 = tpu.sort %masked_sort3A_372, %add3A_368 masked %masked_sort3A_369 : (vector<16xi32>, vector<16xf32>, vector<16xi1>) -> (vector<16xi1>, vector<16xi32>, vector<16xf32>)
        %masked_sort3A_376 = arith.xori %masked_sort3A_374, %masked_sort3A_371 : vector<16xi32>
        %add3A_377 = arith.addf %add3A_368, %masked_sort3A_375 : vector<16xf32>
        %jit3A_378 = arith.constant 0xFF800000 : f32
        %broadcast_in_dim3A_379 = vector.broadcast %jit3A_378 : f32 to vector<16xf32>
        %select_n3A_380 = arith.select %eq3A, %add3A_377, %broadcast_in_dim3A_379 : vector<16xi1>, vector<16xf32>
        %reduce_max3A_381 = arith.constant true
        %reduce_max3A_382 = vector.broadcast %reduce_max3A_381 : i1 to vector<16xi1>
        %reduce_max3A_383 = tpu.scan <max>, %select_n3A_380 masked %reduce_max3A_382 : vector<16xf32>, vector<16xi1> -> vector<16xf32>
        %reduce_max3A_384 = vector.extract %reduce_max3A_383[15] : f32 from vector<16xf32>
        %add3A_385 = vector.broadcast %add3A_321 : i32 to vector<16xi32>
        %add3A_386 = arith.addi %broadcast_in_dim3A_3, %add3A_385 : vector<16xi32>
        %gather3A_387 = tpu.vector_load_idx %arg7[%add3A_386] : memref<128xi32, #tpu.memory_space<vmem>>[vector<16xi32>], vector<16xi32>,
        %reduce_max3A_388 = arith.constant true
        %reduce_max3A_389 = vector.broadcast %reduce_max3A_388 : i1 to vector<16xi1>
        %reduce_max3A_390 = arith.constant -2147483648 : i32
        %reduce_max3A_391 = vector.broadcast %reduce_max3A_390 : i32 to vector<16xi32>
        %reduce_max3A_392 = arith.xori %gather3A_387, %reduce_max3A_391 : vector<16xi32>
        %reduce_max3A_393 = tpu.scan <max>, %reduce_max3A_392 masked %reduce_max3A_389 : vector<16xi32>, vector<16xi1> -> vector<16xi32>
        %reduce_max3A_394 = arith.xori %reduce_max3A_393, %reduce_max3A_391 : vector<16xi32>
        %reduce_max3A_395 = vector.extract %reduce_max3A_394[15] : i32 from vector<16xi32>
        %lt3A_396 = arith.cmpf olt, %reduce_max3A_384, %select_n3A_314 : f32
        %eq3A_397 = arith.cmpf oeq, %reduce_max3A_384, %select_n3A_314 : f32
        %lt3A_398 = arith.cmpi slt, %reduce_max3A_395, %select_n3A_315 : i32
        %and3A_399 = arith.andi %eq3A_397, %lt3A_398 : i1
        %or3A_400 = arith.ori %lt3A_396, %and3A_399 : i1
        %select_n3A_401 = arith.select %or3A_400, %reduce_max3A_384, %select_n3A_314 : f32
        %select_n3A_402 = arith.select %or3A_400, %reduce_max3A_395, %select_n3A_315 : i32
        %select_n3A_403 = arith.select %or3A_400, %get3A_324, %select_n3A_316 : vector<16xf32>
        %select_n3A_404 = arith.select %or3A_400, %get3A_327, %select_n3A_317 : vector<16xf32>
        %mul3A_405 = arith.constant 8 : i32
        %mul3A_406 = arith.muli %scan3A_53, %mul3A_405 : i32
        %add3A_407 = arith.constant 4 : i32
        %add3A_408 = arith.addi %mul3A_406, %add3A_407 : i32
        %get3A_409 = arith.index_cast %add3A_408 : i32 to index
        %get3A_410 = arith.constant 0 : index
        %get3A_411 = tpu.vector_load %arg8[%get3A_409, %get3A_410] {strides = array<i32>} : memref<128x32xf32, #tpu.memory_space<vmem>>, vector<16xf32>,
        %get3A_412 = arith.index_cast %add3A_408 : i32 to index
        %get3A_413 = arith.constant 16 : index
        %get3A_414 = tpu.vector_load %arg8[%get3A_412, %get3A_413] {strides = array<i32>} : memref<128x32xf32, #tpu.memory_space<vmem>>, vector<16xf32>,
        %sub3A_415 = arith.subf %get3A_56, %get3A_411 : vector<16xf32>
        %sub3A_416 = arith.subf %get3A_59, %get3A_414 : vector<16xf32>
        %mul3A_417 = arith.mulf %sub3A_415, %sub3A_415 : vector<16xf32>
        %mul3A_418 = arith.mulf %sub3A_416, %sub3A_416 : vector<16xf32>
        %masked_sort3A_419 = arith.constant dense<true> : vector<16xi1>
        %masked_sort3A_420 = arith.constant -2147483648 : i32
        %masked_sort3A_421 = vector.broadcast %masked_sort3A_420 : i32 to vector<16xi32>
        %masked_sort3A_422 = arith.xori %and3A_10, %masked_sort3A_421 : vector<16xi32>
        %masked_sort3A_423, %masked_sort3A_424, %masked_sort3A_425 = tpu.sort %masked_sort3A_422, %mul3A_417 masked %masked_sort3A_419 : (vector<16xi32>, vector<16xf32>, vector<16xi1>) -> (vector<16xi1>, vector<16xi32>, vector<16xf32>)
        %masked_sort3A_426 = arith.xori %masked_sort3A_424, %masked_sort3A_421 : vector<16xi32>
        %add3A_427 = arith.addf %mul3A_417, %masked_sort3A_425 : vector<16xf32>
        %add3A_428 = arith.addf %add3A_427, %mul3A_418 : vector<16xf32>
        %masked_sort3A_429 = arith.constant dense<true> : vector<16xi1>
        %masked_sort3A_430 = arith.constant -2147483648 : i32
        %masked_sort3A_431 = vector.broadcast %masked_sort3A_430 : i32 to vector<16xi32>
        %masked_sort3A_432 = arith.xori %and3A_10, %masked_sort3A_431 : vector<16xi32>
        %masked_sort3A_433, %masked_sort3A_434, %masked_sort3A_435 = tpu.sort %masked_sort3A_432, %mul3A_418 masked %masked_sort3A_429 : (vector<16xi32>, vector<16xf32>, vector<16xi1>) -> (vector<16xi1>, vector<16xi32>, vector<16xf32>)
        %masked_sort3A_436 = arith.xori %masked_sort3A_434, %masked_sort3A_431 : vector<16xi32>
        %add3A_437 = arith.addf %add3A_428, %masked_sort3A_435 : vector<16xf32>
        %masked_sort3A_438 = arith.constant dense<true> : vector<16xi1>
        %masked_sort3A_439 = arith.constant -2147483648 : i32
        %masked_sort3A_440 = vector.broadcast %masked_sort3A_439 : i32 to vector<16xi32>
        %masked_sort3A_441 = arith.xori %and3A_16, %masked_sort3A_440 : vector<16xi32>
        %masked_sort3A_442, %masked_sort3A_443, %masked_sort3A_444 = tpu.sort %masked_sort3A_441, %add3A_437 masked %masked_sort3A_438 : (vector<16xi32>, vector<16xf32>, vector<16xi1>) -> (vector<16xi1>, vector<16xi32>, vector<16xf32>)
        %masked_sort3A_445 = arith.xori %masked_sort3A_443, %masked_sort3A_440 : vector<16xi32>
        %add3A_446 = arith.addf %add3A_437, %masked_sort3A_444 : vector<16xf32>
        %masked_sort3A_447 = arith.constant dense<true> : vector<16xi1>
        %masked_sort3A_448 = arith.constant -2147483648 : i32
        %masked_sort3A_449 = vector.broadcast %masked_sort3A_448 : i32 to vector<16xi32>
        %masked_sort3A_450 = arith.xori %and3A_22, %masked_sort3A_449 : vector<16xi32>
        %masked_sort3A_451, %masked_sort3A_452, %masked_sort3A_453 = tpu.sort %masked_sort3A_450, %add3A_446 masked %masked_sort3A_447 : (vector<16xi32>, vector<16xf32>, vector<16xi1>) -> (vector<16xi1>, vector<16xi32>, vector<16xf32>)
        %masked_sort3A_454 = arith.xori %masked_sort3A_452, %masked_sort3A_449 : vector<16xi32>
        %add3A_455 = arith.addf %add3A_446, %masked_sort3A_453 : vector<16xf32>
        %masked_sort3A_456 = arith.constant dense<true> : vector<16xi1>
        %masked_sort3A_457 = arith.constant -2147483648 : i32
        %masked_sort3A_458 = vector.broadcast %masked_sort3A_457 : i32 to vector<16xi32>
        %masked_sort3A_459 = arith.xori %and3A_28, %masked_sort3A_458 : vector<16xi32>
        %masked_sort3A_460, %masked_sort3A_461, %masked_sort3A_462 = tpu.sort %masked_sort3A_459, %add3A_455 masked %masked_sort3A_456 : (vector<16xi32>, vector<16xf32>, vector<16xi1>) -> (vector<16xi1>, vector<16xi32>, vector<16xf32>)
        %masked_sort3A_463 = arith.xori %masked_sort3A_461, %masked_sort3A_458 : vector<16xi32>
        %add3A_464 = arith.addf %add3A_455, %masked_sort3A_462 : vector<16xf32>
        %jit3A_465 = arith.constant 0xFF800000 : f32
        %broadcast_in_dim3A_466 = vector.broadcast %jit3A_465 : f32 to vector<16xf32>
        %select_n3A_467 = arith.select %eq3A, %add3A_464, %broadcast_in_dim3A_466 : vector<16xi1>, vector<16xf32>
        %reduce_max3A_468 = arith.constant true
        %reduce_max3A_469 = vector.broadcast %reduce_max3A_468 : i1 to vector<16xi1>
        %reduce_max3A_470 = tpu.scan <max>, %select_n3A_467 masked %reduce_max3A_469 : vector<16xf32>, vector<16xi1> -> vector<16xf32>
        %reduce_max3A_471 = vector.extract %reduce_max3A_470[15] : f32 from vector<16xf32>
        %add3A_472 = vector.broadcast %add3A_408 : i32 to vector<16xi32>
        %add3A_473 = arith.addi %broadcast_in_dim3A_3, %add3A_472 : vector<16xi32>
        %gather3A_474 = tpu.vector_load_idx %arg7[%add3A_473] : memref<128xi32, #tpu.memory_space<vmem>>[vector<16xi32>], vector<16xi32>,
        %reduce_max3A_475 = arith.constant true
        %reduce_max3A_476 = vector.broadcast %reduce_max3A_475 : i1 to vector<16xi1>
        %reduce_max3A_477 = arith.constant -2147483648 : i32
        %reduce_max3A_478 = vector.broadcast %reduce_max3A_477 : i32 to vector<16xi32>
        %reduce_max3A_479 = arith.xori %gather3A_474, %reduce_max3A_478 : vector<16xi32>
        %reduce_max3A_480 = tpu.scan <max>, %reduce_max3A_479 masked %reduce_max3A_476 : vector<16xi32>, vector<16xi1> -> vector<16xi32>
        %reduce_max3A_481 = arith.xori %reduce_max3A_480, %reduce_max3A_478 : vector<16xi32>
        %reduce_max3A_482 = vector.extract %reduce_max3A_481[15] : i32 from vector<16xi32>
        %lt3A_483 = arith.cmpf olt, %reduce_max3A_471, %select_n3A_401 : f32
        %eq3A_484 = arith.cmpf oeq, %reduce_max3A_471, %select_n3A_401 : f32
        %lt3A_485 = arith.cmpi slt, %reduce_max3A_482, %select_n3A_402 : i32
        %and3A_486 = arith.andi %eq3A_484, %lt3A_485 : i1
        %or3A_487 = arith.ori %lt3A_483, %and3A_486 : i1
        %select_n3A_488 = arith.select %or3A_487, %reduce_max3A_471, %select_n3A_401 : f32
        %select_n3A_489 = arith.select %or3A_487, %reduce_max3A_482, %select_n3A_402 : i32
        %select_n3A_490 = arith.select %or3A_487, %get3A_411, %select_n3A_403 : vector<16xf32>
        %select_n3A_491 = arith.select %or3A_487, %get3A_414, %select_n3A_404 : vector<16xf32>
        %mul3A_492 = arith.constant 8 : i32
        %mul3A_493 = arith.muli %scan3A_53, %mul3A_492 : i32
        %add3A_494 = arith.constant 5 : i32
        %add3A_495 = arith.addi %mul3A_493, %add3A_494 : i32
        %get3A_496 = arith.index_cast %add3A_495 : i32 to index
        %get3A_497 = arith.constant 0 : index
        %get3A_498 = tpu.vector_load %arg8[%get3A_496, %get3A_497] {strides = array<i32>} : memref<128x32xf32, #tpu.memory_space<vmem>>, vector<16xf32>,
        %get3A_499 = arith.index_cast %add3A_495 : i32 to index
        %get3A_500 = arith.constant 16 : index
        %get3A_501 = tpu.vector_load %arg8[%get3A_499, %get3A_500] {strides = array<i32>} : memref<128x32xf32, #tpu.memory_space<vmem>>, vector<16xf32>,
        %sub3A_502 = arith.subf %get3A_56, %get3A_498 : vector<16xf32>
        %sub3A_503 = arith.subf %get3A_59, %get3A_501 : vector<16xf32>
        %mul3A_504 = arith.mulf %sub3A_502, %sub3A_502 : vector<16xf32>
        %mul3A_505 = arith.mulf %sub3A_503, %sub3A_503 : vector<16xf32>
        %masked_sort3A_506 = arith.constant dense<true> : vector<16xi1>
        %masked_sort3A_507 = arith.constant -2147483648 : i32
        %masked_sort3A_508 = vector.broadcast %masked_sort3A_507 : i32 to vector<16xi32>
        %masked_sort3A_509 = arith.xori %and3A_10, %masked_sort3A_508 : vector<16xi32>
        %masked_sort3A_510, %masked_sort3A_511, %masked_sort3A_512 = tpu.sort %masked_sort3A_509, %mul3A_504 masked %masked_sort3A_506 : (vector<16xi32>, vector<16xf32>, vector<16xi1>) -> (vector<16xi1>, vector<16xi32>, vector<16xf32>)
        %masked_sort3A_513 = arith.xori %masked_sort3A_511, %masked_sort3A_508 : vector<16xi32>
        %add3A_514 = arith.addf %mul3A_504, %masked_sort3A_512 : vector<16xf32>
        %add3A_515 = arith.addf %add3A_514, %mul3A_505 : vector<16xf32>
        %masked_sort3A_516 = arith.constant dense<true> : vector<16xi1>
        %masked_sort3A_517 = arith.constant -2147483648 : i32
        %masked_sort3A_518 = vector.broadcast %masked_sort3A_517 : i32 to vector<16xi32>
        %masked_sort3A_519 = arith.xori %and3A_10, %masked_sort3A_518 : vector<16xi32>
        %masked_sort3A_520, %masked_sort3A_521, %masked_sort3A_522 = tpu.sort %masked_sort3A_519, %mul3A_505 masked %masked_sort3A_516 : (vector<16xi32>, vector<16xf32>, vector<16xi1>) -> (vector<16xi1>, vector<16xi32>, vector<16xf32>)
        %masked_sort3A_523 = arith.xori %masked_sort3A_521, %masked_sort3A_518 : vector<16xi32>
        %add3A_524 = arith.addf %add3A_515, %masked_sort3A_522 : vector<16xf32>
        %masked_sort3A_525 = arith.constant dense<true> : vector<16xi1>
        %masked_sort3A_526 = arith.constant -2147483648 : i32
        %masked_sort3A_527 = vector.broadcast %masked_sort3A_526 : i32 to vector<16xi32>
        %masked_sort3A_528 = arith.xori %and3A_16, %masked_sort3A_527 : vector<16xi32>
        %masked_sort3A_529, %masked_sort3A_530, %masked_sort3A_531 = tpu.sort %masked_sort3A_528, %add3A_524 masked %masked_sort3A_525 : (vector<16xi32>, vector<16xf32>, vector<16xi1>) -> (vector<16xi1>, vector<16xi32>, vector<16xf32>)
        %masked_sort3A_532 = arith.xori %masked_sort3A_530, %masked_sort3A_527 : vector<16xi32>
        %add3A_533 = arith.addf %add3A_524, %masked_sort3A_531 : vector<16xf32>
        %masked_sort3A_534 = arith.constant dense<true> : vector<16xi1>
        %masked_sort3A_535 = arith.constant -2147483648 : i32
        %masked_sort3A_536 = vector.broadcast %masked_sort3A_535 : i32 to vector<16xi32>
        %masked_sort3A_537 = arith.xori %and3A_22, %masked_sort3A_536 : vector<16xi32>
        %masked_sort3A_538, %masked_sort3A_539, %masked_sort3A_540 = tpu.sort %masked_sort3A_537, %add3A_533 masked %masked_sort3A_534 : (vector<16xi32>, vector<16xf32>, vector<16xi1>) -> (vector<16xi1>, vector<16xi32>, vector<16xf32>)
        %masked_sort3A_541 = arith.xori %masked_sort3A_539, %masked_sort3A_536 : vector<16xi32>
        %add3A_542 = arith.addf %add3A_533, %masked_sort3A_540 : vector<16xf32>
        %masked_sort3A_543 = arith.constant dense<true> : vector<16xi1>
        %masked_sort3A_544 = arith.constant -2147483648 : i32
        %masked_sort3A_545 = vector.broadcast %masked_sort3A_544 : i32 to vector<16xi32>
        %masked_sort3A_546 = arith.xori %and3A_28, %masked_sort3A_545 : vector<16xi32>
        %masked_sort3A_547, %masked_sort3A_548, %masked_sort3A_549 = tpu.sort %masked_sort3A_546, %add3A_542 masked %masked_sort3A_543 : (vector<16xi32>, vector<16xf32>, vector<16xi1>) -> (vector<16xi1>, vector<16xi32>, vector<16xf32>)
        %masked_sort3A_550 = arith.xori %masked_sort3A_548, %masked_sort3A_545 : vector<16xi32>
        %add3A_551 = arith.addf %add3A_542, %masked_sort3A_549 : vector<16xf32>
        %jit3A_552 = arith.constant 0xFF800000 : f32
        %broadcast_in_dim3A_553 = vector.broadcast %jit3A_552 : f32 to vector<16xf32>
        %select_n3A_554 = arith.select %eq3A, %add3A_551, %broadcast_in_dim3A_553 : vector<16xi1>, vector<16xf32>
        %reduce_max3A_555 = arith.constant true
        %reduce_max3A_556 = vector.broadcast %reduce_max3A_555 : i1 to vector<16xi1>
        %reduce_max3A_557 = tpu.scan <max>, %select_n3A_554 masked %reduce_max3A_556 : vector<16xf32>, vector<16xi1> -> vector<16xf32>
        %reduce_max3A_558 = vector.extract %reduce_max3A_557[15] : f32 from vector<16xf32>
        %add3A_559 = vector.broadcast %add3A_495 : i32 to vector<16xi32>
        %add3A_560 = arith.addi %broadcast_in_dim3A_3, %add3A_559 : vector<16xi32>
        %gather3A_561 = tpu.vector_load_idx %arg7[%add3A_560] : memref<128xi32, #tpu.memory_space<vmem>>[vector<16xi32>], vector<16xi32>,
        %reduce_max3A_562 = arith.constant true
        %reduce_max3A_563 = vector.broadcast %reduce_max3A_562 : i1 to vector<16xi1>
        %reduce_max3A_564 = arith.constant -2147483648 : i32
        %reduce_max3A_565 = vector.broadcast %reduce_max3A_564 : i32 to vector<16xi32>
        %reduce_max3A_566 = arith.xori %gather3A_561, %reduce_max3A_565 : vector<16xi32>
        %reduce_max3A_567 = tpu.scan <max>, %reduce_max3A_566 masked %reduce_max3A_563 : vector<16xi32>, vector<16xi1> -> vector<16xi32>
        %reduce_max3A_568 = arith.xori %reduce_max3A_567, %reduce_max3A_565 : vector<16xi32>
        %reduce_max3A_569 = vector.extract %reduce_max3A_568[15] : i32 from vector<16xi32>
        %lt3A_570 = arith.cmpf olt, %reduce_max3A_558, %select_n3A_488 : f32
        %eq3A_571 = arith.cmpf oeq, %reduce_max3A_558, %select_n3A_488 : f32
        %lt3A_572 = arith.cmpi slt, %reduce_max3A_569, %select_n3A_489 : i32
        %and3A_573 = arith.andi %eq3A_571, %lt3A_572 : i1
        %or3A_574 = arith.ori %lt3A_570, %and3A_573 : i1
        %select_n3A_575 = arith.select %or3A_574, %reduce_max3A_558, %select_n3A_488 : f32
        %select_n3A_576 = arith.select %or3A_574, %reduce_max3A_569, %select_n3A_489 : i32
        %select_n3A_577 = arith.select %or3A_574, %get3A_498, %select_n3A_490 : vector<16xf32>
        %select_n3A_578 = arith.select %or3A_574, %get3A_501, %select_n3A_491 : vector<16xf32>
        %mul3A_579 = arith.constant 8 : i32
        %mul3A_580 = arith.muli %scan3A_53, %mul3A_579 : i32
        %add3A_581 = arith.constant 6 : i32
        %add3A_582 = arith.addi %mul3A_580, %add3A_581 : i32
        %get3A_583 = arith.index_cast %add3A_582 : i32 to index
        %get3A_584 = arith.constant 0 : index
        %get3A_585 = tpu.vector_load %arg8[%get3A_583, %get3A_584] {strides = array<i32>} : memref<128x32xf32, #tpu.memory_space<vmem>>, vector<16xf32>,
        %get3A_586 = arith.index_cast %add3A_582 : i32 to index
        %get3A_587 = arith.constant 16 : index
        %get3A_588 = tpu.vector_load %arg8[%get3A_586, %get3A_587] {strides = array<i32>} : memref<128x32xf32, #tpu.memory_space<vmem>>, vector<16xf32>,
        %sub3A_589 = arith.subf %get3A_56, %get3A_585 : vector<16xf32>
        %sub3A_590 = arith.subf %get3A_59, %get3A_588 : vector<16xf32>
        %mul3A_591 = arith.mulf %sub3A_589, %sub3A_589 : vector<16xf32>
        %mul3A_592 = arith.mulf %sub3A_590, %sub3A_590 : vector<16xf32>
        %masked_sort3A_593 = arith.constant dense<true> : vector<16xi1>
        %masked_sort3A_594 = arith.constant -2147483648 : i32
        %masked_sort3A_595 = vector.broadcast %masked_sort3A_594 : i32 to vector<16xi32>
        %masked_sort3A_596 = arith.xori %and3A_10, %masked_sort3A_595 : vector<16xi32>
        %masked_sort3A_597, %masked_sort3A_598, %masked_sort3A_599 = tpu.sort %masked_sort3A_596, %mul3A_591 masked %masked_sort3A_593 : (vector<16xi32>, vector<16xf32>, vector<16xi1>) -> (vector<16xi1>, vector<16xi32>, vector<16xf32>)
        %masked_sort3A_600 = arith.xori %masked_sort3A_598, %masked_sort3A_595 : vector<16xi32>
        %add3A_601 = arith.addf %mul3A_591, %masked_sort3A_599 : vector<16xf32>
        %add3A_602 = arith.addf %add3A_601, %mul3A_592 : vector<16xf32>
        %masked_sort3A_603 = arith.constant dense<true> : vector<16xi1>
        %masked_sort3A_604 = arith.constant -2147483648 : i32
        %masked_sort3A_605 = vector.broadcast %masked_sort3A_604 : i32 to vector<16xi32>
        %masked_sort3A_606 = arith.xori %and3A_10, %masked_sort3A_605 : vector<16xi32>
        %masked_sort3A_607, %masked_sort3A_608, %masked_sort3A_609 = tpu.sort %masked_sort3A_606, %mul3A_592 masked %masked_sort3A_603 : (vector<16xi32>, vector<16xf32>, vector<16xi1>) -> (vector<16xi1>, vector<16xi32>, vector<16xf32>)
        %masked_sort3A_610 = arith.xori %masked_sort3A_608, %masked_sort3A_605 : vector<16xi32>
        %add3A_611 = arith.addf %add3A_602, %masked_sort3A_609 : vector<16xf32>
        %masked_sort3A_612 = arith.constant dense<true> : vector<16xi1>
        %masked_sort3A_613 = arith.constant -2147483648 : i32
        %masked_sort3A_614 = vector.broadcast %masked_sort3A_613 : i32 to vector<16xi32>
        %masked_sort3A_615 = arith.xori %and3A_16, %masked_sort3A_614 : vector<16xi32>
        %masked_sort3A_616, %masked_sort3A_617, %masked_sort3A_618 = tpu.sort %masked_sort3A_615, %add3A_611 masked %masked_sort3A_612 : (vector<16xi32>, vector<16xf32>, vector<16xi1>) -> (vector<16xi1>, vector<16xi32>, vector<16xf32>)
        %masked_sort3A_619 = arith.xori %masked_sort3A_617, %masked_sort3A_614 : vector<16xi32>
        %add3A_620 = arith.addf %add3A_611, %masked_sort3A_618 : vector<16xf32>
        %masked_sort3A_621 = arith.constant dense<true> : vector<16xi1>
        %masked_sort3A_622 = arith.constant -2147483648 : i32
        %masked_sort3A_623 = vector.broadcast %masked_sort3A_622 : i32 to vector<16xi32>
        %masked_sort3A_624 = arith.xori %and3A_22, %masked_sort3A_623 : vector<16xi32>
        %masked_sort3A_625, %masked_sort3A_626, %masked_sort3A_627 = tpu.sort %masked_sort3A_624, %add3A_620 masked %masked_sort3A_621 : (vector<16xi32>, vector<16xf32>, vector<16xi1>) -> (vector<16xi1>, vector<16xi32>, vector<16xf32>)
        %masked_sort3A_628 = arith.xori %masked_sort3A_626, %masked_sort3A_623 : vector<16xi32>
        %add3A_629 = arith.addf %add3A_620, %masked_sort3A_627 : vector<16xf32>
        %masked_sort3A_630 = arith.constant dense<true> : vector<16xi1>
        %masked_sort3A_631 = arith.constant -2147483648 : i32
        %masked_sort3A_632 = vector.broadcast %masked_sort3A_631 : i32 to vector<16xi32>
        %masked_sort3A_633 = arith.xori %and3A_28, %masked_sort3A_632 : vector<16xi32>
        %masked_sort3A_634, %masked_sort3A_635, %masked_sort3A_636 = tpu.sort %masked_sort3A_633, %add3A_629 masked %masked_sort3A_630 : (vector<16xi32>, vector<16xf32>, vector<16xi1>) -> (vector<16xi1>, vector<16xi32>, vector<16xf32>)
        %masked_sort3A_637 = arith.xori %masked_sort3A_635, %masked_sort3A_632 : vector<16xi32>
        %add3A_638 = arith.addf %add3A_629, %masked_sort3A_636 : vector<16xf32>
        %jit3A_639 = arith.constant 0xFF800000 : f32
        %broadcast_in_dim3A_640 = vector.broadcast %jit3A_639 : f32 to vector<16xf32>
        %select_n3A_641 = arith.select %eq3A, %add3A_638, %broadcast_in_dim3A_640 : vector<16xi1>, vector<16xf32>
        %reduce_max3A_642 = arith.constant true
        %reduce_max3A_643 = vector.broadcast %reduce_max3A_642 : i1 to vector<16xi1>
        %reduce_max3A_644 = tpu.scan <max>, %select_n3A_641 masked %reduce_max3A_643 : vector<16xf32>, vector<16xi1> -> vector<16xf32>
        %reduce_max3A_645 = vector.extract %reduce_max3A_644[15] : f32 from vector<16xf32>
        %add3A_646 = vector.broadcast %add3A_582 : i32 to vector<16xi32>
        %add3A_647 = arith.addi %broadcast_in_dim3A_3, %add3A_646 : vector<16xi32>
        %gather3A_648 = tpu.vector_load_idx %arg7[%add3A_647] : memref<128xi32, #tpu.memory_space<vmem>>[vector<16xi32>], vector<16xi32>,
        %reduce_max3A_649 = arith.constant true
        %reduce_max3A_650 = vector.broadcast %reduce_max3A_649 : i1 to vector<16xi1>
        %reduce_max3A_651 = arith.constant -2147483648 : i32
        %reduce_max3A_652 = vector.broadcast %reduce_max3A_651 : i32 to vector<16xi32>
        %reduce_max3A_653 = arith.xori %gather3A_648, %reduce_max3A_652 : vector<16xi32>
        %reduce_max3A_654 = tpu.scan <max>, %reduce_max3A_653 masked %reduce_max3A_650 : vector<16xi32>, vector<16xi1> -> vector<16xi32>
        %reduce_max3A_655 = arith.xori %reduce_max3A_654, %reduce_max3A_652 : vector<16xi32>
        %reduce_max3A_656 = vector.extract %reduce_max3A_655[15] : i32 from vector<16xi32>
        %lt3A_657 = arith.cmpf olt, %reduce_max3A_645, %select_n3A_575 : f32
        %eq3A_658 = arith.cmpf oeq, %reduce_max3A_645, %select_n3A_575 : f32
        %lt3A_659 = arith.cmpi slt, %reduce_max3A_656, %select_n3A_576 : i32
        %and3A_660 = arith.andi %eq3A_658, %lt3A_659 : i1
        %or3A_661 = arith.ori %lt3A_657, %and3A_660 : i1
        %select_n3A_662 = arith.select %or3A_661, %reduce_max3A_645, %select_n3A_575 : f32
        %select_n3A_663 = arith.select %or3A_661, %reduce_max3A_656, %select_n3A_576 : i32
        %select_n3A_664 = arith.select %or3A_661, %get3A_585, %select_n3A_577 : vector<16xf32>
        %select_n3A_665 = arith.select %or3A_661, %get3A_588, %select_n3A_578 : vector<16xf32>
        %mul3A_666 = arith.constant 8 : i32
        %mul3A_667 = arith.muli %scan3A_53, %mul3A_666 : i32
        %add3A_668 = arith.constant 7 : i32
        %add3A_669 = arith.addi %mul3A_667, %add3A_668 : i32
        %get3A_670 = arith.index_cast %add3A_669 : i32 to index
        %get3A_671 = arith.constant 0 : index
        %get3A_672 = tpu.vector_load %arg8[%get3A_670, %get3A_671] {strides = array<i32>} : memref<128x32xf32, #tpu.memory_space<vmem>>, vector<16xf32>,
        %get3A_673 = arith.index_cast %add3A_669 : i32 to index
        %get3A_674 = arith.constant 16 : index
        %get3A_675 = tpu.vector_load %arg8[%get3A_673, %get3A_674] {strides = array<i32>} : memref<128x32xf32, #tpu.memory_space<vmem>>, vector<16xf32>,
        %sub3A_676 = arith.subf %get3A_56, %get3A_672 : vector<16xf32>
        %sub3A_677 = arith.subf %get3A_59, %get3A_675 : vector<16xf32>
        %mul3A_678 = arith.mulf %sub3A_676, %sub3A_676 : vector<16xf32>
        %mul3A_679 = arith.mulf %sub3A_677, %sub3A_677 : vector<16xf32>
        %masked_sort3A_680 = arith.constant dense<true> : vector<16xi1>
        %masked_sort3A_681 = arith.constant -2147483648 : i32
        %masked_sort3A_682 = vector.broadcast %masked_sort3A_681 : i32 to vector<16xi32>
        %masked_sort3A_683 = arith.xori %and3A_10, %masked_sort3A_682 : vector<16xi32>
        %masked_sort3A_684, %masked_sort3A_685, %masked_sort3A_686 = tpu.sort %masked_sort3A_683, %mul3A_678 masked %masked_sort3A_680 : (vector<16xi32>, vector<16xf32>, vector<16xi1>) -> (vector<16xi1>, vector<16xi32>, vector<16xf32>)
        %masked_sort3A_687 = arith.xori %masked_sort3A_685, %masked_sort3A_682 : vector<16xi32>
        %add3A_688 = arith.addf %mul3A_678, %masked_sort3A_686 : vector<16xf32>
        %add3A_689 = arith.addf %add3A_688, %mul3A_679 : vector<16xf32>
        %masked_sort3A_690 = arith.constant dense<true> : vector<16xi1>
        %masked_sort3A_691 = arith.constant -2147483648 : i32
        %masked_sort3A_692 = vector.broadcast %masked_sort3A_691 : i32 to vector<16xi32>
        %masked_sort3A_693 = arith.xori %and3A_10, %masked_sort3A_692 : vector<16xi32>
        %masked_sort3A_694, %masked_sort3A_695, %masked_sort3A_696 = tpu.sort %masked_sort3A_693, %mul3A_679 masked %masked_sort3A_690 : (vector<16xi32>, vector<16xf32>, vector<16xi1>) -> (vector<16xi1>, vector<16xi32>, vector<16xf32>)
        %masked_sort3A_697 = arith.xori %masked_sort3A_695, %masked_sort3A_692 : vector<16xi32>
        %add3A_698 = arith.addf %add3A_689, %masked_sort3A_696 : vector<16xf32>
        %masked_sort3A_699 = arith.constant dense<true> : vector<16xi1>
        %masked_sort3A_700 = arith.constant -2147483648 : i32
        %masked_sort3A_701 = vector.broadcast %masked_sort3A_700 : i32 to vector<16xi32>
        %masked_sort3A_702 = arith.xori %and3A_16, %masked_sort3A_701 : vector<16xi32>
        %masked_sort3A_703, %masked_sort3A_704, %masked_sort3A_705 = tpu.sort %masked_sort3A_702, %add3A_698 masked %masked_sort3A_699 : (vector<16xi32>, vector<16xf32>, vector<16xi1>) -> (vector<16xi1>, vector<16xi32>, vector<16xf32>)
        %masked_sort3A_706 = arith.xori %masked_sort3A_704, %masked_sort3A_701 : vector<16xi32>
        %add3A_707 = arith.addf %add3A_698, %masked_sort3A_705 : vector<16xf32>
        %masked_sort3A_708 = arith.constant dense<true> : vector<16xi1>
        %masked_sort3A_709 = arith.constant -2147483648 : i32
        %masked_sort3A_710 = vector.broadcast %masked_sort3A_709 : i32 to vector<16xi32>
        %masked_sort3A_711 = arith.xori %and3A_22, %masked_sort3A_710 : vector<16xi32>
        %masked_sort3A_712, %masked_sort3A_713, %masked_sort3A_714 = tpu.sort %masked_sort3A_711, %add3A_707 masked %masked_sort3A_708 : (vector<16xi32>, vector<16xf32>, vector<16xi1>) -> (vector<16xi1>, vector<16xi32>, vector<16xf32>)
        %masked_sort3A_715 = arith.xori %masked_sort3A_713, %masked_sort3A_710 : vector<16xi32>
        %add3A_716 = arith.addf %add3A_707, %masked_sort3A_714 : vector<16xf32>
        %masked_sort3A_717 = arith.constant dense<true> : vector<16xi1>
        %masked_sort3A_718 = arith.constant -2147483648 : i32
        %masked_sort3A_719 = vector.broadcast %masked_sort3A_718 : i32 to vector<16xi32>
        %masked_sort3A_720 = arith.xori %and3A_28, %masked_sort3A_719 : vector<16xi32>
        %masked_sort3A_721, %masked_sort3A_722, %masked_sort3A_723 = tpu.sort %masked_sort3A_720, %add3A_716 masked %masked_sort3A_717 : (vector<16xi32>, vector<16xf32>, vector<16xi1>) -> (vector<16xi1>, vector<16xi32>, vector<16xf32>)
        %masked_sort3A_724 = arith.xori %masked_sort3A_722, %masked_sort3A_719 : vector<16xi32>
        %add3A_725 = arith.addf %add3A_716, %masked_sort3A_723 : vector<16xf32>
        %jit3A_726 = arith.constant 0xFF800000 : f32
        %broadcast_in_dim3A_727 = vector.broadcast %jit3A_726 : f32 to vector<16xf32>
        %select_n3A_728 = arith.select %eq3A, %add3A_725, %broadcast_in_dim3A_727 : vector<16xi1>, vector<16xf32>
        %reduce_max3A_729 = arith.constant true
        %reduce_max3A_730 = vector.broadcast %reduce_max3A_729 : i1 to vector<16xi1>
        %reduce_max3A_731 = tpu.scan <max>, %select_n3A_728 masked %reduce_max3A_730 : vector<16xf32>, vector<16xi1> -> vector<16xf32>
        %reduce_max3A_732 = vector.extract %reduce_max3A_731[15] : f32 from vector<16xf32>
        %add3A_733 = vector.broadcast %add3A_669 : i32 to vector<16xi32>
        %add3A_734 = arith.addi %broadcast_in_dim3A_3, %add3A_733 : vector<16xi32>
        %gather3A_735 = tpu.vector_load_idx %arg7[%add3A_734] : memref<128xi32, #tpu.memory_space<vmem>>[vector<16xi32>], vector<16xi32>,
        %reduce_max3A_736 = arith.constant true
        %reduce_max3A_737 = vector.broadcast %reduce_max3A_736 : i1 to vector<16xi1>
        %reduce_max3A_738 = arith.constant -2147483648 : i32
        %reduce_max3A_739 = vector.broadcast %reduce_max3A_738 : i32 to vector<16xi32>
        %reduce_max3A_740 = arith.xori %gather3A_735, %reduce_max3A_739 : vector<16xi32>
        %reduce_max3A_741 = tpu.scan <max>, %reduce_max3A_740 masked %reduce_max3A_737 : vector<16xi32>, vector<16xi1> -> vector<16xi32>
        %reduce_max3A_742 = arith.xori %reduce_max3A_741, %reduce_max3A_739 : vector<16xi32>
        %reduce_max3A_743 = vector.extract %reduce_max3A_742[15] : i32 from vector<16xi32>
        %lt3A_744 = arith.cmpf olt, %reduce_max3A_732, %select_n3A_662 : f32
        %eq3A_745 = arith.cmpf oeq, %reduce_max3A_732, %select_n3A_662 : f32
        %lt3A_746 = arith.cmpi slt, %reduce_max3A_743, %select_n3A_663 : i32
        %and3A_747 = arith.andi %eq3A_745, %lt3A_746 : i1
        %or3A_748 = arith.ori %lt3A_744, %and3A_747 : i1
        %select_n3A_749 = arith.select %or3A_748, %reduce_max3A_732, %select_n3A_662 : f32
        %select_n3A_750 = arith.select %or3A_748, %reduce_max3A_743, %select_n3A_663 : i32
        %select_n3A_751 = arith.select %or3A_748, %get3A_672, %select_n3A_664 : vector<16xf32>
        %select_n3A_752 = arith.select %or3A_748, %get3A_675, %select_n3A_665 : vector<16xf32>
        %sub3A_753 = arith.subf %select_n3A_751, %get3A_56 : vector<16xf32>
        %add3A_754 = arith.addf %get3A_56, %sub3A_753 : vector<16xf32>
        %swap3A_755 = arith.index_cast %scan3A_53 : i32 to index
        %swap3A_756 = arith.constant 0 : index
        %swap3A_757 = tpu.vector_load %arg10[%swap3A_755, %swap3A_756] {strides = array<i32>} : memref<16x32xf32, #tpu.memory_space<vmem>>, vector<16xf32>,
        tpu.vector_store %arg10[%swap3A_755, %swap3A_756], %add3A_754 {strides = array<i32>} : memref<16x32xf32, #tpu.memory_space<vmem>>, vector<16xf32>,
        %sub3A_758 = arith.subf %select_n3A_752, %get3A_59 : vector<16xf32>
        %add3A_759 = arith.addf %get3A_59, %sub3A_758 : vector<16xf32>
        %swap3A_760 = arith.index_cast %scan3A_53 : i32 to index
        %swap3A_761 = arith.constant 16 : index
        %swap3A_762 = tpu.vector_load %arg10[%swap3A_760, %swap3A_761] {strides = array<i32>} : memref<16x32xf32, #tpu.memory_space<vmem>>, vector<16xf32>,
        tpu.vector_store %arg10[%swap3A_760, %swap3A_761], %add3A_759 {strides = array<i32>} : memref<16x32xf32, #tpu.memory_space<vmem>>, vector<16xf32>,
        %broadcast_in_dim3A_763 = vector.broadcast %scan3A_53 : i32 to vector<16xi32>
        %eq3A_764 = arith.cmpi eq, %iota3A, %broadcast_in_dim3A_763 : vector<16xi32>
        %broadcast_in_dim3A_765 = vector.broadcast %select_n3A_750 : i32 to vector<16xi32>
        %select_n3A_766 = arith.select %eq3A_764, %broadcast_in_dim3A_765, %scan3A_54 : vector<16xi1>, vector<16xi32>
        scf.yield %select_n3A_766 : vector<16xi32>
      }
      %scan3A_51 = arith.constant 16 : i32
      %swap3A = arith.constant 0 : index
      %swap3A_52 = tpu.vector_load %arg11[%swap3A] {strides = array<i32>} : memref<16xi32, #tpu.memory_space<vmem>>, vector<16xi32>,
      tpu.vector_store %arg11[%swap3A], %scan3A_50 {strides = array<i32>} : memref<16xi32, #tpu.memory_space<vmem>>, vector<16xi32>,
      "tpu.region"() ({
        %run_scoped3A = tpu.sem_alloc : memref<!tpu.dma_semaphore, #tpu.memory_space<semaphore_mem>>
        %dma_start3A_53 = arith.constant 0 : i32
        %dma_start3A_54 = tpu.memref_slice %arg5[%add3A_37, %dma_start3A_53] : memref<16384x32xf32, #tpu.memory_space<hbm>> -> memref<16x32xf32, #tpu.memory_space<hbm>>
        %dma_start3A_55 = arith.constant 0 : i32
        %dma_start3A_56 = tpu.memref_slice %arg5[%add3A_37, %dma_start3A_55] : memref<16384x32xf32, #tpu.memory_space<hbm>> -> memref<16x32xf32, #tpu.memory_space<hbm>>
        tpu.enqueue_dma source(%arg10 : memref<16x32xf32, #tpu.memory_space<vmem>>) target(%dma_start3A_56 : memref<16x32xf32, #tpu.memory_space<hbm>>) target_semaphore(%run_scoped3A : memref<!tpu.dma_semaphore, #tpu.memory_space<semaphore_mem>>)
        %dma_wait3A_57 = arith.constant 0 : i32
        %dma_wait3A_58 = tpu.memref_slice %arg5[%add3A_37, %dma_wait3A_57] : memref<16384x32xf32, #tpu.memory_space<hbm>> -> memref<16x32xf32, #tpu.memory_space<hbm>>
        %dma_wait3A_59 = arith.constant 0 : i32
        %dma_wait3A_60 = tpu.memref_slice %arg5[%add3A_37, %dma_wait3A_59] : memref<16384x32xf32, #tpu.memory_space<hbm>> -> memref<16x32xf32, #tpu.memory_space<hbm>>
        tpu.wait_dma2 semaphore(%run_scoped3A : memref<!tpu.dma_semaphore, #tpu.memory_space<semaphore_mem>>) src(%arg10 : memref<16x32xf32, #tpu.memory_space<vmem>>) dst(%dma_wait3A_60 : memref<16x32xf32, #tpu.memory_space<hbm>>)
        tpu.yield
      }) : () -> ()
      "tpu.region"() ({
        %run_scoped3A = tpu.sem_alloc : memref<!tpu.dma_semaphore, #tpu.memory_space<semaphore_mem>>
        %dma_start3A_53 = tpu.memref_slice %arg6[%add3A_37] : memref<16384xi32, #tpu.memory_space<hbm>> -> memref<16xi32, #tpu.memory_space<hbm>>
        %dma_start3A_54 = tpu.memref_slice %arg6[%add3A_37] : memref<16384xi32, #tpu.memory_space<hbm>> -> memref<16xi32, #tpu.memory_space<hbm>>
        tpu.enqueue_dma source(%arg11 : memref<16xi32, #tpu.memory_space<vmem>>) target(%dma_start3A_54 : memref<16xi32, #tpu.memory_space<hbm>>) target_semaphore(%run_scoped3A : memref<!tpu.dma_semaphore, #tpu.memory_space<semaphore_mem>>)
        %dma_wait3A_55 = tpu.memref_slice %arg6[%add3A_37] : memref<16384xi32, #tpu.memory_space<hbm>> -> memref<16xi32, #tpu.memory_space<hbm>>
        %dma_wait3A_56 = tpu.memref_slice %arg6[%add3A_37] : memref<16384xi32, #tpu.memory_space<hbm>> -> memref<16xi32, #tpu.memory_space<hbm>>
        tpu.wait_dma2 semaphore(%run_scoped3A : memref<!tpu.dma_semaphore, #tpu.memory_space<semaphore_mem>>) src(%arg11 : memref<16xi32, #tpu.memory_space<vmem>>) dst(%dma_wait3A_56 : memref<16xi32, #tpu.memory_space<hbm>>)
        tpu.yield
      }) : () -> ()
    }
    %scan3A_33 = arith.constant 32 : i32
    return
  }
}

module attributes {stable_mosaic.version = 14 : i64} {
  func.func @_cand_body(%arg0: i32, %arg1: memref<128x32xf32, #tpu.memory_space<vmem>>, %arg2: memref<32x8192xf32, #tpu.memory_space<vmem>>, %arg3: memref<128x8xi32, #tpu.memory_space<vmem>>, %arg4: memref<1x1xf32, #tpu.memory_space<vmem>>, %arg5: memref<128x8192xi32, #tpu.memory_space<vmem>>, %arg6: memref<1x8192xf32, #tpu.memory_space<vmem>>) attributes {dimension_semantics = [#tpu.dimension_semantics<arbitrary>], iteration_bounds = array<i64: 128>, scalar_prefetch = 0 : i64, scratch_operands = 2 : i64, tpu.core_type = #tpu.core_type<tc>, window_params = [{transform_indices = @transform_0, window_bounds = array<i64: 128, 32>}, {pipeline_mode = #tpu.pipeline_mode<synchronous>, transform_indices = @transform_1, window_bounds = array<i64: 32, 8192>}, {transform_indices = @transform_2, window_bounds = array<i64: 128, 8>}, {pipeline_mode = #tpu.pipeline_mode<synchronous>, transform_indices = @transform_3, window_bounds = array<i64: 1, 1>}]} {
    %eq3A = arith.constant 0 : i32
    %eq3A_0 = arith.cmpi eq, %arg0, %eq3A : i32
    %convert_element_type3A = arith.extui %eq3A_0 : i1 to i32
    %cond3A = arith.constant 0 : i32
    %cond3A_1 = arith.cmpi ne, %convert_element_type3A, %cond3A : i32
    scf.if %cond3A_1 {
      %get3A_65 = arith.constant 0 : index
      %get3A_66 = arith.constant 0 : index
      %get3A_67 = vector.load %arg2[%get3A_65, %get3A_66] : memref<32x8192xf32, #tpu.memory_space<vmem>>, vector<32x8192xf32>
      %get3A_68 = arith.constant 0 : index
      %get3A_69 = arith.constant 0 : index
      %get3A_70 = vector.load %arg2[%get3A_68, %get3A_69] : memref<32x8192xf32, #tpu.memory_space<vmem>>, vector<32x8192xf32>
      %mul3A_71 = arith.mulf %get3A_67, %get3A_70 : vector<32x8192xf32>
      %reduce_sum3A_72 = arith.constant dense<0.000000e+00> : vector<8192xf32>
      %reduce_sum3A_73 = vector.multi_reduction <add>, %mul3A_71, %reduce_sum3A_72 [0] : vector<32x8192xf32> to vector<8192xf32>
      %broadcast_in_dim3A_74 = vector.shape_cast %reduce_sum3A_73 : vector<8192xf32> to vector<1x8192xf32>
      %mul3A_75 = arith.constant 1.310720e+05 : f32
      %mul3A_76 = vector.broadcast %mul3A_75 : f32 to vector<1x8192xf32>
      %mul3A_77 = arith.mulf %mul3A_76, %broadcast_in_dim3A_74 : vector<1x8192xf32>
      %add3A_78 = arith.constant 1.310720e+05 : f32
      %add3A_79 = vector.broadcast %add3A_78 : f32 to vector<1x8192xf32>
      %add3A_80 = arith.addf %add3A_79, %mul3A_77 : vector<1x8192xf32>
      %swap3A_81 = arith.constant 0 : index
      %swap3A_82 = arith.constant 0 : index
      %swap3A_83 = vector.load %arg6[%swap3A_81, %swap3A_82] : memref<1x8192xf32, #tpu.memory_space<vmem>>, vector<1x8192xf32>
      tpu.vector_store %arg6[%swap3A_81, %swap3A_82], %add3A_80 {strides = array<i32>} : memref<1x8192xf32, #tpu.memory_space<vmem>>, vector<1x8192xf32>,
      %broadcast_in_dim3A_84 = arith.constant 0.000000e+00 : f32
      %broadcast_in_dim3A_85 = vector.broadcast %broadcast_in_dim3A_84 : f32 to vector<1x1xf32>
      %swap3A_86 = arith.constant 0 : index
      %swap3A_87 = arith.constant 0 : index
      %swap3A_88 = vector.load %arg4[%swap3A_86, %swap3A_87] : memref<1x1xf32, #tpu.memory_space<vmem>>, vector<1x1xf32>
      tpu.vector_store %arg4[%swap3A_86, %swap3A_87], %broadcast_in_dim3A_85 {strides = array<i32>} : memref<1x1xf32, #tpu.memory_space<vmem>>, vector<1x1xf32>,
    } else {
    }
    %get3A = arith.constant 0 : index
    %get3A_2 = arith.constant 0 : index
    %get3A_3 = vector.load %arg1[%get3A, %get3A_2] : memref<128x32xf32, #tpu.memory_space<vmem>>, vector<128x32xf32>
    %mul3A = arith.mulf %get3A_3, %get3A_3 : vector<128x32xf32>
    %reduce_sum3A = arith.constant dense<0.000000e+00> : vector<128xf32>
    %reduce_sum3A_4 = vector.multi_reduction <add>, %mul3A, %reduce_sum3A [1] : vector<128x32xf32> to vector<128xf32>
    %broadcast_in_dim3A = vector.shape_cast %reduce_sum3A_4 : vector<128xf32> to vector<128x1xf32>
    %get3A_5 = arith.constant 0 : index
    %get3A_6 = arith.constant 0 : index
    %get3A_7 = vector.load %arg2[%get3A_5, %get3A_6] : memref<32x8192xf32, #tpu.memory_space<vmem>>, vector<32x8192xf32>
    %dot_general3A = arith.constant dense<0.000000e+00> : vector<128x8192xf32>
    %dot_general3A_8 = tpu.matmul %get3A_3, %get3A_7, %dot_general3A {dimension_numbers = #tpu.dot_dimension_numbers<[1], [0], [0], [1], [0, 0, 1, 1], [], []>, precision = #tpu.contract_precision<fp32>, transpose_lhs_hint = false} : vector<128x32xf32>, vector<32x8192xf32>, vector<128x8192xf32> -> vector<128x8192xf32>
    %mul3A_9 = arith.constant 2.621440e+05 : f32
    %mul3A_10 = vector.broadcast %mul3A_9 : f32 to vector<128x8192xf32>
    %mul3A_11 = arith.mulf %dot_general3A_8, %mul3A_10 : vector<128x8192xf32>
    %get3A_12 = arith.constant 0 : index
    %get3A_13 = arith.constant 0 : index
    %get3A_14 = vector.load %arg6[%get3A_12, %get3A_13] : memref<1x8192xf32, #tpu.memory_space<vmem>>, vector<1x8192xf32>
    %add3A = vector.broadcast %get3A_14 : vector<1x8192xf32> to vector<128x8192xf32>
    %add3A_15 = arith.addf %mul3A_11, %add3A : vector<128x8192xf32>
    %convert_element_type3A_16 = arith.fptosi %add3A_15 : vector<128x8192xf32> to vector<128x8192xi32>
    %jit3A = arith.constant 0 : i32
    %jit3A_17 = arith.constant 262142 : i32
    %max3A = vector.broadcast %jit3A : i32 to vector<128x8192xi32>
    %max3A_18 = arith.maxsi %max3A, %convert_element_type3A_16 : vector<128x8192xi32>
    %min3A = vector.broadcast %jit3A_17 : i32 to vector<128x8192xi32>
    %min3A_19 = arith.minsi %min3A, %max3A_18 : vector<128x8192xi32>
    %iota3A = tpu.iota {dimensions = array<i32: 1>} : vector<128x8192xi32>
    %mul3A_20 = arith.constant 8192 : i32
    %mul3A_21 = vector.broadcast %mul3A_20 : i32 to vector<128x8192xi32>
    %mul3A_22 = arith.muli %min3A_19, %mul3A_21 : vector<128x8192xi32>
    %add3A_23 = arith.addi %mul3A_22, %iota3A : vector<128x8192xi32>
    %swap3A = arith.constant 0 : index
    %swap3A_24 = arith.constant 0 : index
    %swap3A_25 = vector.load %arg5[%swap3A, %swap3A_24] : memref<128x8192xi32, #tpu.memory_space<vmem>>, vector<128x8192xi32>
    tpu.vector_store %arg5[%swap3A, %swap3A_24], %add3A_23 {strides = array<i32>} : memref<128x8192xi32, #tpu.memory_space<vmem>>, vector<128x8192xi32>,
    %get3A_26 = arith.constant 0 : index
    %get3A_27 = arith.constant 0 : index
    %get3A_28 = vector.load %arg5[%get3A_26, %get3A_27] : memref<128x8192xi32, #tpu.memory_space<vmem>>, vector<128x8192xi32>
    %reduce_min3A = arith.constant dense<2147483647> : vector<128xi32>
    %reduce_min3A_29 = vector.multi_reduction <minsi>, %get3A_28, %reduce_min3A [1] : vector<128x8192xi32> to vector<128xi32>
    %broadcast_in_dim3A_30 = vector.shape_cast %reduce_min3A_29 : vector<128xi32> to vector<128x1xi32>
    %shift_right_logical3A = arith.constant 13 : i32
    %shift_right_logical3A_31 = vector.broadcast %shift_right_logical3A : i32 to vector<128x1xi32>
    %shift_right_logical3A_32 = arith.shrui %broadcast_in_dim3A_30, %shift_right_logical3A_31 : vector<128x1xi32>
    %add3A_33 = arith.constant 12 : i32
    %add3A_34 = vector.broadcast %add3A_33 : i32 to vector<128x1xi32>
    %add3A_35 = arith.addi %shift_right_logical3A_32, %add3A_34 : vector<128x1xi32>
    %get3A_36 = arith.constant 0 : index
    %get3A_37 = arith.constant 0 : index
    %get3A_38 = vector.load %arg5[%get3A_36, %get3A_37] : memref<128x8192xi32, #tpu.memory_space<vmem>>, vector<128x8192xi32>
    %shift_right_logical3A_39 = arith.constant 13 : i32
    %shift_right_logical3A_40 = vector.broadcast %shift_right_logical3A_39 : i32 to vector<128x8192xi32>
    %shift_right_logical3A_41 = arith.shrui %get3A_38, %shift_right_logical3A_40 : vector<128x8192xi32>
    %le3A = vector.broadcast %add3A_35 : vector<128x1xi32> to vector<128x8192xi32>
    %le3A_42 = arith.cmpi sle, %shift_right_logical3A_41, %le3A : vector<128x8192xi32>
    %convert_element_type3A_43 = arith.extui %le3A_42 : vector<128x8192xi1> to vector<128x8192xi32>
    %reduce_sum3A_44 = arith.constant dense<0> : vector<128xi32>
    %reduce_sum3A_45 = vector.multi_reduction <add>, %convert_element_type3A_43, %reduce_sum3A_44 [1] : vector<128x8192xi32> to vector<128xi32>
    %broadcast_in_dim3A_46 = vector.shape_cast %reduce_sum3A_45 : vector<128xi32> to vector<128x1xi32>
    %reduce_max3A = vector.shape_cast %broadcast_in_dim3A_46 : vector<128x1xi32> to vector<1x128x1xi32>
    %reduce_max3A_47 = arith.constant dense<-2147483648> : vector<1xi32>
    %reduce_max3A_48 = vector.multi_reduction <maxsi>, %reduce_max3A, %reduce_max3A_47 [1, 2] : vector<1x128x1xi32> to vector<1xi32>
    %reduce_max3A_49 = vector.shape_cast %reduce_max3A_48 : vector<1xi32> to vector<1x1x1xi32>
    %reduce_max3A_50 = vector.extract %reduce_max3A_49[0, 0, 0] : i32 from vector<1x1x1xi32>
    %le3A_51 = arith.constant 6 : i32
    %le3A_52 = arith.cmpi sle, %reduce_max3A_50, %le3A_51 : i32
    %convert_element_type3A_53 = arith.extui %le3A_52 : i1 to i32
    %cond3A_54 = arith.constant 0 : i32
    %cond3A_55 = arith.cmpi ne, %convert_element_type3A_53, %cond3A_54 : i32
    scf.if %cond3A_55 {
      %and3A = arith.constant 8191 : i32
      %and3A_65 = vector.broadcast %and3A : i32 to vector<128x1xi32>
      %and3A_66 = arith.andi %broadcast_in_dim3A_30, %and3A_65 : vector<128x1xi32>
      %get3A_67 = arith.constant 0 : index
      %get3A_68 = arith.constant 0 : index
      %get3A_69 = vector.load %arg5[%get3A_67, %get3A_68] : memref<128x8192xi32, #tpu.memory_space<vmem>>, vector<128x8192xi32>
      %eq3A_70 = vector.broadcast %broadcast_in_dim3A_30 : vector<128x1xi32> to vector<128x8192xi32>
      %eq3A_71 = arith.cmpi eq, %get3A_69, %eq3A_70 : vector<128x8192xi32>
      %get3A_72 = arith.constant 0 : index
      %get3A_73 = arith.constant 0 : index
      %get3A_74 = vector.load %arg5[%get3A_72, %get3A_73] : memref<128x8192xi32, #tpu.memory_space<vmem>>, vector<128x8192xi32>
      %jit3A_75 = arith.constant 2147483647 : i32
      %broadcast_in_dim3A_76 = vector.broadcast %jit3A_75 : i32 to vector<128x8192xi32>
      %select_n3A = arith.select %eq3A_71, %broadcast_in_dim3A_76, %get3A_74 : vector<128x8192xi1>, vector<128x8192xi32>
      %swap3A_77 = arith.constant 0 : index
      %swap3A_78 = arith.constant 0 : index
      %swap3A_79 = vector.load %arg5[%swap3A_77, %swap3A_78] : memref<128x8192xi32, #tpu.memory_space<vmem>>, vector<128x8192xi32>
      tpu.vector_store %arg5[%swap3A_77, %swap3A_78], %select_n3A {strides = array<i32>} : memref<128x8192xi32, #tpu.memory_space<vmem>>, vector<128x8192xi32>,
      %and3A_80 = arith.constant 8191 : i32
      %and3A_81 = vector.broadcast %and3A_80 : i32 to vector<128x1xi32>
      %and3A_82 = arith.andi %broadcast_in_dim3A_30, %and3A_81 : vector<128x1xi32>
      %shift_right_logical3A_83 = arith.constant 13 : i32
      %shift_right_logical3A_84 = vector.broadcast %shift_right_logical3A_83 : i32 to vector<128x1xi32>
      %shift_right_logical3A_85 = arith.shrui %broadcast_in_dim3A_30, %shift_right_logical3A_84 : vector<128x1xi32>
      %le3A_86 = arith.cmpi sle, %shift_right_logical3A_85, %add3A_35 : vector<128x1xi32>
      %select_n3A_87 = arith.select %le3A_86, %and3A_82, %and3A_66 : vector<128x1xi1>, vector<128x1xi32>
      %get3A_88 = arith.constant 0 : index
      %get3A_89 = arith.constant 0 : index
      %get3A_90 = vector.load %arg5[%get3A_88, %get3A_89] : memref<128x8192xi32, #tpu.memory_space<vmem>>, vector<128x8192xi32>
      %reduce_min3A_91 = arith.constant dense<2147483647> : vector<128xi32>
      %reduce_min3A_92 = vector.multi_reduction <minsi>, %get3A_90, %reduce_min3A_91 [1] : vector<128x8192xi32> to vector<128xi32>
      %broadcast_in_dim3A_93 = vector.shape_cast %reduce_min3A_92 : vector<128xi32> to vector<128x1xi32>
      %get3A_94 = arith.constant 0 : index
      %get3A_95 = arith.constant 0 : index
      %get3A_96 = vector.load %arg5[%get3A_94, %get3A_95] : memref<128x8192xi32, #tpu.memory_space<vmem>>, vector<128x8192xi32>
      %eq3A_97 = vector.broadcast %broadcast_in_dim3A_93 : vector<128x1xi32> to vector<128x8192xi32>
      %eq3A_98 = arith.cmpi eq, %get3A_96, %eq3A_97 : vector<128x8192xi32>
      %get3A_99 = arith.constant 0 : index
      %get3A_100 = arith.constant 0 : index
      %get3A_101 = vector.load %arg5[%get3A_99, %get3A_100] : memref<128x8192xi32, #tpu.memory_space<vmem>>, vector<128x8192xi32>
      %jit3A_102 = arith.constant 2147483647 : i32
      %broadcast_in_dim3A_103 = vector.broadcast %jit3A_102 : i32 to vector<128x8192xi32>
      %select_n3A_104 = arith.select %eq3A_98, %broadcast_in_dim3A_103, %get3A_101 : vector<128x8192xi1>, vector<128x8192xi32>
      %swap3A_105 = arith.constant 0 : index
      %swap3A_106 = arith.constant 0 : index
      %swap3A_107 = vector.load %arg5[%swap3A_105, %swap3A_106] : memref<128x8192xi32, #tpu.memory_space<vmem>>, vector<128x8192xi32>
      tpu.vector_store %arg5[%swap3A_105, %swap3A_106], %select_n3A_104 {strides = array<i32>} : memref<128x8192xi32, #tpu.memory_space<vmem>>, vector<128x8192xi32>,
      %and3A_108 = arith.constant 8191 : i32
      %and3A_109 = vector.broadcast %and3A_108 : i32 to vector<128x1xi32>
      %and3A_110 = arith.andi %broadcast_in_dim3A_93, %and3A_109 : vector<128x1xi32>
      %shift_right_logical3A_111 = arith.constant 13 : i32
      %shift_right_logical3A_112 = vector.broadcast %shift_right_logical3A_111 : i32 to vector<128x1xi32>
      %shift_right_logical3A_113 = arith.shrui %broadcast_in_dim3A_93, %shift_right_logical3A_112 : vector<128x1xi32>
      %le3A_114 = arith.cmpi sle, %shift_right_logical3A_113, %add3A_35 : vector<128x1xi32>
      %select_n3A_115 = arith.select %le3A_114, %and3A_110, %and3A_66 : vector<128x1xi1>, vector<128x1xi32>
      %get3A_116 = arith.constant 0 : index
      %get3A_117 = arith.constant 0 : index
      %get3A_118 = vector.load %arg5[%get3A_116, %get3A_117] : memref<128x8192xi32, #tpu.memory_space<vmem>>, vector<128x8192xi32>
      %reduce_min3A_119 = arith.constant dense<2147483647> : vector<128xi32>
      %reduce_min3A_120 = vector.multi_reduction <minsi>, %get3A_118, %reduce_min3A_119 [1] : vector<128x8192xi32> to vector<128xi32>
      %broadcast_in_dim3A_121 = vector.shape_cast %reduce_min3A_120 : vector<128xi32> to vector<128x1xi32>
      %get3A_122 = arith.constant 0 : index
      %get3A_123 = arith.constant 0 : index
      %get3A_124 = vector.load %arg5[%get3A_122, %get3A_123] : memref<128x8192xi32, #tpu.memory_space<vmem>>, vector<128x8192xi32>
      %eq3A_125 = vector.broadcast %broadcast_in_dim3A_121 : vector<128x1xi32> to vector<128x8192xi32>
      %eq3A_126 = arith.cmpi eq, %get3A_124, %eq3A_125 : vector<128x8192xi32>
      %get3A_127 = arith.constant 0 : index
      %get3A_128 = arith.constant 0 : index
      %get3A_129 = vector.load %arg5[%get3A_127, %get3A_128] : memref<128x8192xi32, #tpu.memory_space<vmem>>, vector<128x8192xi32>
      %jit3A_130 = arith.constant 2147483647 : i32
      %broadcast_in_dim3A_131 = vector.broadcast %jit3A_130 : i32 to vector<128x8192xi32>
      %select_n3A_132 = arith.select %eq3A_126, %broadcast_in_dim3A_131, %get3A_129 : vector<128x8192xi1>, vector<128x8192xi32>
      %swap3A_133 = arith.constant 0 : index
      %swap3A_134 = arith.constant 0 : index
      %swap3A_135 = vector.load %arg5[%swap3A_133, %swap3A_134] : memref<128x8192xi32, #tpu.memory_space<vmem>>, vector<128x8192xi32>
      tpu.vector_store %arg5[%swap3A_133, %swap3A_134], %select_n3A_132 {strides = array<i32>} : memref<128x8192xi32, #tpu.memory_space<vmem>>, vector<128x8192xi32>,
      %and3A_136 = arith.constant 8191 : i32
      %and3A_137 = vector.broadcast %and3A_136 : i32 to vector<128x1xi32>
      %and3A_138 = arith.andi %broadcast_in_dim3A_121, %and3A_137 : vector<128x1xi32>
      %shift_right_logical3A_139 = arith.constant 13 : i32
      %shift_right_logical3A_140 = vector.broadcast %shift_right_logical3A_139 : i32 to vector<128x1xi32>
      %shift_right_logical3A_141 = arith.shrui %broadcast_in_dim3A_121, %shift_right_logical3A_140 : vector<128x1xi32>
      %le3A_142 = arith.cmpi sle, %shift_right_logical3A_141, %add3A_35 : vector<128x1xi32>
      %select_n3A_143 = arith.select %le3A_142, %and3A_138, %and3A_66 : vector<128x1xi1>, vector<128x1xi32>
      %get3A_144 = arith.constant 0 : index
      %get3A_145 = arith.constant 0 : index
      %get3A_146 = vector.load %arg5[%get3A_144, %get3A_145] : memref<128x8192xi32, #tpu.memory_space<vmem>>, vector<128x8192xi32>
      %reduce_min3A_147 = arith.constant dense<2147483647> : vector<128xi32>
      %reduce_min3A_148 = vector.multi_reduction <minsi>, %get3A_146, %reduce_min3A_147 [1] : vector<128x8192xi32> to vector<128xi32>
      %broadcast_in_dim3A_149 = vector.shape_cast %reduce_min3A_148 : vector<128xi32> to vector<128x1xi32>
      %get3A_150 = arith.constant 0 : index
      %get3A_151 = arith.constant 0 : index
      %get3A_152 = vector.load %arg5[%get3A_150, %get3A_151] : memref<128x8192xi32, #tpu.memory_space<vmem>>, vector<128x8192xi32>
      %eq3A_153 = vector.broadcast %broadcast_in_dim3A_149 : vector<128x1xi32> to vector<128x8192xi32>
      %eq3A_154 = arith.cmpi eq, %get3A_152, %eq3A_153 : vector<128x8192xi32>
      %get3A_155 = arith.constant 0 : index
      %get3A_156 = arith.constant 0 : index
      %get3A_157 = vector.load %arg5[%get3A_155, %get3A_156] : memref<128x8192xi32, #tpu.memory_space<vmem>>, vector<128x8192xi32>
      %jit3A_158 = arith.constant 2147483647 : i32
      %broadcast_in_dim3A_159 = vector.broadcast %jit3A_158 : i32 to vector<128x8192xi32>
      %select_n3A_160 = arith.select %eq3A_154, %broadcast_in_dim3A_159, %get3A_157 : vector<128x8192xi1>, vector<128x8192xi32>
      %swap3A_161 = arith.constant 0 : index
      %swap3A_162 = arith.constant 0 : index
      %swap3A_163 = vector.load %arg5[%swap3A_161, %swap3A_162] : memref<128x8192xi32, #tpu.memory_space<vmem>>, vector<128x8192xi32>
      tpu.vector_store %arg5[%swap3A_161, %swap3A_162], %select_n3A_160 {strides = array<i32>} : memref<128x8192xi32, #tpu.memory_space<vmem>>, vector<128x8192xi32>,
      %and3A_164 = arith.constant 8191 : i32
      %and3A_165 = vector.broadcast %and3A_164 : i32 to vector<128x1xi32>
      %and3A_166 = arith.andi %broadcast_in_dim3A_149, %and3A_165 : vector<128x1xi32>
      %shift_right_logical3A_167 = arith.constant 13 : i32
      %shift_right_logical3A_168 = vector.broadcast %shift_right_logical3A_167 : i32 to vector<128x1xi32>
      %shift_right_logical3A_169 = arith.shrui %broadcast_in_dim3A_149, %shift_right_logical3A_168 : vector<128x1xi32>
      %le3A_170 = arith.cmpi sle, %shift_right_logical3A_169, %add3A_35 : vector<128x1xi32>
      %select_n3A_171 = arith.select %le3A_170, %and3A_166, %and3A_66 : vector<128x1xi1>, vector<128x1xi32>
      %get3A_172 = arith.constant 0 : index
      %get3A_173 = arith.constant 0 : index
      %get3A_174 = vector.load %arg5[%get3A_172, %get3A_173] : memref<128x8192xi32, #tpu.memory_space<vmem>>, vector<128x8192xi32>
      %reduce_min3A_175 = arith.constant dense<2147483647> : vector<128xi32>
      %reduce_min3A_176 = vector.multi_reduction <minsi>, %get3A_174, %reduce_min3A_175 [1] : vector<128x8192xi32> to vector<128xi32>
      %broadcast_in_dim3A_177 = vector.shape_cast %reduce_min3A_176 : vector<128xi32> to vector<128x1xi32>
      %get3A_178 = arith.constant 0 : index
      %get3A_179 = arith.constant 0 : index
      %get3A_180 = vector.load %arg5[%get3A_178, %get3A_179] : memref<128x8192xi32, #tpu.memory_space<vmem>>, vector<128x8192xi32>
      %eq3A_181 = vector.broadcast %broadcast_in_dim3A_177 : vector<128x1xi32> to vector<128x8192xi32>
      %eq3A_182 = arith.cmpi eq, %get3A_180, %eq3A_181 : vector<128x8192xi32>
      %get3A_183 = arith.constant 0 : index
      %get3A_184 = arith.constant 0 : index
      %get3A_185 = vector.load %arg5[%get3A_183, %get3A_184] : memref<128x8192xi32, #tpu.memory_space<vmem>>, vector<128x8192xi32>
      %jit3A_186 = arith.constant 2147483647 : i32
      %broadcast_in_dim3A_187 = vector.broadcast %jit3A_186 : i32 to vector<128x8192xi32>
      %select_n3A_188 = arith.select %eq3A_182, %broadcast_in_dim3A_187, %get3A_185 : vector<128x8192xi1>, vector<128x8192xi32>
      %swap3A_189 = arith.constant 0 : index
      %swap3A_190 = arith.constant 0 : index
      %swap3A_191 = vector.load %arg5[%swap3A_189, %swap3A_190] : memref<128x8192xi32, #tpu.memory_space<vmem>>, vector<128x8192xi32>
      tpu.vector_store %arg5[%swap3A_189, %swap3A_190], %select_n3A_188 {strides = array<i32>} : memref<128x8192xi32, #tpu.memory_space<vmem>>, vector<128x8192xi32>,
      %and3A_192 = arith.constant 8191 : i32
      %and3A_193 = vector.broadcast %and3A_192 : i32 to vector<128x1xi32>
      %and3A_194 = arith.andi %broadcast_in_dim3A_177, %and3A_193 : vector<128x1xi32>
      %shift_right_logical3A_195 = arith.constant 13 : i32
      %shift_right_logical3A_196 = vector.broadcast %shift_right_logical3A_195 : i32 to vector<128x1xi32>
      %shift_right_logical3A_197 = arith.shrui %broadcast_in_dim3A_177, %shift_right_logical3A_196 : vector<128x1xi32>
      %le3A_198 = arith.cmpi sle, %shift_right_logical3A_197, %add3A_35 : vector<128x1xi32>
      %select_n3A_199 = arith.select %le3A_198, %and3A_194, %and3A_66 : vector<128x1xi1>, vector<128x1xi32>
      %get3A_200 = arith.constant 0 : index
      %get3A_201 = arith.constant 0 : index
      %get3A_202 = vector.load %arg5[%get3A_200, %get3A_201] : memref<128x8192xi32, #tpu.memory_space<vmem>>, vector<128x8192xi32>
      %reduce_min3A_203 = arith.constant dense<2147483647> : vector<128xi32>
      %reduce_min3A_204 = vector.multi_reduction <minsi>, %get3A_202, %reduce_min3A_203 [1] : vector<128x8192xi32> to vector<128xi32>
      %broadcast_in_dim3A_205 = vector.shape_cast %reduce_min3A_204 : vector<128xi32> to vector<128x1xi32>
      %get3A_206 = arith.constant 0 : index
      %get3A_207 = arith.constant 0 : index
      %get3A_208 = vector.load %arg5[%get3A_206, %get3A_207] : memref<128x8192xi32, #tpu.memory_space<vmem>>, vector<128x8192xi32>
      %eq3A_209 = vector.broadcast %broadcast_in_dim3A_205 : vector<128x1xi32> to vector<128x8192xi32>
      %eq3A_210 = arith.cmpi eq, %get3A_208, %eq3A_209 : vector<128x8192xi32>
      %get3A_211 = arith.constant 0 : index
      %get3A_212 = arith.constant 0 : index
      %get3A_213 = vector.load %arg5[%get3A_211, %get3A_212] : memref<128x8192xi32, #tpu.memory_space<vmem>>, vector<128x8192xi32>
      %jit3A_214 = arith.constant 2147483647 : i32
      %broadcast_in_dim3A_215 = vector.broadcast %jit3A_214 : i32 to vector<128x8192xi32>
      %select_n3A_216 = arith.select %eq3A_210, %broadcast_in_dim3A_215, %get3A_213 : vector<128x8192xi1>, vector<128x8192xi32>
      %swap3A_217 = arith.constant 0 : index
      %swap3A_218 = arith.constant 0 : index
      %swap3A_219 = vector.load %arg5[%swap3A_217, %swap3A_218] : memref<128x8192xi32, #tpu.memory_space<vmem>>, vector<128x8192xi32>
      tpu.vector_store %arg5[%swap3A_217, %swap3A_218], %select_n3A_216 {strides = array<i32>} : memref<128x8192xi32, #tpu.memory_space<vmem>>, vector<128x8192xi32>,
      %and3A_220 = arith.constant 8191 : i32
      %and3A_221 = vector.broadcast %and3A_220 : i32 to vector<128x1xi32>
      %and3A_222 = arith.andi %broadcast_in_dim3A_205, %and3A_221 : vector<128x1xi32>
      %shift_right_logical3A_223 = arith.constant 13 : i32
      %shift_right_logical3A_224 = vector.broadcast %shift_right_logical3A_223 : i32 to vector<128x1xi32>
      %shift_right_logical3A_225 = arith.shrui %broadcast_in_dim3A_205, %shift_right_logical3A_224 : vector<128x1xi32>
      %le3A_226 = arith.cmpi sle, %shift_right_logical3A_225, %add3A_35 : vector<128x1xi32>
      %select_n3A_227 = arith.select %le3A_226, %and3A_222, %and3A_66 : vector<128x1xi1>, vector<128x1xi32>
      %concatenate3A = tpu.concatenate %select_n3A_87, %select_n3A_115, %select_n3A_143, %select_n3A_171, %select_n3A_199, %select_n3A_227, %and3A_66, %and3A_66 in 1 : vector<128x1xi32>, vector<128x1xi32>, vector<128x1xi32>, vector<128x1xi32>, vector<128x1xi32>, vector<128x1xi32>, vector<128x1xi32>, vector<128x1xi32> -> vector<128x8xi32>
      %swap3A_228 = arith.constant 0 : index
      %swap3A_229 = arith.constant 0 : index
      %swap3A_230 = vector.load %arg3[%swap3A_228, %swap3A_229] : memref<128x8xi32, #tpu.memory_space<vmem>>, vector<128x8xi32>
      tpu.vector_store %arg3[%swap3A_228, %swap3A_229], %concatenate3A {strides = array<i32>} : memref<128x8xi32, #tpu.memory_space<vmem>>, vector<128x8xi32>,
      %convert_element_type3A_231 = arith.sitofp %shift_right_logical3A_32 : vector<128x1xi32> to vector<128x1xf32>
      %sub3A = arith.constant 131071.5 : f32
      %sub3A_232 = vector.broadcast %sub3A : f32 to vector<128x1xf32>
      %sub3A_233 = arith.subf %convert_element_type3A_231, %sub3A_232 : vector<128x1xf32>
      %mul3A_234 = arith.constant 3.81469727E-6 : f32
      %mul3A_235 = vector.broadcast %mul3A_234 : f32 to vector<128x1xf32>
      %mul3A_236 = arith.mulf %sub3A_233, %mul3A_235 : vector<128x1xf32>
      %get3A_237 = arith.constant 0 : index
      %get3A_238 = arith.constant 0 : index
      %get3A_239 = vector.load %arg4[%get3A_237, %get3A_238] : memref<1x1xf32, #tpu.memory_space<vmem>>, vector<1x1xf32>
      %add3A_240 = arith.addf %mul3A_236, %mul3A_236 : vector<128x1xf32>
      %add3A_241 = arith.addf %add3A_240, %broadcast_in_dim3A : vector<128x1xf32>
      %reduce_sum3A_242 = vector.shape_cast %add3A_241 : vector<128x1xf32> to vector<1x128x1xf32>
      %reduce_sum3A_243 = arith.constant dense<0.000000e+00> : vector<1xf32>
      %reduce_sum3A_244 = vector.multi_reduction <add>, %reduce_sum3A_242, %reduce_sum3A_243 [1, 2] : vector<1x128x1xf32> to vector<1xf32>
      %reduce_sum3A_245 = vector.shape_cast %reduce_sum3A_244 : vector<1xf32> to vector<1x1x1xf32>
      %reduce_sum3A_246 = vector.extract %reduce_sum3A_245[0, 0, 0] : f32 from vector<1x1x1xf32>
      %reshape3A = vector.broadcast %reduce_sum3A_246 : f32 to vector<1x1xf32>
      %add3A_247 = arith.addf %get3A_239, %reshape3A : vector<1x1xf32>
      %swap3A_248 = arith.constant 0 : index
      %swap3A_249 = arith.constant 0 : index
      %swap3A_250 = vector.load %arg4[%swap3A_248, %swap3A_249] : memref<1x1xf32, #tpu.memory_space<vmem>>, vector<1x1xf32>
      tpu.vector_store %arg4[%swap3A_248, %swap3A_249], %add3A_247 {strides = array<i32>} : memref<1x1xf32, #tpu.memory_space<vmem>>, vector<1x1xf32>,
    } else {
    }
    %gt3A = arith.constant 6 : i32
    %gt3A_56 = arith.cmpi sgt, %reduce_max3A_50, %gt3A : i32
    %convert_element_type3A_57 = arith.extui %gt3A_56 : i1 to i32
    %cond3A_58 = arith.constant 0 : i32
    %cond3A_59 = arith.cmpi ne, %convert_element_type3A_57, %cond3A_58 : i32
    scf.if %cond3A_59 {
      %broadcast_in_dim3A_65 = arith.constant 0x7F800000 : f32
      %broadcast_in_dim3A_66 = vector.broadcast %broadcast_in_dim3A_65 : f32 to vector<128x2048xf32>
      %broadcast_in_dim3A_67 = arith.constant 0 : i32
      %broadcast_in_dim3A_68 = vector.broadcast %broadcast_in_dim3A_67 : i32 to vector<128x2048xi32>
      %get3A_69 = arith.constant 0 : index
      %get3A_70 = arith.constant 0 : index
      %get3A_71 = vector.load %arg1[%get3A_69, %get3A_70] : memref<128x32xf32, #tpu.memory_space<vmem>>, vector<128x1xf32>
      %get3A_72 = arith.constant 0 : index
      %get3A_73 = arith.constant 0 : index
      %get3A_74 = vector.load %arg2[%get3A_72, %get3A_73] : memref<32x8192xf32, #tpu.memory_space<vmem>>, vector<1x2048xf32>
      %add3A_75 = vector.broadcast %get3A_71 : vector<128x1xf32> to vector<128x2048xf32>
      %add3A_76 = vector.broadcast %get3A_74 : vector<1x2048xf32> to vector<128x2048xf32>
      %add3A_77 = arith.addf %add3A_75, %add3A_76 : vector<128x2048xf32>
      %mul3A_78 = arith.mulf %add3A_77, %add3A_77 : vector<128x2048xf32>
      %get3A_79 = arith.constant 0 : index
      %get3A_80 = arith.constant 8 : index
      %get3A_81 = vector.load %arg1[%get3A_79, %get3A_80] : memref<128x32xf32, #tpu.memory_space<vmem>>, vector<128x1xf32>
      %get3A_82 = arith.constant 8 : index
      %get3A_83 = arith.constant 0 : index
      %get3A_84 = vector.load %arg2[%get3A_82, %get3A_83] : memref<32x8192xf32, #tpu.memory_space<vmem>>, vector<1x2048xf32>
      %add3A_85 = vector.broadcast %get3A_81 : vector<128x1xf32> to vector<128x2048xf32>
      %add3A_86 = vector.broadcast %get3A_84 : vector<1x2048xf32> to vector<128x2048xf32>
      %add3A_87 = arith.addf %add3A_85, %add3A_86 : vector<128x2048xf32>
      %mul3A_88 = arith.mulf %add3A_87, %add3A_87 : vector<128x2048xf32>
      %add3A_89 = arith.addf %mul3A_78, %mul3A_88 : vector<128x2048xf32>
      %get3A_90 = arith.constant 0 : index
      %get3A_91 = arith.constant 16 : index
      %get3A_92 = vector.load %arg1[%get3A_90, %get3A_91] : memref<128x32xf32, #tpu.memory_space<vmem>>, vector<128x1xf32>
      %get3A_93 = arith.constant 16 : index
      %get3A_94 = arith.constant 0 : index
      %get3A_95 = vector.load %arg2[%get3A_93, %get3A_94] : memref<32x8192xf32, #tpu.memory_space<vmem>>, vector<1x2048xf32>
      %add3A_96 = vector.broadcast %get3A_92 : vector<128x1xf32> to vector<128x2048xf32>
      %add3A_97 = vector.broadcast %get3A_95 : vector<1x2048xf32> to vector<128x2048xf32>
      %add3A_98 = arith.addf %add3A_96, %add3A_97 : vector<128x2048xf32>
      %mul3A_99 = arith.mulf %add3A_98, %add3A_98 : vector<128x2048xf32>
      %add3A_100 = arith.addf %add3A_89, %mul3A_99 : vector<128x2048xf32>
      %get3A_101 = arith.constant 0 : index
      %get3A_102 = arith.constant 24 : index
      %get3A_103 = vector.load %arg1[%get3A_101, %get3A_102] : memref<128x32xf32, #tpu.memory_space<vmem>>, vector<128x1xf32>
      %get3A_104 = arith.constant 24 : index
      %get3A_105 = arith.constant 0 : index
      %get3A_106 = vector.load %arg2[%get3A_104, %get3A_105] : memref<32x8192xf32, #tpu.memory_space<vmem>>, vector<1x2048xf32>
      %add3A_107 = vector.broadcast %get3A_103 : vector<128x1xf32> to vector<128x2048xf32>
      %add3A_108 = vector.broadcast %get3A_106 : vector<1x2048xf32> to vector<128x2048xf32>
      %add3A_109 = arith.addf %add3A_107, %add3A_108 : vector<128x2048xf32>
      %mul3A_110 = arith.mulf %add3A_109, %add3A_109 : vector<128x2048xf32>
      %add3A_111 = arith.addf %add3A_100, %mul3A_110 : vector<128x2048xf32>
      %get3A_112 = arith.constant 0 : index
      %get3A_113 = arith.constant 1 : index
      %get3A_114 = vector.load %arg1[%get3A_112, %get3A_113] : memref<128x32xf32, #tpu.memory_space<vmem>>, vector<128x1xf32>
      %get3A_115 = arith.constant 1 : index
      %get3A_116 = arith.constant 0 : index
      %get3A_117 = vector.load %arg2[%get3A_115, %get3A_116] : memref<32x8192xf32, #tpu.memory_space<vmem>>, vector<1x2048xf32>
      %add3A_118 = vector.broadcast %get3A_114 : vector<128x1xf32> to vector<128x2048xf32>
      %add3A_119 = vector.broadcast %get3A_117 : vector<1x2048xf32> to vector<128x2048xf32>
      %add3A_120 = arith.addf %add3A_118, %add3A_119 : vector<128x2048xf32>
      %mul3A_121 = arith.mulf %add3A_120, %add3A_120 : vector<128x2048xf32>
      %get3A_122 = arith.constant 0 : index
      %get3A_123 = arith.constant 9 : index
      %get3A_124 = vector.load %arg1[%get3A_122, %get3A_123] : memref<128x32xf32, #tpu.memory_space<vmem>>, vector<128x1xf32>
      %get3A_125 = arith.constant 9 : index
      %get3A_126 = arith.constant 0 : index
      %get3A_127 = vector.load %arg2[%get3A_125, %get3A_126] : memref<32x8192xf32, #tpu.memory_space<vmem>>, vector<1x2048xf32>
      %add3A_128 = vector.broadcast %get3A_124 : vector<128x1xf32> to vector<128x2048xf32>
      %add3A_129 = vector.broadcast %get3A_127 : vector<1x2048xf32> to vector<128x2048xf32>
      %add3A_130 = arith.addf %add3A_128, %add3A_129 : vector<128x2048xf32>
      %mul3A_131 = arith.mulf %add3A_130, %add3A_130 : vector<128x2048xf32>
      %add3A_132 = arith.addf %mul3A_121, %mul3A_131 : vector<128x2048xf32>
      %get3A_133 = arith.constant 0 : index
      %get3A_134 = arith.constant 17 : index
      %get3A_135 = vector.load %arg1[%get3A_133, %get3A_134] : memref<128x32xf32, #tpu.memory_space<vmem>>, vector<128x1xf32>
      %get3A_136 = arith.constant 17 : index
      %get3A_137 = arith.constant 0 : index
      %get3A_138 = vector.load %arg2[%get3A_136, %get3A_137] : memref<32x8192xf32, #tpu.memory_space<vmem>>, vector<1x2048xf32>
      %add3A_139 = vector.broadcast %get3A_135 : vector<128x1xf32> to vector<128x2048xf32>
      %add3A_140 = vector.broadcast %get3A_138 : vector<1x2048xf32> to vector<128x2048xf32>
      %add3A_141 = arith.addf %add3A_139, %add3A_140 : vector<128x2048xf32>
      %mul3A_142 = arith.mulf %add3A_141, %add3A_141 : vector<128x2048xf32>
      %add3A_143 = arith.addf %add3A_132, %mul3A_142 : vector<128x2048xf32>
      %get3A_144 = arith.constant 0 : index
      %get3A_145 = arith.constant 25 : index
      %get3A_146 = vector.load %arg1[%get3A_144, %get3A_145] : memref<128x32xf32, #tpu.memory_space<vmem>>, vector<128x1xf32>
      %get3A_147 = arith.constant 25 : index
      %get3A_148 = arith.constant 0 : index
      %get3A_149 = vector.load %arg2[%get3A_147, %get3A_148] : memref<32x8192xf32, #tpu.memory_space<vmem>>, vector<1x2048xf32>
      %add3A_150 = vector.broadcast %get3A_146 : vector<128x1xf32> to vector<128x2048xf32>
      %add3A_151 = vector.broadcast %get3A_149 : vector<1x2048xf32> to vector<128x2048xf32>
      %add3A_152 = arith.addf %add3A_150, %add3A_151 : vector<128x2048xf32>
      %mul3A_153 = arith.mulf %add3A_152, %add3A_152 : vector<128x2048xf32>
      %add3A_154 = arith.addf %add3A_143, %mul3A_153 : vector<128x2048xf32>
      %get3A_155 = arith.constant 0 : index
      %get3A_156 = arith.constant 2 : index
      %get3A_157 = vector.load %arg1[%get3A_155, %get3A_156] : memref<128x32xf32, #tpu.memory_space<vmem>>, vector<128x1xf32>
      %get3A_158 = arith.constant 2 : index
      %get3A_159 = arith.constant 0 : index
      %get3A_160 = vector.load %arg2[%get3A_158, %get3A_159] : memref<32x8192xf32, #tpu.memory_space<vmem>>, vector<1x2048xf32>
      %add3A_161 = vector.broadcast %get3A_157 : vector<128x1xf32> to vector<128x2048xf32>
      %add3A_162 = vector.broadcast %get3A_160 : vector<1x2048xf32> to vector<128x2048xf32>
      %add3A_163 = arith.addf %add3A_161, %add3A_162 : vector<128x2048xf32>
      %mul3A_164 = arith.mulf %add3A_163, %add3A_163 : vector<128x2048xf32>
      %get3A_165 = arith.constant 0 : index
      %get3A_166 = arith.constant 10 : index
      %get3A_167 = vector.load %arg1[%get3A_165, %get3A_166] : memref<128x32xf32, #tpu.memory_space<vmem>>, vector<128x1xf32>
      %get3A_168 = arith.constant 10 : index
      %get3A_169 = arith.constant 0 : index
      %get3A_170 = vector.load %arg2[%get3A_168, %get3A_169] : memref<32x8192xf32, #tpu.memory_space<vmem>>, vector<1x2048xf32>
      %add3A_171 = vector.broadcast %get3A_167 : vector<128x1xf32> to vector<128x2048xf32>
      %add3A_172 = vector.broadcast %get3A_170 : vector<1x2048xf32> to vector<128x2048xf32>
      %add3A_173 = arith.addf %add3A_171, %add3A_172 : vector<128x2048xf32>
      %mul3A_174 = arith.mulf %add3A_173, %add3A_173 : vector<128x2048xf32>
      %add3A_175 = arith.addf %mul3A_164, %mul3A_174 : vector<128x2048xf32>
      %get3A_176 = arith.constant 0 : index
      %get3A_177 = arith.constant 18 : index
      %get3A_178 = vector.load %arg1[%get3A_176, %get3A_177] : memref<128x32xf32, #tpu.memory_space<vmem>>, vector<128x1xf32>
      %get3A_179 = arith.constant 18 : index
      %get3A_180 = arith.constant 0 : index
      %get3A_181 = vector.load %arg2[%get3A_179, %get3A_180] : memref<32x8192xf32, #tpu.memory_space<vmem>>, vector<1x2048xf32>
      %add3A_182 = vector.broadcast %get3A_178 : vector<128x1xf32> to vector<128x2048xf32>
      %add3A_183 = vector.broadcast %get3A_181 : vector<1x2048xf32> to vector<128x2048xf32>
      %add3A_184 = arith.addf %add3A_182, %add3A_183 : vector<128x2048xf32>
      %mul3A_185 = arith.mulf %add3A_184, %add3A_184 : vector<128x2048xf32>
      %add3A_186 = arith.addf %add3A_175, %mul3A_185 : vector<128x2048xf32>
      %get3A_187 = arith.constant 0 : index
      %get3A_188 = arith.constant 26 : index
      %get3A_189 = vector.load %arg1[%get3A_187, %get3A_188] : memref<128x32xf32, #tpu.memory_space<vmem>>, vector<128x1xf32>
      %get3A_190 = arith.constant 26 : index
      %get3A_191 = arith.constant 0 : index
      %get3A_192 = vector.load %arg2[%get3A_190, %get3A_191] : memref<32x8192xf32, #tpu.memory_space<vmem>>, vector<1x2048xf32>
      %add3A_193 = vector.broadcast %get3A_189 : vector<128x1xf32> to vector<128x2048xf32>
      %add3A_194 = vector.broadcast %get3A_192 : vector<1x2048xf32> to vector<128x2048xf32>
      %add3A_195 = arith.addf %add3A_193, %add3A_194 : vector<128x2048xf32>
      %mul3A_196 = arith.mulf %add3A_195, %add3A_195 : vector<128x2048xf32>
      %add3A_197 = arith.addf %add3A_186, %mul3A_196 : vector<128x2048xf32>
      %get3A_198 = arith.constant 0 : index
      %get3A_199 = arith.constant 3 : index
      %get3A_200 = vector.load %arg1[%get3A_198, %get3A_199] : memref<128x32xf32, #tpu.memory_space<vmem>>, vector<128x1xf32>
      %get3A_201 = arith.constant 3 : index
      %get3A_202 = arith.constant 0 : index
      %get3A_203 = vector.load %arg2[%get3A_201, %get3A_202] : memref<32x8192xf32, #tpu.memory_space<vmem>>, vector<1x2048xf32>
      %add3A_204 = vector.broadcast %get3A_200 : vector<128x1xf32> to vector<128x2048xf32>
      %add3A_205 = vector.broadcast %get3A_203 : vector<1x2048xf32> to vector<128x2048xf32>
      %add3A_206 = arith.addf %add3A_204, %add3A_205 : vector<128x2048xf32>
      %mul3A_207 = arith.mulf %add3A_206, %add3A_206 : vector<128x2048xf32>
      %get3A_208 = arith.constant 0 : index
      %get3A_209 = arith.constant 11 : index
      %get3A_210 = vector.load %arg1[%get3A_208, %get3A_209] : memref<128x32xf32, #tpu.memory_space<vmem>>, vector<128x1xf32>
      %get3A_211 = arith.constant 11 : index
      %get3A_212 = arith.constant 0 : index
      %get3A_213 = vector.load %arg2[%get3A_211, %get3A_212] : memref<32x8192xf32, #tpu.memory_space<vmem>>, vector<1x2048xf32>
      %add3A_214 = vector.broadcast %get3A_210 : vector<128x1xf32> to vector<128x2048xf32>
      %add3A_215 = vector.broadcast %get3A_213 : vector<1x2048xf32> to vector<128x2048xf32>
      %add3A_216 = arith.addf %add3A_214, %add3A_215 : vector<128x2048xf32>
      %mul3A_217 = arith.mulf %add3A_216, %add3A_216 : vector<128x2048xf32>
      %add3A_218 = arith.addf %mul3A_207, %mul3A_217 : vector<128x2048xf32>
      %get3A_219 = arith.constant 0 : index
      %get3A_220 = arith.constant 19 : index
      %get3A_221 = vector.load %arg1[%get3A_219, %get3A_220] : memref<128x32xf32, #tpu.memory_space<vmem>>, vector<128x1xf32>
      %get3A_222 = arith.constant 19 : index
      %get3A_223 = arith.constant 0 : index
      %get3A_224 = vector.load %arg2[%get3A_222, %get3A_223] : memref<32x8192xf32, #tpu.memory_space<vmem>>, vector<1x2048xf32>
      %add3A_225 = vector.broadcast %get3A_221 : vector<128x1xf32> to vector<128x2048xf32>
      %add3A_226 = vector.broadcast %get3A_224 : vector<1x2048xf32> to vector<128x2048xf32>
      %add3A_227 = arith.addf %add3A_225, %add3A_226 : vector<128x2048xf32>
      %mul3A_228 = arith.mulf %add3A_227, %add3A_227 : vector<128x2048xf32>
      %add3A_229 = arith.addf %add3A_218, %mul3A_228 : vector<128x2048xf32>
      %get3A_230 = arith.constant 0 : index
      %get3A_231 = arith.constant 27 : index
      %get3A_232 = vector.load %arg1[%get3A_230, %get3A_231] : memref<128x32xf32, #tpu.memory_space<vmem>>, vector<128x1xf32>
      %get3A_233 = arith.constant 27 : index
      %get3A_234 = arith.constant 0 : index
      %get3A_235 = vector.load %arg2[%get3A_233, %get3A_234] : memref<32x8192xf32, #tpu.memory_space<vmem>>, vector<1x2048xf32>
      %add3A_236 = vector.broadcast %get3A_232 : vector<128x1xf32> to vector<128x2048xf32>
      %add3A_237 = vector.broadcast %get3A_235 : vector<1x2048xf32> to vector<128x2048xf32>
      %add3A_238 = arith.addf %add3A_236, %add3A_237 : vector<128x2048xf32>
      %mul3A_239 = arith.mulf %add3A_238, %add3A_238 : vector<128x2048xf32>
      %add3A_240 = arith.addf %add3A_229, %mul3A_239 : vector<128x2048xf32>
      %get3A_241 = arith.constant 0 : index
      %get3A_242 = arith.constant 4 : index
      %get3A_243 = vector.load %arg1[%get3A_241, %get3A_242] : memref<128x32xf32, #tpu.memory_space<vmem>>, vector<128x1xf32>
      %get3A_244 = arith.constant 4 : index
      %get3A_245 = arith.constant 0 : index
      %get3A_246 = vector.load %arg2[%get3A_244, %get3A_245] : memref<32x8192xf32, #tpu.memory_space<vmem>>, vector<1x2048xf32>
      %add3A_247 = vector.broadcast %get3A_243 : vector<128x1xf32> to vector<128x2048xf32>
      %add3A_248 = vector.broadcast %get3A_246 : vector<1x2048xf32> to vector<128x2048xf32>
      %add3A_249 = arith.addf %add3A_247, %add3A_248 : vector<128x2048xf32>
      %mul3A_250 = arith.mulf %add3A_249, %add3A_249 : vector<128x2048xf32>
      %get3A_251 = arith.constant 0 : index
      %get3A_252 = arith.constant 12 : index
      %get3A_253 = vector.load %arg1[%get3A_251, %get3A_252] : memref<128x32xf32, #tpu.memory_space<vmem>>, vector<128x1xf32>
      %get3A_254 = arith.constant 12 : index
      %get3A_255 = arith.constant 0 : index
      %get3A_256 = vector.load %arg2[%get3A_254, %get3A_255] : memref<32x8192xf32, #tpu.memory_space<vmem>>, vector<1x2048xf32>
      %add3A_257 = vector.broadcast %get3A_253 : vector<128x1xf32> to vector<128x2048xf32>
      %add3A_258 = vector.broadcast %get3A_256 : vector<1x2048xf32> to vector<128x2048xf32>
      %add3A_259 = arith.addf %add3A_257, %add3A_258 : vector<128x2048xf32>
      %mul3A_260 = arith.mulf %add3A_259, %add3A_259 : vector<128x2048xf32>
      %add3A_261 = arith.addf %mul3A_250, %mul3A_260 : vector<128x2048xf32>
      %get3A_262 = arith.constant 0 : index
      %get3A_263 = arith.constant 20 : index
      %get3A_264 = vector.load %arg1[%get3A_262, %get3A_263] : memref<128x32xf32, #tpu.memory_space<vmem>>, vector<128x1xf32>
      %get3A_265 = arith.constant 20 : index
      %get3A_266 = arith.constant 0 : index
      %get3A_267 = vector.load %arg2[%get3A_265, %get3A_266] : memref<32x8192xf32, #tpu.memory_space<vmem>>, vector<1x2048xf32>
      %add3A_268 = vector.broadcast %get3A_264 : vector<128x1xf32> to vector<128x2048xf32>
      %add3A_269 = vector.broadcast %get3A_267 : vector<1x2048xf32> to vector<128x2048xf32>
      %add3A_270 = arith.addf %add3A_268, %add3A_269 : vector<128x2048xf32>
      %mul3A_271 = arith.mulf %add3A_270, %add3A_270 : vector<128x2048xf32>
      %add3A_272 = arith.addf %add3A_261, %mul3A_271 : vector<128x2048xf32>
      %get3A_273 = arith.constant 0 : index
      %get3A_274 = arith.constant 28 : index
      %get3A_275 = vector.load %arg1[%get3A_273, %get3A_274] : memref<128x32xf32, #tpu.memory_space<vmem>>, vector<128x1xf32>
      %get3A_276 = arith.constant 28 : index
      %get3A_277 = arith.constant 0 : index
      %get3A_278 = vector.load %arg2[%get3A_276, %get3A_277] : memref<32x8192xf32, #tpu.memory_space<vmem>>, vector<1x2048xf32>
      %add3A_279 = vector.broadcast %get3A_275 : vector<128x1xf32> to vector<128x2048xf32>
      %add3A_280 = vector.broadcast %get3A_278 : vector<1x2048xf32> to vector<128x2048xf32>
      %add3A_281 = arith.addf %add3A_279, %add3A_280 : vector<128x2048xf32>
      %mul3A_282 = arith.mulf %add3A_281, %add3A_281 : vector<128x2048xf32>
      %add3A_283 = arith.addf %add3A_272, %mul3A_282 : vector<128x2048xf32>
      %get3A_284 = arith.constant 0 : index
      %get3A_285 = arith.constant 5 : index
      %get3A_286 = vector.load %arg1[%get3A_284, %get3A_285] : memref<128x32xf32, #tpu.memory_space<vmem>>, vector<128x1xf32>
      %get3A_287 = arith.constant 5 : index
      %get3A_288 = arith.constant 0 : index
      %get3A_289 = vector.load %arg2[%get3A_287, %get3A_288] : memref<32x8192xf32, #tpu.memory_space<vmem>>, vector<1x2048xf32>
      %add3A_290 = vector.broadcast %get3A_286 : vector<128x1xf32> to vector<128x2048xf32>
      %add3A_291 = vector.broadcast %get3A_289 : vector<1x2048xf32> to vector<128x2048xf32>
      %add3A_292 = arith.addf %add3A_290, %add3A_291 : vector<128x2048xf32>
      %mul3A_293 = arith.mulf %add3A_292, %add3A_292 : vector<128x2048xf32>
      %get3A_294 = arith.constant 0 : index
      %get3A_295 = arith.constant 13 : index
      %get3A_296 = vector.load %arg1[%get3A_294, %get3A_295] : memref<128x32xf32, #tpu.memory_space<vmem>>, vector<128x1xf32>
      %get3A_297 = arith.constant 13 : index
      %get3A_298 = arith.constant 0 : index
      %get3A_299 = vector.load %arg2[%get3A_297, %get3A_298] : memref<32x8192xf32, #tpu.memory_space<vmem>>, vector<1x2048xf32>
      %add3A_300 = vector.broadcast %get3A_296 : vector<128x1xf32> to vector<128x2048xf32>
      %add3A_301 = vector.broadcast %get3A_299 : vector<1x2048xf32> to vector<128x2048xf32>
      %add3A_302 = arith.addf %add3A_300, %add3A_301 : vector<128x2048xf32>
      %mul3A_303 = arith.mulf %add3A_302, %add3A_302 : vector<128x2048xf32>
      %add3A_304 = arith.addf %mul3A_293, %mul3A_303 : vector<128x2048xf32>
      %get3A_305 = arith.constant 0 : index
      %get3A_306 = arith.constant 21 : index
      %get3A_307 = vector.load %arg1[%get3A_305, %get3A_306] : memref<128x32xf32, #tpu.memory_space<vmem>>, vector<128x1xf32>
      %get3A_308 = arith.constant 21 : index
      %get3A_309 = arith.constant 0 : index
      %get3A_310 = vector.load %arg2[%get3A_308, %get3A_309] : memref<32x8192xf32, #tpu.memory_space<vmem>>, vector<1x2048xf32>
      %add3A_311 = vector.broadcast %get3A_307 : vector<128x1xf32> to vector<128x2048xf32>
      %add3A_312 = vector.broadcast %get3A_310 : vector<1x2048xf32> to vector<128x2048xf32>
      %add3A_313 = arith.addf %add3A_311, %add3A_312 : vector<128x2048xf32>
      %mul3A_314 = arith.mulf %add3A_313, %add3A_313 : vector<128x2048xf32>
      %add3A_315 = arith.addf %add3A_304, %mul3A_314 : vector<128x2048xf32>
      %get3A_316 = arith.constant 0 : index
      %get3A_317 = arith.constant 29 : index
      %get3A_318 = vector.load %arg1[%get3A_316, %get3A_317] : memref<128x32xf32, #tpu.memory_space<vmem>>, vector<128x1xf32>
      %get3A_319 = arith.constant 29 : index
      %get3A_320 = arith.constant 0 : index
      %get3A_321 = vector.load %arg2[%get3A_319, %get3A_320] : memref<32x8192xf32, #tpu.memory_space<vmem>>, vector<1x2048xf32>
      %add3A_322 = vector.broadcast %get3A_318 : vector<128x1xf32> to vector<128x2048xf32>
      %add3A_323 = vector.broadcast %get3A_321 : vector<1x2048xf32> to vector<128x2048xf32>
      %add3A_324 = arith.addf %add3A_322, %add3A_323 : vector<128x2048xf32>
      %mul3A_325 = arith.mulf %add3A_324, %add3A_324 : vector<128x2048xf32>
      %add3A_326 = arith.addf %add3A_315, %mul3A_325 : vector<128x2048xf32>
      %get3A_327 = arith.constant 0 : index
      %get3A_328 = arith.constant 6 : index
      %get3A_329 = vector.load %arg1[%get3A_327, %get3A_328] : memref<128x32xf32, #tpu.memory_space<vmem>>, vector<128x1xf32>
      %get3A_330 = arith.constant 6 : index
      %get3A_331 = arith.constant 0 : index
      %get3A_332 = vector.load %arg2[%get3A_330, %get3A_331] : memref<32x8192xf32, #tpu.memory_space<vmem>>, vector<1x2048xf32>
      %add3A_333 = vector.broadcast %get3A_329 : vector<128x1xf32> to vector<128x2048xf32>
      %add3A_334 = vector.broadcast %get3A_332 : vector<1x2048xf32> to vector<128x2048xf32>
      %add3A_335 = arith.addf %add3A_333, %add3A_334 : vector<128x2048xf32>
      %mul3A_336 = arith.mulf %add3A_335, %add3A_335 : vector<128x2048xf32>
      %get3A_337 = arith.constant 0 : index
      %get3A_338 = arith.constant 14 : index
      %get3A_339 = vector.load %arg1[%get3A_337, %get3A_338] : memref<128x32xf32, #tpu.memory_space<vmem>>, vector<128x1xf32>
      %get3A_340 = arith.constant 14 : index
      %get3A_341 = arith.constant 0 : index
      %get3A_342 = vector.load %arg2[%get3A_340, %get3A_341] : memref<32x8192xf32, #tpu.memory_space<vmem>>, vector<1x2048xf32>
      %add3A_343 = vector.broadcast %get3A_339 : vector<128x1xf32> to vector<128x2048xf32>
      %add3A_344 = vector.broadcast %get3A_342 : vector<1x2048xf32> to vector<128x2048xf32>
      %add3A_345 = arith.addf %add3A_343, %add3A_344 : vector<128x2048xf32>
      %mul3A_346 = arith.mulf %add3A_345, %add3A_345 : vector<128x2048xf32>
      %add3A_347 = arith.addf %mul3A_336, %mul3A_346 : vector<128x2048xf32>
      %get3A_348 = arith.constant 0 : index
      %get3A_349 = arith.constant 22 : index
      %get3A_350 = vector.load %arg1[%get3A_348, %get3A_349] : memref<128x32xf32, #tpu.memory_space<vmem>>, vector<128x1xf32>
      %get3A_351 = arith.constant 22 : index
      %get3A_352 = arith.constant 0 : index
      %get3A_353 = vector.load %arg2[%get3A_351, %get3A_352] : memref<32x8192xf32, #tpu.memory_space<vmem>>, vector<1x2048xf32>
      %add3A_354 = vector.broadcast %get3A_350 : vector<128x1xf32> to vector<128x2048xf32>
      %add3A_355 = vector.broadcast %get3A_353 : vector<1x2048xf32> to vector<128x2048xf32>
      %add3A_356 = arith.addf %add3A_354, %add3A_355 : vector<128x2048xf32>
      %mul3A_357 = arith.mulf %add3A_356, %add3A_356 : vector<128x2048xf32>
      %add3A_358 = arith.addf %add3A_347, %mul3A_357 : vector<128x2048xf32>
      %get3A_359 = arith.constant 0 : index
      %get3A_360 = arith.constant 30 : index
      %get3A_361 = vector.load %arg1[%get3A_359, %get3A_360] : memref<128x32xf32, #tpu.memory_space<vmem>>, vector<128x1xf32>
      %get3A_362 = arith.constant 30 : index
      %get3A_363 = arith.constant 0 : index
      %get3A_364 = vector.load %arg2[%get3A_362, %get3A_363] : memref<32x8192xf32, #tpu.memory_space<vmem>>, vector<1x2048xf32>
      %add3A_365 = vector.broadcast %get3A_361 : vector<128x1xf32> to vector<128x2048xf32>
      %add3A_366 = vector.broadcast %get3A_364 : vector<1x2048xf32> to vector<128x2048xf32>
      %add3A_367 = arith.addf %add3A_365, %add3A_366 : vector<128x2048xf32>
      %mul3A_368 = arith.mulf %add3A_367, %add3A_367 : vector<128x2048xf32>
      %add3A_369 = arith.addf %add3A_358, %mul3A_368 : vector<128x2048xf32>
      %get3A_370 = arith.constant 0 : index
      %get3A_371 = arith.constant 7 : index
      %get3A_372 = vector.load %arg1[%get3A_370, %get3A_371] : memref<128x32xf32, #tpu.memory_space<vmem>>, vector<128x1xf32>
      %get3A_373 = arith.constant 7 : index
      %get3A_374 = arith.constant 0 : index
      %get3A_375 = vector.load %arg2[%get3A_373, %get3A_374] : memref<32x8192xf32, #tpu.memory_space<vmem>>, vector<1x2048xf32>
      %add3A_376 = vector.broadcast %get3A_372 : vector<128x1xf32> to vector<128x2048xf32>
      %add3A_377 = vector.broadcast %get3A_375 : vector<1x2048xf32> to vector<128x2048xf32>
      %add3A_378 = arith.addf %add3A_376, %add3A_377 : vector<128x2048xf32>
      %mul3A_379 = arith.mulf %add3A_378, %add3A_378 : vector<128x2048xf32>
      %get3A_380 = arith.constant 0 : index
      %get3A_381 = arith.constant 15 : index
      %get3A_382 = vector.load %arg1[%get3A_380, %get3A_381] : memref<128x32xf32, #tpu.memory_space<vmem>>, vector<128x1xf32>
      %get3A_383 = arith.constant 15 : index
      %get3A_384 = arith.constant 0 : index
      %get3A_385 = vector.load %arg2[%get3A_383, %get3A_384] : memref<32x8192xf32, #tpu.memory_space<vmem>>, vector<1x2048xf32>
      %add3A_386 = vector.broadcast %get3A_382 : vector<128x1xf32> to vector<128x2048xf32>
      %add3A_387 = vector.broadcast %get3A_385 : vector<1x2048xf32> to vector<128x2048xf32>
      %add3A_388 = arith.addf %add3A_386, %add3A_387 : vector<128x2048xf32>
      %mul3A_389 = arith.mulf %add3A_388, %add3A_388 : vector<128x2048xf32>
      %add3A_390 = arith.addf %mul3A_379, %mul3A_389 : vector<128x2048xf32>
      %get3A_391 = arith.constant 0 : index
      %get3A_392 = arith.constant 23 : index
      %get3A_393 = vector.load %arg1[%get3A_391, %get3A_392] : memref<128x32xf32, #tpu.memory_space<vmem>>, vector<128x1xf32>
      %get3A_394 = arith.constant 23 : index
      %get3A_395 = arith.constant 0 : index
      %get3A_396 = vector.load %arg2[%get3A_394, %get3A_395] : memref<32x8192xf32, #tpu.memory_space<vmem>>, vector<1x2048xf32>
      %add3A_397 = vector.broadcast %get3A_393 : vector<128x1xf32> to vector<128x2048xf32>
      %add3A_398 = vector.broadcast %get3A_396 : vector<1x2048xf32> to vector<128x2048xf32>
      %add3A_399 = arith.addf %add3A_397, %add3A_398 : vector<128x2048xf32>
      %mul3A_400 = arith.mulf %add3A_399, %add3A_399 : vector<128x2048xf32>
      %add3A_401 = arith.addf %add3A_390, %mul3A_400 : vector<128x2048xf32>
      %get3A_402 = arith.constant 0 : index
      %get3A_403 = arith.constant 31 : index
      %get3A_404 = vector.load %arg1[%get3A_402, %get3A_403] : memref<128x32xf32, #tpu.memory_space<vmem>>, vector<128x1xf32>
      %get3A_405 = arith.constant 31 : index
      %get3A_406 = arith.constant 0 : index
      %get3A_407 = vector.load %arg2[%get3A_405, %get3A_406] : memref<32x8192xf32, #tpu.memory_space<vmem>>, vector<1x2048xf32>
      %add3A_408 = vector.broadcast %get3A_404 : vector<128x1xf32> to vector<128x2048xf32>
      %add3A_409 = vector.broadcast %get3A_407 : vector<1x2048xf32> to vector<128x2048xf32>
      %add3A_410 = arith.addf %add3A_408, %add3A_409 : vector<128x2048xf32>
      %mul3A_411 = arith.mulf %add3A_410, %add3A_410 : vector<128x2048xf32>
      %add3A_412 = arith.addf %add3A_401, %mul3A_411 : vector<128x2048xf32>
      %add3A_413 = arith.addf %add3A_111, %add3A_283 : vector<128x2048xf32>
      %add3A_414 = arith.addf %add3A_154, %add3A_326 : vector<128x2048xf32>
      %add3A_415 = arith.addf %add3A_197, %add3A_369 : vector<128x2048xf32>
      %add3A_416 = arith.addf %add3A_240, %add3A_412 : vector<128x2048xf32>
      %add3A_417 = arith.addf %add3A_413, %add3A_415 : vector<128x2048xf32>
      %add3A_418 = arith.addf %add3A_414, %add3A_416 : vector<128x2048xf32>
      %add3A_419 = arith.addf %add3A_417, %add3A_418 : vector<128x2048xf32>
      %iota3A_420 = tpu.iota {dimensions = array<i32: 1>} : vector<128x2048xi32>
      %add3A_421 = arith.constant 0 : i32
      %add3A_422 = vector.broadcast %add3A_421 : i32 to vector<128x2048xi32>
      %add3A_423 = arith.addi %iota3A_420, %add3A_422 : vector<128x2048xi32>
      %lt3A = arith.cmpf olt, %add3A_419, %broadcast_in_dim3A_66 : vector<128x2048xf32>
      %select_n3A = arith.select %lt3A, %add3A_419, %broadcast_in_dim3A_66 : vector<128x2048xi1>, vector<128x2048xf32>
      %select_n3A_424 = arith.select %lt3A, %add3A_423, %broadcast_in_dim3A_68 : vector<128x2048xi1>, vector<128x2048xi32>
      %get3A_425 = arith.constant 0 : index
      %get3A_426 = arith.constant 0 : index
      %get3A_427 = vector.load %arg1[%get3A_425, %get3A_426] : memref<128x32xf32, #tpu.memory_space<vmem>>, vector<128x1xf32>
      %get3A_428 = arith.constant 0 : index
      %get3A_429 = arith.constant 2048 : index
      %get3A_430 = vector.load %arg2[%get3A_428, %get3A_429] : memref<32x8192xf32, #tpu.memory_space<vmem>>, vector<1x2048xf32>
      %add3A_431 = vector.broadcast %get3A_427 : vector<128x1xf32> to vector<128x2048xf32>
      %add3A_432 = vector.broadcast %get3A_430 : vector<1x2048xf32> to vector<128x2048xf32>
      %add3A_433 = arith.addf %add3A_431, %add3A_432 : vector<128x2048xf32>
      %mul3A_434 = arith.mulf %add3A_433, %add3A_433 : vector<128x2048xf32>
      %get3A_435 = arith.constant 0 : index
      %get3A_436 = arith.constant 8 : index
      %get3A_437 = vector.load %arg1[%get3A_435, %get3A_436] : memref<128x32xf32, #tpu.memory_space<vmem>>, vector<128x1xf32>
      %get3A_438 = arith.constant 8 : index
      %get3A_439 = arith.constant 2048 : index
      %get3A_440 = vector.load %arg2[%get3A_438, %get3A_439] : memref<32x8192xf32, #tpu.memory_space<vmem>>, vector<1x2048xf32>
      %add3A_441 = vector.broadcast %get3A_437 : vector<128x1xf32> to vector<128x2048xf32>
      %add3A_442 = vector.broadcast %get3A_440 : vector<1x2048xf32> to vector<128x2048xf32>
      %add3A_443 = arith.addf %add3A_441, %add3A_442 : vector<128x2048xf32>
      %mul3A_444 = arith.mulf %add3A_443, %add3A_443 : vector<128x2048xf32>
      %add3A_445 = arith.addf %mul3A_434, %mul3A_444 : vector<128x2048xf32>
      %get3A_446 = arith.constant 0 : index
      %get3A_447 = arith.constant 16 : index
      %get3A_448 = vector.load %arg1[%get3A_446, %get3A_447] : memref<128x32xf32, #tpu.memory_space<vmem>>, vector<128x1xf32>
      %get3A_449 = arith.constant 16 : index
      %get3A_450 = arith.constant 2048 : index
      %get3A_451 = vector.load %arg2[%get3A_449, %get3A_450] : memref<32x8192xf32, #tpu.memory_space<vmem>>, vector<1x2048xf32>
      %add3A_452 = vector.broadcast %get3A_448 : vector<128x1xf32> to vector<128x2048xf32>
      %add3A_453 = vector.broadcast %get3A_451 : vector<1x2048xf32> to vector<128x2048xf32>
      %add3A_454 = arith.addf %add3A_452, %add3A_453 : vector<128x2048xf32>
      %mul3A_455 = arith.mulf %add3A_454, %add3A_454 : vector<128x2048xf32>
      %add3A_456 = arith.addf %add3A_445, %mul3A_455 : vector<128x2048xf32>
      %get3A_457 = arith.constant 0 : index
      %get3A_458 = arith.constant 24 : index
      %get3A_459 = vector.load %arg1[%get3A_457, %get3A_458] : memref<128x32xf32, #tpu.memory_space<vmem>>, vector<128x1xf32>
      %get3A_460 = arith.constant 24 : index
      %get3A_461 = arith.constant 2048 : index
      %get3A_462 = vector.load %arg2[%get3A_460, %get3A_461] : memref<32x8192xf32, #tpu.memory_space<vmem>>, vector<1x2048xf32>
      %add3A_463 = vector.broadcast %get3A_459 : vector<128x1xf32> to vector<128x2048xf32>
      %add3A_464 = vector.broadcast %get3A_462 : vector<1x2048xf32> to vector<128x2048xf32>
      %add3A_465 = arith.addf %add3A_463, %add3A_464 : vector<128x2048xf32>
      %mul3A_466 = arith.mulf %add3A_465, %add3A_465 : vector<128x2048xf32>
      %add3A_467 = arith.addf %add3A_456, %mul3A_466 : vector<128x2048xf32>
      %get3A_468 = arith.constant 0 : index
      %get3A_469 = arith.constant 1 : index
      %get3A_470 = vector.load %arg1[%get3A_468, %get3A_469] : memref<128x32xf32, #tpu.memory_space<vmem>>, vector<128x1xf32>
      %get3A_471 = arith.constant 1 : index
      %get3A_472 = arith.constant 2048 : index
      %get3A_473 = vector.load %arg2[%get3A_471, %get3A_472] : memref<32x8192xf32, #tpu.memory_space<vmem>>, vector<1x2048xf32>
      %add3A_474 = vector.broadcast %get3A_470 : vector<128x1xf32> to vector<128x2048xf32>
      %add3A_475 = vector.broadcast %get3A_473 : vector<1x2048xf32> to vector<128x2048xf32>
      %add3A_476 = arith.addf %add3A_474, %add3A_475 : vector<128x2048xf32>
      %mul3A_477 = arith.mulf %add3A_476, %add3A_476 : vector<128x2048xf32>
      %get3A_478 = arith.constant 0 : index
      %get3A_479 = arith.constant 9 : index
      %get3A_480 = vector.load %arg1[%get3A_478, %get3A_479] : memref<128x32xf32, #tpu.memory_space<vmem>>, vector<128x1xf32>
      %get3A_481 = arith.constant 9 : index
      %get3A_482 = arith.constant 2048 : index
      %get3A_483 = vector.load %arg2[%get3A_481, %get3A_482] : memref<32x8192xf32, #tpu.memory_space<vmem>>, vector<1x2048xf32>
      %add3A_484 = vector.broadcast %get3A_480 : vector<128x1xf32> to vector<128x2048xf32>
      %add3A_485 = vector.broadcast %get3A_483 : vector<1x2048xf32> to vector<128x2048xf32>
      %add3A_486 = arith.addf %add3A_484, %add3A_485 : vector<128x2048xf32>
      %mul3A_487 = arith.mulf %add3A_486, %add3A_486 : vector<128x2048xf32>
      %add3A_488 = arith.addf %mul3A_477, %mul3A_487 : vector<128x2048xf32>
      %get3A_489 = arith.constant 0 : index
      %get3A_490 = arith.constant 17 : index
      %get3A_491 = vector.load %arg1[%get3A_489, %get3A_490] : memref<128x32xf32, #tpu.memory_space<vmem>>, vector<128x1xf32>
      %get3A_492 = arith.constant 17 : index
      %get3A_493 = arith.constant 2048 : index
      %get3A_494 = vector.load %arg2[%get3A_492, %get3A_493] : memref<32x8192xf32, #tpu.memory_space<vmem>>, vector<1x2048xf32>
      %add3A_495 = vector.broadcast %get3A_491 : vector<128x1xf32> to vector<128x2048xf32>
      %add3A_496 = vector.broadcast %get3A_494 : vector<1x2048xf32> to vector<128x2048xf32>
      %add3A_497 = arith.addf %add3A_495, %add3A_496 : vector<128x2048xf32>
      %mul3A_498 = arith.mulf %add3A_497, %add3A_497 : vector<128x2048xf32>
      %add3A_499 = arith.addf %add3A_488, %mul3A_498 : vector<128x2048xf32>
      %get3A_500 = arith.constant 0 : index
      %get3A_501 = arith.constant 25 : index
      %get3A_502 = vector.load %arg1[%get3A_500, %get3A_501] : memref<128x32xf32, #tpu.memory_space<vmem>>, vector<128x1xf32>
      %get3A_503 = arith.constant 25 : index
      %get3A_504 = arith.constant 2048 : index
      %get3A_505 = vector.load %arg2[%get3A_503, %get3A_504] : memref<32x8192xf32, #tpu.memory_space<vmem>>, vector<1x2048xf32>
      %add3A_506 = vector.broadcast %get3A_502 : vector<128x1xf32> to vector<128x2048xf32>
      %add3A_507 = vector.broadcast %get3A_505 : vector<1x2048xf32> to vector<128x2048xf32>
      %add3A_508 = arith.addf %add3A_506, %add3A_507 : vector<128x2048xf32>
      %mul3A_509 = arith.mulf %add3A_508, %add3A_508 : vector<128x2048xf32>
      %add3A_510 = arith.addf %add3A_499, %mul3A_509 : vector<128x2048xf32>
      %get3A_511 = arith.constant 0 : index
      %get3A_512 = arith.constant 2 : index
      %get3A_513 = vector.load %arg1[%get3A_511, %get3A_512] : memref<128x32xf32, #tpu.memory_space<vmem>>, vector<128x1xf32>
      %get3A_514 = arith.constant 2 : index
      %get3A_515 = arith.constant 2048 : index
      %get3A_516 = vector.load %arg2[%get3A_514, %get3A_515] : memref<32x8192xf32, #tpu.memory_space<vmem>>, vector<1x2048xf32>
      %add3A_517 = vector.broadcast %get3A_513 : vector<128x1xf32> to vector<128x2048xf32>
      %add3A_518 = vector.broadcast %get3A_516 : vector<1x2048xf32> to vector<128x2048xf32>
      %add3A_519 = arith.addf %add3A_517, %add3A_518 : vector<128x2048xf32>
      %mul3A_520 = arith.mulf %add3A_519, %add3A_519 : vector<128x2048xf32>
      %get3A_521 = arith.constant 0 : index
      %get3A_522 = arith.constant 10 : index
      %get3A_523 = vector.load %arg1[%get3A_521, %get3A_522] : memref<128x32xf32, #tpu.memory_space<vmem>>, vector<128x1xf32>
      %get3A_524 = arith.constant 10 : index
      %get3A_525 = arith.constant 2048 : index
      %get3A_526 = vector.load %arg2[%get3A_524, %get3A_525] : memref<32x8192xf32, #tpu.memory_space<vmem>>, vector<1x2048xf32>
      %add3A_527 = vector.broadcast %get3A_523 : vector<128x1xf32> to vector<128x2048xf32>
      %add3A_528 = vector.broadcast %get3A_526 : vector<1x2048xf32> to vector<128x2048xf32>
      %add3A_529 = arith.addf %add3A_527, %add3A_528 : vector<128x2048xf32>
      %mul3A_530 = arith.mulf %add3A_529, %add3A_529 : vector<128x2048xf32>
      %add3A_531 = arith.addf %mul3A_520, %mul3A_530 : vector<128x2048xf32>
      %get3A_532 = arith.constant 0 : index
      %get3A_533 = arith.constant 18 : index
      %get3A_534 = vector.load %arg1[%get3A_532, %get3A_533] : memref<128x32xf32, #tpu.memory_space<vmem>>, vector<128x1xf32>
      %get3A_535 = arith.constant 18 : index
      %get3A_536 = arith.constant 2048 : index
      %get3A_537 = vector.load %arg2[%get3A_535, %get3A_536] : memref<32x8192xf32, #tpu.memory_space<vmem>>, vector<1x2048xf32>
      %add3A_538 = vector.broadcast %get3A_534 : vector<128x1xf32> to vector<128x2048xf32>
      %add3A_539 = vector.broadcast %get3A_537 : vector<1x2048xf32> to vector<128x2048xf32>
      %add3A_540 = arith.addf %add3A_538, %add3A_539 : vector<128x2048xf32>
      %mul3A_541 = arith.mulf %add3A_540, %add3A_540 : vector<128x2048xf32>
      %add3A_542 = arith.addf %add3A_531, %mul3A_541 : vector<128x2048xf32>
      %get3A_543 = arith.constant 0 : index
      %get3A_544 = arith.constant 26 : index
      %get3A_545 = vector.load %arg1[%get3A_543, %get3A_544] : memref<128x32xf32, #tpu.memory_space<vmem>>, vector<128x1xf32>
      %get3A_546 = arith.constant 26 : index
      %get3A_547 = arith.constant 2048 : index
      %get3A_548 = vector.load %arg2[%get3A_546, %get3A_547] : memref<32x8192xf32, #tpu.memory_space<vmem>>, vector<1x2048xf32>
      %add3A_549 = vector.broadcast %get3A_545 : vector<128x1xf32> to vector<128x2048xf32>
      %add3A_550 = vector.broadcast %get3A_548 : vector<1x2048xf32> to vector<128x2048xf32>
      %add3A_551 = arith.addf %add3A_549, %add3A_550 : vector<128x2048xf32>
      %mul3A_552 = arith.mulf %add3A_551, %add3A_551 : vector<128x2048xf32>
      %add3A_553 = arith.addf %add3A_542, %mul3A_552 : vector<128x2048xf32>
      %get3A_554 = arith.constant 0 : index
      %get3A_555 = arith.constant 3 : index
      %get3A_556 = vector.load %arg1[%get3A_554, %get3A_555] : memref<128x32xf32, #tpu.memory_space<vmem>>, vector<128x1xf32>
      %get3A_557 = arith.constant 3 : index
      %get3A_558 = arith.constant 2048 : index
      %get3A_559 = vector.load %arg2[%get3A_557, %get3A_558] : memref<32x8192xf32, #tpu.memory_space<vmem>>, vector<1x2048xf32>
      %add3A_560 = vector.broadcast %get3A_556 : vector<128x1xf32> to vector<128x2048xf32>
      %add3A_561 = vector.broadcast %get3A_559 : vector<1x2048xf32> to vector<128x2048xf32>
      %add3A_562 = arith.addf %add3A_560, %add3A_561 : vector<128x2048xf32>
      %mul3A_563 = arith.mulf %add3A_562, %add3A_562 : vector<128x2048xf32>
      %get3A_564 = arith.constant 0 : index
      %get3A_565 = arith.constant 11 : index
      %get3A_566 = vector.load %arg1[%get3A_564, %get3A_565] : memref<128x32xf32, #tpu.memory_space<vmem>>, vector<128x1xf32>
      %get3A_567 = arith.constant 11 : index
      %get3A_568 = arith.constant 2048 : index
      %get3A_569 = vector.load %arg2[%get3A_567, %get3A_568] : memref<32x8192xf32, #tpu.memory_space<vmem>>, vector<1x2048xf32>
      %add3A_570 = vector.broadcast %get3A_566 : vector<128x1xf32> to vector<128x2048xf32>
      %add3A_571 = vector.broadcast %get3A_569 : vector<1x2048xf32> to vector<128x2048xf32>
      %add3A_572 = arith.addf %add3A_570, %add3A_571 : vector<128x2048xf32>
      %mul3A_573 = arith.mulf %add3A_572, %add3A_572 : vector<128x2048xf32>
      %add3A_574 = arith.addf %mul3A_563, %mul3A_573 : vector<128x2048xf32>
      %get3A_575 = arith.constant 0 : index
      %get3A_576 = arith.constant 19 : index
      %get3A_577 = vector.load %arg1[%get3A_575, %get3A_576] : memref<128x32xf32, #tpu.memory_space<vmem>>, vector<128x1xf32>
      %get3A_578 = arith.constant 19 : index
      %get3A_579 = arith.constant 2048 : index
      %get3A_580 = vector.load %arg2[%get3A_578, %get3A_579] : memref<32x8192xf32, #tpu.memory_space<vmem>>, vector<1x2048xf32>
      %add3A_581 = vector.broadcast %get3A_577 : vector<128x1xf32> to vector<128x2048xf32>
      %add3A_582 = vector.broadcast %get3A_580 : vector<1x2048xf32> to vector<128x2048xf32>
      %add3A_583 = arith.addf %add3A_581, %add3A_582 : vector<128x2048xf32>
      %mul3A_584 = arith.mulf %add3A_583, %add3A_583 : vector<128x2048xf32>
      %add3A_585 = arith.addf %add3A_574, %mul3A_584 : vector<128x2048xf32>
      %get3A_586 = arith.constant 0 : index
      %get3A_587 = arith.constant 27 : index
      %get3A_588 = vector.load %arg1[%get3A_586, %get3A_587] : memref<128x32xf32, #tpu.memory_space<vmem>>, vector<128x1xf32>
      %get3A_589 = arith.constant 27 : index
      %get3A_590 = arith.constant 2048 : index
      %get3A_591 = vector.load %arg2[%get3A_589, %get3A_590] : memref<32x8192xf32, #tpu.memory_space<vmem>>, vector<1x2048xf32>
      %add3A_592 = vector.broadcast %get3A_588 : vector<128x1xf32> to vector<128x2048xf32>
      %add3A_593 = vector.broadcast %get3A_591 : vector<1x2048xf32> to vector<128x2048xf32>
      %add3A_594 = arith.addf %add3A_592, %add3A_593 : vector<128x2048xf32>
      %mul3A_595 = arith.mulf %add3A_594, %add3A_594 : vector<128x2048xf32>
      %add3A_596 = arith.addf %add3A_585, %mul3A_595 : vector<128x2048xf32>
      %get3A_597 = arith.constant 0 : index
      %get3A_598 = arith.constant 4 : index
      %get3A_599 = vector.load %arg1[%get3A_597, %get3A_598] : memref<128x32xf32, #tpu.memory_space<vmem>>, vector<128x1xf32>
      %get3A_600 = arith.constant 4 : index
      %get3A_601 = arith.constant 2048 : index
      %get3A_602 = vector.load %arg2[%get3A_600, %get3A_601] : memref<32x8192xf32, #tpu.memory_space<vmem>>, vector<1x2048xf32>
      %add3A_603 = vector.broadcast %get3A_599 : vector<128x1xf32> to vector<128x2048xf32>
      %add3A_604 = vector.broadcast %get3A_602 : vector<1x2048xf32> to vector<128x2048xf32>
      %add3A_605 = arith.addf %add3A_603, %add3A_604 : vector<128x2048xf32>
      %mul3A_606 = arith.mulf %add3A_605, %add3A_605 : vector<128x2048xf32>
      %get3A_607 = arith.constant 0 : index
      %get3A_608 = arith.constant 12 : index
      %get3A_609 = vector.load %arg1[%get3A_607, %get3A_608] : memref<128x32xf32, #tpu.memory_space<vmem>>, vector<128x1xf32>
      %get3A_610 = arith.constant 12 : index
      %get3A_611 = arith.constant 2048 : index
      %get3A_612 = vector.load %arg2[%get3A_610, %get3A_611] : memref<32x8192xf32, #tpu.memory_space<vmem>>, vector<1x2048xf32>
      %add3A_613 = vector.broadcast %get3A_609 : vector<128x1xf32> to vector<128x2048xf32>
      %add3A_614 = vector.broadcast %get3A_612 : vector<1x2048xf32> to vector<128x2048xf32>
      %add3A_615 = arith.addf %add3A_613, %add3A_614 : vector<128x2048xf32>
      %mul3A_616 = arith.mulf %add3A_615, %add3A_615 : vector<128x2048xf32>
      %add3A_617 = arith.addf %mul3A_606, %mul3A_616 : vector<128x2048xf32>
      %get3A_618 = arith.constant 0 : index
      %get3A_619 = arith.constant 20 : index
      %get3A_620 = vector.load %arg1[%get3A_618, %get3A_619] : memref<128x32xf32, #tpu.memory_space<vmem>>, vector<128x1xf32>
      %get3A_621 = arith.constant 20 : index
      %get3A_622 = arith.constant 2048 : index
      %get3A_623 = vector.load %arg2[%get3A_621, %get3A_622] : memref<32x8192xf32, #tpu.memory_space<vmem>>, vector<1x2048xf32>
      %add3A_624 = vector.broadcast %get3A_620 : vector<128x1xf32> to vector<128x2048xf32>
      %add3A_625 = vector.broadcast %get3A_623 : vector<1x2048xf32> to vector<128x2048xf32>
      %add3A_626 = arith.addf %add3A_624, %add3A_625 : vector<128x2048xf32>
      %mul3A_627 = arith.mulf %add3A_626, %add3A_626 : vector<128x2048xf32>
      %add3A_628 = arith.addf %add3A_617, %mul3A_627 : vector<128x2048xf32>
      %get3A_629 = arith.constant 0 : index
      %get3A_630 = arith.constant 28 : index
      %get3A_631 = vector.load %arg1[%get3A_629, %get3A_630] : memref<128x32xf32, #tpu.memory_space<vmem>>, vector<128x1xf32>
      %get3A_632 = arith.constant 28 : index
      %get3A_633 = arith.constant 2048 : index
      %get3A_634 = vector.load %arg2[%get3A_632, %get3A_633] : memref<32x8192xf32, #tpu.memory_space<vmem>>, vector<1x2048xf32>
      %add3A_635 = vector.broadcast %get3A_631 : vector<128x1xf32> to vector<128x2048xf32>
      %add3A_636 = vector.broadcast %get3A_634 : vector<1x2048xf32> to vector<128x2048xf32>
      %add3A_637 = arith.addf %add3A_635, %add3A_636 : vector<128x2048xf32>
      %mul3A_638 = arith.mulf %add3A_637, %add3A_637 : vector<128x2048xf32>
      %add3A_639 = arith.addf %add3A_628, %mul3A_638 : vector<128x2048xf32>
      %get3A_640 = arith.constant 0 : index
      %get3A_641 = arith.constant 5 : index
      %get3A_642 = vector.load %arg1[%get3A_640, %get3A_641] : memref<128x32xf32, #tpu.memory_space<vmem>>, vector<128x1xf32>
      %get3A_643 = arith.constant 5 : index
      %get3A_644 = arith.constant 2048 : index
      %get3A_645 = vector.load %arg2[%get3A_643, %get3A_644] : memref<32x8192xf32, #tpu.memory_space<vmem>>, vector<1x2048xf32>
      %add3A_646 = vector.broadcast %get3A_642 : vector<128x1xf32> to vector<128x2048xf32>
      %add3A_647 = vector.broadcast %get3A_645 : vector<1x2048xf32> to vector<128x2048xf32>
      %add3A_648 = arith.addf %add3A_646, %add3A_647 : vector<128x2048xf32>
      %mul3A_649 = arith.mulf %add3A_648, %add3A_648 : vector<128x2048xf32>
      %get3A_650 = arith.constant 0 : index
      %get3A_651 = arith.constant 13 : index
      %get3A_652 = vector.load %arg1[%get3A_650, %get3A_651] : memref<128x32xf32, #tpu.memory_space<vmem>>, vector<128x1xf32>
      %get3A_653 = arith.constant 13 : index
      %get3A_654 = arith.constant 2048 : index
      %get3A_655 = vector.load %arg2[%get3A_653, %get3A_654] : memref<32x8192xf32, #tpu.memory_space<vmem>>, vector<1x2048xf32>
      %add3A_656 = vector.broadcast %get3A_652 : vector<128x1xf32> to vector<128x2048xf32>
      %add3A_657 = vector.broadcast %get3A_655 : vector<1x2048xf32> to vector<128x2048xf32>
      %add3A_658 = arith.addf %add3A_656, %add3A_657 : vector<128x2048xf32>
      %mul3A_659 = arith.mulf %add3A_658, %add3A_658 : vector<128x2048xf32>
      %add3A_660 = arith.addf %mul3A_649, %mul3A_659 : vector<128x2048xf32>
      %get3A_661 = arith.constant 0 : index
      %get3A_662 = arith.constant 21 : index
      %get3A_663 = vector.load %arg1[%get3A_661, %get3A_662] : memref<128x32xf32, #tpu.memory_space<vmem>>, vector<128x1xf32>
      %get3A_664 = arith.constant 21 : index
      %get3A_665 = arith.constant 2048 : index
      %get3A_666 = vector.load %arg2[%get3A_664, %get3A_665] : memref<32x8192xf32, #tpu.memory_space<vmem>>, vector<1x2048xf32>
      %add3A_667 = vector.broadcast %get3A_663 : vector<128x1xf32> to vector<128x2048xf32>
      %add3A_668 = vector.broadcast %get3A_666 : vector<1x2048xf32> to vector<128x2048xf32>
      %add3A_669 = arith.addf %add3A_667, %add3A_668 : vector<128x2048xf32>
      %mul3A_670 = arith.mulf %add3A_669, %add3A_669 : vector<128x2048xf32>
      %add3A_671 = arith.addf %add3A_660, %mul3A_670 : vector<128x2048xf32>
      %get3A_672 = arith.constant 0 : index
      %get3A_673 = arith.constant 29 : index
      %get3A_674 = vector.load %arg1[%get3A_672, %get3A_673] : memref<128x32xf32, #tpu.memory_space<vmem>>, vector<128x1xf32>
      %get3A_675 = arith.constant 29 : index
      %get3A_676 = arith.constant 2048 : index
      %get3A_677 = vector.load %arg2[%get3A_675, %get3A_676] : memref<32x8192xf32, #tpu.memory_space<vmem>>, vector<1x2048xf32>
      %add3A_678 = vector.broadcast %get3A_674 : vector<128x1xf32> to vector<128x2048xf32>
      %add3A_679 = vector.broadcast %get3A_677 : vector<1x2048xf32> to vector<128x2048xf32>
      %add3A_680 = arith.addf %add3A_678, %add3A_679 : vector<128x2048xf32>
      %mul3A_681 = arith.mulf %add3A_680, %add3A_680 : vector<128x2048xf32>
      %add3A_682 = arith.addf %add3A_671, %mul3A_681 : vector<128x2048xf32>
      %get3A_683 = arith.constant 0 : index
      %get3A_684 = arith.constant 6 : index
      %get3A_685 = vector.load %arg1[%get3A_683, %get3A_684] : memref<128x32xf32, #tpu.memory_space<vmem>>, vector<128x1xf32>
      %get3A_686 = arith.constant 6 : index
      %get3A_687 = arith.constant 2048 : index
      %get3A_688 = vector.load %arg2[%get3A_686, %get3A_687] : memref<32x8192xf32, #tpu.memory_space<vmem>>, vector<1x2048xf32>
      %add3A_689 = vector.broadcast %get3A_685 : vector<128x1xf32> to vector<128x2048xf32>
      %add3A_690 = vector.broadcast %get3A_688 : vector<1x2048xf32> to vector<128x2048xf32>
      %add3A_691 = arith.addf %add3A_689, %add3A_690 : vector<128x2048xf32>
      %mul3A_692 = arith.mulf %add3A_691, %add3A_691 : vector<128x2048xf32>
      %get3A_693 = arith.constant 0 : index
      %get3A_694 = arith.constant 14 : index
      %get3A_695 = vector.load %arg1[%get3A_693, %get3A_694] : memref<128x32xf32, #tpu.memory_space<vmem>>, vector<128x1xf32>
      %get3A_696 = arith.constant 14 : index
      %get3A_697 = arith.constant 2048 : index
      %get3A_698 = vector.load %arg2[%get3A_696, %get3A_697] : memref<32x8192xf32, #tpu.memory_space<vmem>>, vector<1x2048xf32>
      %add3A_699 = vector.broadcast %get3A_695 : vector<128x1xf32> to vector<128x2048xf32>
      %add3A_700 = vector.broadcast %get3A_698 : vector<1x2048xf32> to vector<128x2048xf32>
      %add3A_701 = arith.addf %add3A_699, %add3A_700 : vector<128x2048xf32>
      %mul3A_702 = arith.mulf %add3A_701, %add3A_701 : vector<128x2048xf32>
      %add3A_703 = arith.addf %mul3A_692, %mul3A_702 : vector<128x2048xf32>
      %get3A_704 = arith.constant 0 : index
      %get3A_705 = arith.constant 22 : index
      %get3A_706 = vector.load %arg1[%get3A_704, %get3A_705] : memref<128x32xf32, #tpu.memory_space<vmem>>, vector<128x1xf32>
      %get3A_707 = arith.constant 22 : index
      %get3A_708 = arith.constant 2048 : index
      %get3A_709 = vector.load %arg2[%get3A_707, %get3A_708] : memref<32x8192xf32, #tpu.memory_space<vmem>>, vector<1x2048xf32>
      %add3A_710 = vector.broadcast %get3A_706 : vector<128x1xf32> to vector<128x2048xf32>
      %add3A_711 = vector.broadcast %get3A_709 : vector<1x2048xf32> to vector<128x2048xf32>
      %add3A_712 = arith.addf %add3A_710, %add3A_711 : vector<128x2048xf32>
      %mul3A_713 = arith.mulf %add3A_712, %add3A_712 : vector<128x2048xf32>
      %add3A_714 = arith.addf %add3A_703, %mul3A_713 : vector<128x2048xf32>
      %get3A_715 = arith.constant 0 : index
      %get3A_716 = arith.constant 30 : index
      %get3A_717 = vector.load %arg1[%get3A_715, %get3A_716] : memref<128x32xf32, #tpu.memory_space<vmem>>, vector<128x1xf32>
      %get3A_718 = arith.constant 30 : index
      %get3A_719 = arith.constant 2048 : index
      %get3A_720 = vector.load %arg2[%get3A_718, %get3A_719] : memref<32x8192xf32, #tpu.memory_space<vmem>>, vector<1x2048xf32>
      %add3A_721 = vector.broadcast %get3A_717 : vector<128x1xf32> to vector<128x2048xf32>
      %add3A_722 = vector.broadcast %get3A_720 : vector<1x2048xf32> to vector<128x2048xf32>
      %add3A_723 = arith.addf %add3A_721, %add3A_722 : vector<128x2048xf32>
      %mul3A_724 = arith.mulf %add3A_723, %add3A_723 : vector<128x2048xf32>
      %add3A_725 = arith.addf %add3A_714, %mul3A_724 : vector<128x2048xf32>
      %get3A_726 = arith.constant 0 : index
      %get3A_727 = arith.constant 7 : index
      %get3A_728 = vector.load %arg1[%get3A_726, %get3A_727] : memref<128x32xf32, #tpu.memory_space<vmem>>, vector<128x1xf32>
      %get3A_729 = arith.constant 7 : index
      %get3A_730 = arith.constant 2048 : index
      %get3A_731 = vector.load %arg2[%get3A_729, %get3A_730] : memref<32x8192xf32, #tpu.memory_space<vmem>>, vector<1x2048xf32>
      %add3A_732 = vector.broadcast %get3A_728 : vector<128x1xf32> to vector<128x2048xf32>
      %add3A_733 = vector.broadcast %get3A_731 : vector<1x2048xf32> to vector<128x2048xf32>
      %add3A_734 = arith.addf %add3A_732, %add3A_733 : vector<128x2048xf32>
      %mul3A_735 = arith.mulf %add3A_734, %add3A_734 : vector<128x2048xf32>
      %get3A_736 = arith.constant 0 : index
      %get3A_737 = arith.constant 15 : index
      %get3A_738 = vector.load %arg1[%get3A_736, %get3A_737] : memref<128x32xf32, #tpu.memory_space<vmem>>, vector<128x1xf32>
      %get3A_739 = arith.constant 15 : index
      %get3A_740 = arith.constant 2048 : index
      %get3A_741 = vector.load %arg2[%get3A_739, %get3A_740] : memref<32x8192xf32, #tpu.memory_space<vmem>>, vector<1x2048xf32>
      %add3A_742 = vector.broadcast %get3A_738 : vector<128x1xf32> to vector<128x2048xf32>
      %add3A_743 = vector.broadcast %get3A_741 : vector<1x2048xf32> to vector<128x2048xf32>
      %add3A_744 = arith.addf %add3A_742, %add3A_743 : vector<128x2048xf32>
      %mul3A_745 = arith.mulf %add3A_744, %add3A_744 : vector<128x2048xf32>
      %add3A_746 = arith.addf %mul3A_735, %mul3A_745 : vector<128x2048xf32>
      %get3A_747 = arith.constant 0 : index
      %get3A_748 = arith.constant 23 : index
      %get3A_749 = vector.load %arg1[%get3A_747, %get3A_748] : memref<128x32xf32, #tpu.memory_space<vmem>>, vector<128x1xf32>
      %get3A_750 = arith.constant 23 : index
      %get3A_751 = arith.constant 2048 : index
      %get3A_752 = vector.load %arg2[%get3A_750, %get3A_751] : memref<32x8192xf32, #tpu.memory_space<vmem>>, vector<1x2048xf32>
      %add3A_753 = vector.broadcast %get3A_749 : vector<128x1xf32> to vector<128x2048xf32>
      %add3A_754 = vector.broadcast %get3A_752 : vector<1x2048xf32> to vector<128x2048xf32>
      %add3A_755 = arith.addf %add3A_753, %add3A_754 : vector<128x2048xf32>
      %mul3A_756 = arith.mulf %add3A_755, %add3A_755 : vector<128x2048xf32>
      %add3A_757 = arith.addf %add3A_746, %mul3A_756 : vector<128x2048xf32>
      %get3A_758 = arith.constant 0 : index
      %get3A_759 = arith.constant 31 : index
      %get3A_760 = vector.load %arg1[%get3A_758, %get3A_759] : memref<128x32xf32, #tpu.memory_space<vmem>>, vector<128x1xf32>
      %get3A_761 = arith.constant 31 : index
      %get3A_762 = arith.constant 2048 : index
      %get3A_763 = vector.load %arg2[%get3A_761, %get3A_762] : memref<32x8192xf32, #tpu.memory_space<vmem>>, vector<1x2048xf32>
      %add3A_764 = vector.broadcast %get3A_760 : vector<128x1xf32> to vector<128x2048xf32>
      %add3A_765 = vector.broadcast %get3A_763 : vector<1x2048xf32> to vector<128x2048xf32>
      %add3A_766 = arith.addf %add3A_764, %add3A_765 : vector<128x2048xf32>
      %mul3A_767 = arith.mulf %add3A_766, %add3A_766 : vector<128x2048xf32>
      %add3A_768 = arith.addf %add3A_757, %mul3A_767 : vector<128x2048xf32>
      %add3A_769 = arith.addf %add3A_467, %add3A_639 : vector<128x2048xf32>
      %add3A_770 = arith.addf %add3A_510, %add3A_682 : vector<128x2048xf32>
      %add3A_771 = arith.addf %add3A_553, %add3A_725 : vector<128x2048xf32>
      %add3A_772 = arith.addf %add3A_596, %add3A_768 : vector<128x2048xf32>
      %add3A_773 = arith.addf %add3A_769, %add3A_771 : vector<128x2048xf32>
      %add3A_774 = arith.addf %add3A_770, %add3A_772 : vector<128x2048xf32>
      %add3A_775 = arith.addf %add3A_773, %add3A_774 : vector<128x2048xf32>
      %iota3A_776 = tpu.iota {dimensions = array<i32: 1>} : vector<128x2048xi32>
      %add3A_777 = arith.constant 2048 : i32
      %add3A_778 = vector.broadcast %add3A_777 : i32 to vector<128x2048xi32>
      %add3A_779 = arith.addi %iota3A_776, %add3A_778 : vector<128x2048xi32>
      %lt3A_780 = arith.cmpf olt, %add3A_775, %select_n3A : vector<128x2048xf32>
      %select_n3A_781 = arith.select %lt3A_780, %add3A_775, %select_n3A : vector<128x2048xi1>, vector<128x2048xf32>
      %select_n3A_782 = arith.select %lt3A_780, %add3A_779, %select_n3A_424 : vector<128x2048xi1>, vector<128x2048xi32>
      %get3A_783 = arith.constant 0 : index
      %get3A_784 = arith.constant 0 : index
      %get3A_785 = vector.load %arg1[%get3A_783, %get3A_784] : memref<128x32xf32, #tpu.memory_space<vmem>>, vector<128x1xf32>
      %get3A_786 = arith.constant 0 : index
      %get3A_787 = arith.constant 4096 : index
      %get3A_788 = vector.load %arg2[%get3A_786, %get3A_787] : memref<32x8192xf32, #tpu.memory_space<vmem>>, vector<1x2048xf32>
      %add3A_789 = vector.broadcast %get3A_785 : vector<128x1xf32> to vector<128x2048xf32>
      %add3A_790 = vector.broadcast %get3A_788 : vector<1x2048xf32> to vector<128x2048xf32>
      %add3A_791 = arith.addf %add3A_789, %add3A_790 : vector<128x2048xf32>
      %mul3A_792 = arith.mulf %add3A_791, %add3A_791 : vector<128x2048xf32>
      %get3A_793 = arith.constant 0 : index
      %get3A_794 = arith.constant 8 : index
      %get3A_795 = vector.load %arg1[%get3A_793, %get3A_794] : memref<128x32xf32, #tpu.memory_space<vmem>>, vector<128x1xf32>
      %get3A_796 = arith.constant 8 : index
      %get3A_797 = arith.constant 4096 : index
      %get3A_798 = vector.load %arg2[%get3A_796, %get3A_797] : memref<32x8192xf32, #tpu.memory_space<vmem>>, vector<1x2048xf32>
      %add3A_799 = vector.broadcast %get3A_795 : vector<128x1xf32> to vector<128x2048xf32>
      %add3A_800 = vector.broadcast %get3A_798 : vector<1x2048xf32> to vector<128x2048xf32>
      %add3A_801 = arith.addf %add3A_799, %add3A_800 : vector<128x2048xf32>
      %mul3A_802 = arith.mulf %add3A_801, %add3A_801 : vector<128x2048xf32>
      %add3A_803 = arith.addf %mul3A_792, %mul3A_802 : vector<128x2048xf32>
      %get3A_804 = arith.constant 0 : index
      %get3A_805 = arith.constant 16 : index
      %get3A_806 = vector.load %arg1[%get3A_804, %get3A_805] : memref<128x32xf32, #tpu.memory_space<vmem>>, vector<128x1xf32>
      %get3A_807 = arith.constant 16 : index
      %get3A_808 = arith.constant 4096 : index
      %get3A_809 = vector.load %arg2[%get3A_807, %get3A_808] : memref<32x8192xf32, #tpu.memory_space<vmem>>, vector<1x2048xf32>
      %add3A_810 = vector.broadcast %get3A_806 : vector<128x1xf32> to vector<128x2048xf32>
      %add3A_811 = vector.broadcast %get3A_809 : vector<1x2048xf32> to vector<128x2048xf32>
      %add3A_812 = arith.addf %add3A_810, %add3A_811 : vector<128x2048xf32>
      %mul3A_813 = arith.mulf %add3A_812, %add3A_812 : vector<128x2048xf32>
      %add3A_814 = arith.addf %add3A_803, %mul3A_813 : vector<128x2048xf32>
      %get3A_815 = arith.constant 0 : index
      %get3A_816 = arith.constant 24 : index
      %get3A_817 = vector.load %arg1[%get3A_815, %get3A_816] : memref<128x32xf32, #tpu.memory_space<vmem>>, vector<128x1xf32>
      %get3A_818 = arith.constant 24 : index
      %get3A_819 = arith.constant 4096 : index
      %get3A_820 = vector.load %arg2[%get3A_818, %get3A_819] : memref<32x8192xf32, #tpu.memory_space<vmem>>, vector<1x2048xf32>
      %add3A_821 = vector.broadcast %get3A_817 : vector<128x1xf32> to vector<128x2048xf32>
      %add3A_822 = vector.broadcast %get3A_820 : vector<1x2048xf32> to vector<128x2048xf32>
      %add3A_823 = arith.addf %add3A_821, %add3A_822 : vector<128x2048xf32>
      %mul3A_824 = arith.mulf %add3A_823, %add3A_823 : vector<128x2048xf32>
      %add3A_825 = arith.addf %add3A_814, %mul3A_824 : vector<128x2048xf32>
      %get3A_826 = arith.constant 0 : index
      %get3A_827 = arith.constant 1 : index
      %get3A_828 = vector.load %arg1[%get3A_826, %get3A_827] : memref<128x32xf32, #tpu.memory_space<vmem>>, vector<128x1xf32>
      %get3A_829 = arith.constant 1 : index
      %get3A_830 = arith.constant 4096 : index
      %get3A_831 = vector.load %arg2[%get3A_829, %get3A_830] : memref<32x8192xf32, #tpu.memory_space<vmem>>, vector<1x2048xf32>
      %add3A_832 = vector.broadcast %get3A_828 : vector<128x1xf32> to vector<128x2048xf32>
      %add3A_833 = vector.broadcast %get3A_831 : vector<1x2048xf32> to vector<128x2048xf32>
      %add3A_834 = arith.addf %add3A_832, %add3A_833 : vector<128x2048xf32>
      %mul3A_835 = arith.mulf %add3A_834, %add3A_834 : vector<128x2048xf32>
      %get3A_836 = arith.constant 0 : index
      %get3A_837 = arith.constant 9 : index
      %get3A_838 = vector.load %arg1[%get3A_836, %get3A_837] : memref<128x32xf32, #tpu.memory_space<vmem>>, vector<128x1xf32>
      %get3A_839 = arith.constant 9 : index
      %get3A_840 = arith.constant 4096 : index
      %get3A_841 = vector.load %arg2[%get3A_839, %get3A_840] : memref<32x8192xf32, #tpu.memory_space<vmem>>, vector<1x2048xf32>
      %add3A_842 = vector.broadcast %get3A_838 : vector<128x1xf32> to vector<128x2048xf32>
      %add3A_843 = vector.broadcast %get3A_841 : vector<1x2048xf32> to vector<128x2048xf32>
      %add3A_844 = arith.addf %add3A_842, %add3A_843 : vector<128x2048xf32>
      %mul3A_845 = arith.mulf %add3A_844, %add3A_844 : vector<128x2048xf32>
      %add3A_846 = arith.addf %mul3A_835, %mul3A_845 : vector<128x2048xf32>
      %get3A_847 = arith.constant 0 : index
      %get3A_848 = arith.constant 17 : index
      %get3A_849 = vector.load %arg1[%get3A_847, %get3A_848] : memref<128x32xf32, #tpu.memory_space<vmem>>, vector<128x1xf32>
      %get3A_850 = arith.constant 17 : index
      %get3A_851 = arith.constant 4096 : index
      %get3A_852 = vector.load %arg2[%get3A_850, %get3A_851] : memref<32x8192xf32, #tpu.memory_space<vmem>>, vector<1x2048xf32>
      %add3A_853 = vector.broadcast %get3A_849 : vector<128x1xf32> to vector<128x2048xf32>
      %add3A_854 = vector.broadcast %get3A_852 : vector<1x2048xf32> to vector<128x2048xf32>
      %add3A_855 = arith.addf %add3A_853, %add3A_854 : vector<128x2048xf32>
      %mul3A_856 = arith.mulf %add3A_855, %add3A_855 : vector<128x2048xf32>
      %add3A_857 = arith.addf %add3A_846, %mul3A_856 : vector<128x2048xf32>
      %get3A_858 = arith.constant 0 : index
      %get3A_859 = arith.constant 25 : index
      %get3A_860 = vector.load %arg1[%get3A_858, %get3A_859] : memref<128x32xf32, #tpu.memory_space<vmem>>, vector<128x1xf32>
      %get3A_861 = arith.constant 25 : index
      %get3A_862 = arith.constant 4096 : index
      %get3A_863 = vector.load %arg2[%get3A_861, %get3A_862] : memref<32x8192xf32, #tpu.memory_space<vmem>>, vector<1x2048xf32>
      %add3A_864 = vector.broadcast %get3A_860 : vector<128x1xf32> to vector<128x2048xf32>
      %add3A_865 = vector.broadcast %get3A_863 : vector<1x2048xf32> to vector<128x2048xf32>
      %add3A_866 = arith.addf %add3A_864, %add3A_865 : vector<128x2048xf32>
      %mul3A_867 = arith.mulf %add3A_866, %add3A_866 : vector<128x2048xf32>
      %add3A_868 = arith.addf %add3A_857, %mul3A_867 : vector<128x2048xf32>
      %get3A_869 = arith.constant 0 : index
      %get3A_870 = arith.constant 2 : index
      %get3A_871 = vector.load %arg1[%get3A_869, %get3A_870] : memref<128x32xf32, #tpu.memory_space<vmem>>, vector<128x1xf32>
      %get3A_872 = arith.constant 2 : index
      %get3A_873 = arith.constant 4096 : index
      %get3A_874 = vector.load %arg2[%get3A_872, %get3A_873] : memref<32x8192xf32, #tpu.memory_space<vmem>>, vector<1x2048xf32>
      %add3A_875 = vector.broadcast %get3A_871 : vector<128x1xf32> to vector<128x2048xf32>
      %add3A_876 = vector.broadcast %get3A_874 : vector<1x2048xf32> to vector<128x2048xf32>
      %add3A_877 = arith.addf %add3A_875, %add3A_876 : vector<128x2048xf32>
      %mul3A_878 = arith.mulf %add3A_877, %add3A_877 : vector<128x2048xf32>
      %get3A_879 = arith.constant 0 : index
      %get3A_880 = arith.constant 10 : index
      %get3A_881 = vector.load %arg1[%get3A_879, %get3A_880] : memref<128x32xf32, #tpu.memory_space<vmem>>, vector<128x1xf32>
      %get3A_882 = arith.constant 10 : index
      %get3A_883 = arith.constant 4096 : index
      %get3A_884 = vector.load %arg2[%get3A_882, %get3A_883] : memref<32x8192xf32, #tpu.memory_space<vmem>>, vector<1x2048xf32>
      %add3A_885 = vector.broadcast %get3A_881 : vector<128x1xf32> to vector<128x2048xf32>
      %add3A_886 = vector.broadcast %get3A_884 : vector<1x2048xf32> to vector<128x2048xf32>
      %add3A_887 = arith.addf %add3A_885, %add3A_886 : vector<128x2048xf32>
      %mul3A_888 = arith.mulf %add3A_887, %add3A_887 : vector<128x2048xf32>
      %add3A_889 = arith.addf %mul3A_878, %mul3A_888 : vector<128x2048xf32>
      %get3A_890 = arith.constant 0 : index
      %get3A_891 = arith.constant 18 : index
      %get3A_892 = vector.load %arg1[%get3A_890, %get3A_891] : memref<128x32xf32, #tpu.memory_space<vmem>>, vector<128x1xf32>
      %get3A_893 = arith.constant 18 : index
      %get3A_894 = arith.constant 4096 : index
      %get3A_895 = vector.load %arg2[%get3A_893, %get3A_894] : memref<32x8192xf32, #tpu.memory_space<vmem>>, vector<1x2048xf32>
      %add3A_896 = vector.broadcast %get3A_892 : vector<128x1xf32> to vector<128x2048xf32>
      %add3A_897 = vector.broadcast %get3A_895 : vector<1x2048xf32> to vector<128x2048xf32>
      %add3A_898 = arith.addf %add3A_896, %add3A_897 : vector<128x2048xf32>
      %mul3A_899 = arith.mulf %add3A_898, %add3A_898 : vector<128x2048xf32>
      %add3A_900 = arith.addf %add3A_889, %mul3A_899 : vector<128x2048xf32>
      %get3A_901 = arith.constant 0 : index
      %get3A_902 = arith.constant 26 : index
      %get3A_903 = vector.load %arg1[%get3A_901, %get3A_902] : memref<128x32xf32, #tpu.memory_space<vmem>>, vector<128x1xf32>
      %get3A_904 = arith.constant 26 : index
      %get3A_905 = arith.constant 4096 : index
      %get3A_906 = vector.load %arg2[%get3A_904, %get3A_905] : memref<32x8192xf32, #tpu.memory_space<vmem>>, vector<1x2048xf32>
      %add3A_907 = vector.broadcast %get3A_903 : vector<128x1xf32> to vector<128x2048xf32>
      %add3A_908 = vector.broadcast %get3A_906 : vector<1x2048xf32> to vector<128x2048xf32>
      %add3A_909 = arith.addf %add3A_907, %add3A_908 : vector<128x2048xf32>
      %mul3A_910 = arith.mulf %add3A_909, %add3A_909 : vector<128x2048xf32>
      %add3A_911 = arith.addf %add3A_900, %mul3A_910 : vector<128x2048xf32>
      %get3A_912 = arith.constant 0 : index
      %get3A_913 = arith.constant 3 : index
      %get3A_914 = vector.load %arg1[%get3A_912, %get3A_913] : memref<128x32xf32, #tpu.memory_space<vmem>>, vector<128x1xf32>
      %get3A_915 = arith.constant 3 : index
      %get3A_916 = arith.constant 4096 : index
      %get3A_917 = vector.load %arg2[%get3A_915, %get3A_916] : memref<32x8192xf32, #tpu.memory_space<vmem>>, vector<1x2048xf32>
      %add3A_918 = vector.broadcast %get3A_914 : vector<128x1xf32> to vector<128x2048xf32>
      %add3A_919 = vector.broadcast %get3A_917 : vector<1x2048xf32> to vector<128x2048xf32>
      %add3A_920 = arith.addf %add3A_918, %add3A_919 : vector<128x2048xf32>
      %mul3A_921 = arith.mulf %add3A_920, %add3A_920 : vector<128x2048xf32>
      %get3A_922 = arith.constant 0 : index
      %get3A_923 = arith.constant 11 : index
      %get3A_924 = vector.load %arg1[%get3A_922, %get3A_923] : memref<128x32xf32, #tpu.memory_space<vmem>>, vector<128x1xf32>
      %get3A_925 = arith.constant 11 : index
      %get3A_926 = arith.constant 4096 : index
      %get3A_927 = vector.load %arg2[%get3A_925, %get3A_926] : memref<32x8192xf32, #tpu.memory_space<vmem>>, vector<1x2048xf32>
      %add3A_928 = vector.broadcast %get3A_924 : vector<128x1xf32> to vector<128x2048xf32>
      %add3A_929 = vector.broadcast %get3A_927 : vector<1x2048xf32> to vector<128x2048xf32>
      %add3A_930 = arith.addf %add3A_928, %add3A_929 : vector<128x2048xf32>
      %mul3A_931 = arith.mulf %add3A_930, %add3A_930 : vector<128x2048xf32>
      %add3A_932 = arith.addf %mul3A_921, %mul3A_931 : vector<128x2048xf32>
      %get3A_933 = arith.constant 0 : index
      %get3A_934 = arith.constant 19 : index
      %get3A_935 = vector.load %arg1[%get3A_933, %get3A_934] : memref<128x32xf32, #tpu.memory_space<vmem>>, vector<128x1xf32>
      %get3A_936 = arith.constant 19 : index
      %get3A_937 = arith.constant 4096 : index
      %get3A_938 = vector.load %arg2[%get3A_936, %get3A_937] : memref<32x8192xf32, #tpu.memory_space<vmem>>, vector<1x2048xf32>
      %add3A_939 = vector.broadcast %get3A_935 : vector<128x1xf32> to vector<128x2048xf32>
      %add3A_940 = vector.broadcast %get3A_938 : vector<1x2048xf32> to vector<128x2048xf32>
      %add3A_941 = arith.addf %add3A_939, %add3A_940 : vector<128x2048xf32>
      %mul3A_942 = arith.mulf %add3A_941, %add3A_941 : vector<128x2048xf32>
      %add3A_943 = arith.addf %add3A_932, %mul3A_942 : vector<128x2048xf32>
      %get3A_944 = arith.constant 0 : index
      %get3A_945 = arith.constant 27 : index
      %get3A_946 = vector.load %arg1[%get3A_944, %get3A_945] : memref<128x32xf32, #tpu.memory_space<vmem>>, vector<128x1xf32>
      %get3A_947 = arith.constant 27 : index
      %get3A_948 = arith.constant 4096 : index
      %get3A_949 = vector.load %arg2[%get3A_947, %get3A_948] : memref<32x8192xf32, #tpu.memory_space<vmem>>, vector<1x2048xf32>
      %add3A_950 = vector.broadcast %get3A_946 : vector<128x1xf32> to vector<128x2048xf32>
      %add3A_951 = vector.broadcast %get3A_949 : vector<1x2048xf32> to vector<128x2048xf32>
      %add3A_952 = arith.addf %add3A_950, %add3A_951 : vector<128x2048xf32>
      %mul3A_953 = arith.mulf %add3A_952, %add3A_952 : vector<128x2048xf32>
      %add3A_954 = arith.addf %add3A_943, %mul3A_953 : vector<128x2048xf32>
      %get3A_955 = arith.constant 0 : index
      %get3A_956 = arith.constant 4 : index
      %get3A_957 = vector.load %arg1[%get3A_955, %get3A_956] : memref<128x32xf32, #tpu.memory_space<vmem>>, vector<128x1xf32>
      %get3A_958 = arith.constant 4 : index
      %get3A_959 = arith.constant 4096 : index
      %get3A_960 = vector.load %arg2[%get3A_958, %get3A_959] : memref<32x8192xf32, #tpu.memory_space<vmem>>, vector<1x2048xf32>
      %add3A_961 = vector.broadcast %get3A_957 : vector<128x1xf32> to vector<128x2048xf32>
      %add3A_962 = vector.broadcast %get3A_960 : vector<1x2048xf32> to vector<128x2048xf32>
      %add3A_963 = arith.addf %add3A_961, %add3A_962 : vector<128x2048xf32>
      %mul3A_964 = arith.mulf %add3A_963, %add3A_963 : vector<128x2048xf32>
      %get3A_965 = arith.constant 0 : index
      %get3A_966 = arith.constant 12 : index
      %get3A_967 = vector.load %arg1[%get3A_965, %get3A_966] : memref<128x32xf32, #tpu.memory_space<vmem>>, vector<128x1xf32>
      %get3A_968 = arith.constant 12 : index
      %get3A_969 = arith.constant 4096 : index
      %get3A_970 = vector.load %arg2[%get3A_968, %get3A_969] : memref<32x8192xf32, #tpu.memory_space<vmem>>, vector<1x2048xf32>
      %add3A_971 = vector.broadcast %get3A_967 : vector<128x1xf32> to vector<128x2048xf32>
      %add3A_972 = vector.broadcast %get3A_970 : vector<1x2048xf32> to vector<128x2048xf32>
      %add3A_973 = arith.addf %add3A_971, %add3A_972 : vector<128x2048xf32>
      %mul3A_974 = arith.mulf %add3A_973, %add3A_973 : vector<128x2048xf32>
      %add3A_975 = arith.addf %mul3A_964, %mul3A_974 : vector<128x2048xf32>
      %get3A_976 = arith.constant 0 : index
      %get3A_977 = arith.constant 20 : index
      %get3A_978 = vector.load %arg1[%get3A_976, %get3A_977] : memref<128x32xf32, #tpu.memory_space<vmem>>, vector<128x1xf32>
      %get3A_979 = arith.constant 20 : index
      %get3A_980 = arith.constant 4096 : index
      %get3A_981 = vector.load %arg2[%get3A_979, %get3A_980] : memref<32x8192xf32, #tpu.memory_space<vmem>>, vector<1x2048xf32>
      %add3A_982 = vector.broadcast %get3A_978 : vector<128x1xf32> to vector<128x2048xf32>
      %add3A_983 = vector.broadcast %get3A_981 : vector<1x2048xf32> to vector<128x2048xf32>
      %add3A_984 = arith.addf %add3A_982, %add3A_983 : vector<128x2048xf32>
      %mul3A_985 = arith.mulf %add3A_984, %add3A_984 : vector<128x2048xf32>
      %add3A_986 = arith.addf %add3A_975, %mul3A_985 : vector<128x2048xf32>
      %get3A_987 = arith.constant 0 : index
      %get3A_988 = arith.constant 28 : index
      %get3A_989 = vector.load %arg1[%get3A_987, %get3A_988] : memref<128x32xf32, #tpu.memory_space<vmem>>, vector<128x1xf32>
      %get3A_990 = arith.constant 28 : index
      %get3A_991 = arith.constant 4096 : index
      %get3A_992 = vector.load %arg2[%get3A_990, %get3A_991] : memref<32x8192xf32, #tpu.memory_space<vmem>>, vector<1x2048xf32>
      %add3A_993 = vector.broadcast %get3A_989 : vector<128x1xf32> to vector<128x2048xf32>
      %add3A_994 = vector.broadcast %get3A_992 : vector<1x2048xf32> to vector<128x2048xf32>
      %add3A_995 = arith.addf %add3A_993, %add3A_994 : vector<128x2048xf32>
      %mul3A_996 = arith.mulf %add3A_995, %add3A_995 : vector<128x2048xf32>
      %add3A_997 = arith.addf %add3A_986, %mul3A_996 : vector<128x2048xf32>
      %get3A_998 = arith.constant 0 : index
      %get3A_999 = arith.constant 5 : index
      %get3A_1000 = vector.load %arg1[%get3A_998, %get3A_999] : memref<128x32xf32, #tpu.memory_space<vmem>>, vector<128x1xf32>
      %get3A_1001 = arith.constant 5 : index
      %get3A_1002 = arith.constant 4096 : index
      %get3A_1003 = vector.load %arg2[%get3A_1001, %get3A_1002] : memref<32x8192xf32, #tpu.memory_space<vmem>>, vector<1x2048xf32>
      %add3A_1004 = vector.broadcast %get3A_1000 : vector<128x1xf32> to vector<128x2048xf32>
      %add3A_1005 = vector.broadcast %get3A_1003 : vector<1x2048xf32> to vector<128x2048xf32>
      %add3A_1006 = arith.addf %add3A_1004, %add3A_1005 : vector<128x2048xf32>
      %mul3A_1007 = arith.mulf %add3A_1006, %add3A_1006 : vector<128x2048xf32>
      %get3A_1008 = arith.constant 0 : index
      %get3A_1009 = arith.constant 13 : index
      %get3A_1010 = vector.load %arg1[%get3A_1008, %get3A_1009] : memref<128x32xf32, #tpu.memory_space<vmem>>, vector<128x1xf32>
      %get3A_1011 = arith.constant 13 : index
      %get3A_1012 = arith.constant 4096 : index
      %get3A_1013 = vector.load %arg2[%get3A_1011, %get3A_1012] : memref<32x8192xf32, #tpu.memory_space<vmem>>, vector<1x2048xf32>
      %add3A_1014 = vector.broadcast %get3A_1010 : vector<128x1xf32> to vector<128x2048xf32>
      %add3A_1015 = vector.broadcast %get3A_1013 : vector<1x2048xf32> to vector<128x2048xf32>
      %add3A_1016 = arith.addf %add3A_1014, %add3A_1015 : vector<128x2048xf32>
      %mul3A_1017 = arith.mulf %add3A_1016, %add3A_1016 : vector<128x2048xf32>
      %add3A_1018 = arith.addf %mul3A_1007, %mul3A_1017 : vector<128x2048xf32>
      %get3A_1019 = arith.constant 0 : index
      %get3A_1020 = arith.constant 21 : index
      %get3A_1021 = vector.load %arg1[%get3A_1019, %get3A_1020] : memref<128x32xf32, #tpu.memory_space<vmem>>, vector<128x1xf32>
      %get3A_1022 = arith.constant 21 : index
      %get3A_1023 = arith.constant 4096 : index
      %get3A_1024 = vector.load %arg2[%get3A_1022, %get3A_1023] : memref<32x8192xf32, #tpu.memory_space<vmem>>, vector<1x2048xf32>
      %add3A_1025 = vector.broadcast %get3A_1021 : vector<128x1xf32> to vector<128x2048xf32>
      %add3A_1026 = vector.broadcast %get3A_1024 : vector<1x2048xf32> to vector<128x2048xf32>
      %add3A_1027 = arith.addf %add3A_1025, %add3A_1026 : vector<128x2048xf32>
      %mul3A_1028 = arith.mulf %add3A_1027, %add3A_1027 : vector<128x2048xf32>
      %add3A_1029 = arith.addf %add3A_1018, %mul3A_1028 : vector<128x2048xf32>
      %get3A_1030 = arith.constant 0 : index
      %get3A_1031 = arith.constant 29 : index
      %get3A_1032 = vector.load %arg1[%get3A_1030, %get3A_1031] : memref<128x32xf32, #tpu.memory_space<vmem>>, vector<128x1xf32>
      %get3A_1033 = arith.constant 29 : index
      %get3A_1034 = arith.constant 4096 : index
      %get3A_1035 = vector.load %arg2[%get3A_1033, %get3A_1034] : memref<32x8192xf32, #tpu.memory_space<vmem>>, vector<1x2048xf32>
      %add3A_1036 = vector.broadcast %get3A_1032 : vector<128x1xf32> to vector<128x2048xf32>
      %add3A_1037 = vector.broadcast %get3A_1035 : vector<1x2048xf32> to vector<128x2048xf32>
      %add3A_1038 = arith.addf %add3A_1036, %add3A_1037 : vector<128x2048xf32>
      %mul3A_1039 = arith.mulf %add3A_1038, %add3A_1038 : vector<128x2048xf32>
      %add3A_1040 = arith.addf %add3A_1029, %mul3A_1039 : vector<128x2048xf32>
      %get3A_1041 = arith.constant 0 : index
      %get3A_1042 = arith.constant 6 : index
      %get3A_1043 = vector.load %arg1[%get3A_1041, %get3A_1042] : memref<128x32xf32, #tpu.memory_space<vmem>>, vector<128x1xf32>
      %get3A_1044 = arith.constant 6 : index
      %get3A_1045 = arith.constant 4096 : index
      %get3A_1046 = vector.load %arg2[%get3A_1044, %get3A_1045] : memref<32x8192xf32, #tpu.memory_space<vmem>>, vector<1x2048xf32>
      %add3A_1047 = vector.broadcast %get3A_1043 : vector<128x1xf32> to vector<128x2048xf32>
      %add3A_1048 = vector.broadcast %get3A_1046 : vector<1x2048xf32> to vector<128x2048xf32>
      %add3A_1049 = arith.addf %add3A_1047, %add3A_1048 : vector<128x2048xf32>
      %mul3A_1050 = arith.mulf %add3A_1049, %add3A_1049 : vector<128x2048xf32>
      %get3A_1051 = arith.constant 0 : index
      %get3A_1052 = arith.constant 14 : index
      %get3A_1053 = vector.load %arg1[%get3A_1051, %get3A_1052] : memref<128x32xf32, #tpu.memory_space<vmem>>, vector<128x1xf32>
      %get3A_1054 = arith.constant 14 : index
      %get3A_1055 = arith.constant 4096 : index
      %get3A_1056 = vector.load %arg2[%get3A_1054, %get3A_1055] : memref<32x8192xf32, #tpu.memory_space<vmem>>, vector<1x2048xf32>
      %add3A_1057 = vector.broadcast %get3A_1053 : vector<128x1xf32> to vector<128x2048xf32>
      %add3A_1058 = vector.broadcast %get3A_1056 : vector<1x2048xf32> to vector<128x2048xf32>
      %add3A_1059 = arith.addf %add3A_1057, %add3A_1058 : vector<128x2048xf32>
      %mul3A_1060 = arith.mulf %add3A_1059, %add3A_1059 : vector<128x2048xf32>
      %add3A_1061 = arith.addf %mul3A_1050, %mul3A_1060 : vector<128x2048xf32>
      %get3A_1062 = arith.constant 0 : index
      %get3A_1063 = arith.constant 22 : index
      %get3A_1064 = vector.load %arg1[%get3A_1062, %get3A_1063] : memref<128x32xf32, #tpu.memory_space<vmem>>, vector<128x1xf32>
      %get3A_1065 = arith.constant 22 : index
      %get3A_1066 = arith.constant 4096 : index
      %get3A_1067 = vector.load %arg2[%get3A_1065, %get3A_1066] : memref<32x8192xf32, #tpu.memory_space<vmem>>, vector<1x2048xf32>
      %add3A_1068 = vector.broadcast %get3A_1064 : vector<128x1xf32> to vector<128x2048xf32>
      %add3A_1069 = vector.broadcast %get3A_1067 : vector<1x2048xf32> to vector<128x2048xf32>
      %add3A_1070 = arith.addf %add3A_1068, %add3A_1069 : vector<128x2048xf32>
      %mul3A_1071 = arith.mulf %add3A_1070, %add3A_1070 : vector<128x2048xf32>
      %add3A_1072 = arith.addf %add3A_1061, %mul3A_1071 : vector<128x2048xf32>
      %get3A_1073 = arith.constant 0 : index
      %get3A_1074 = arith.constant 30 : index
      %get3A_1075 = vector.load %arg1[%get3A_1073, %get3A_1074] : memref<128x32xf32, #tpu.memory_space<vmem>>, vector<128x1xf32>
      %get3A_1076 = arith.constant 30 : index
      %get3A_1077 = arith.constant 4096 : index
      %get3A_1078 = vector.load %arg2[%get3A_1076, %get3A_1077] : memref<32x8192xf32, #tpu.memory_space<vmem>>, vector<1x2048xf32>
      %add3A_1079 = vector.broadcast %get3A_1075 : vector<128x1xf32> to vector<128x2048xf32>
      %add3A_1080 = vector.broadcast %get3A_1078 : vector<1x2048xf32> to vector<128x2048xf32>
      %add3A_1081 = arith.addf %add3A_1079, %add3A_1080 : vector<128x2048xf32>
      %mul3A_1082 = arith.mulf %add3A_1081, %add3A_1081 : vector<128x2048xf32>
      %add3A_1083 = arith.addf %add3A_1072, %mul3A_1082 : vector<128x2048xf32>
      %get3A_1084 = arith.constant 0 : index
      %get3A_1085 = arith.constant 7 : index
      %get3A_1086 = vector.load %arg1[%get3A_1084, %get3A_1085] : memref<128x32xf32, #tpu.memory_space<vmem>>, vector<128x1xf32>
      %get3A_1087 = arith.constant 7 : index
      %get3A_1088 = arith.constant 4096 : index
      %get3A_1089 = vector.load %arg2[%get3A_1087, %get3A_1088] : memref<32x8192xf32, #tpu.memory_space<vmem>>, vector<1x2048xf32>
      %add3A_1090 = vector.broadcast %get3A_1086 : vector<128x1xf32> to vector<128x2048xf32>
      %add3A_1091 = vector.broadcast %get3A_1089 : vector<1x2048xf32> to vector<128x2048xf32>
      %add3A_1092 = arith.addf %add3A_1090, %add3A_1091 : vector<128x2048xf32>
      %mul3A_1093 = arith.mulf %add3A_1092, %add3A_1092 : vector<128x2048xf32>
      %get3A_1094 = arith.constant 0 : index
      %get3A_1095 = arith.constant 15 : index
      %get3A_1096 = vector.load %arg1[%get3A_1094, %get3A_1095] : memref<128x32xf32, #tpu.memory_space<vmem>>, vector<128x1xf32>
      %get3A_1097 = arith.constant 15 : index
      %get3A_1098 = arith.constant 4096 : index
      %get3A_1099 = vector.load %arg2[%get3A_1097, %get3A_1098] : memref<32x8192xf32, #tpu.memory_space<vmem>>, vector<1x2048xf32>
      %add3A_1100 = vector.broadcast %get3A_1096 : vector<128x1xf32> to vector<128x2048xf32>
      %add3A_1101 = vector.broadcast %get3A_1099 : vector<1x2048xf32> to vector<128x2048xf32>
      %add3A_1102 = arith.addf %add3A_1100, %add3A_1101 : vector<128x2048xf32>
      %mul3A_1103 = arith.mulf %add3A_1102, %add3A_1102 : vector<128x2048xf32>
      %add3A_1104 = arith.addf %mul3A_1093, %mul3A_1103 : vector<128x2048xf32>
      %get3A_1105 = arith.constant 0 : index
      %get3A_1106 = arith.constant 23 : index
      %get3A_1107 = vector.load %arg1[%get3A_1105, %get3A_1106] : memref<128x32xf32, #tpu.memory_space<vmem>>, vector<128x1xf32>
      %get3A_1108 = arith.constant 23 : index
      %get3A_1109 = arith.constant 4096 : index
      %get3A_1110 = vector.load %arg2[%get3A_1108, %get3A_1109] : memref<32x8192xf32, #tpu.memory_space<vmem>>, vector<1x2048xf32>
      %add3A_1111 = vector.broadcast %get3A_1107 : vector<128x1xf32> to vector<128x2048xf32>
      %add3A_1112 = vector.broadcast %get3A_1110 : vector<1x2048xf32> to vector<128x2048xf32>
      %add3A_1113 = arith.addf %add3A_1111, %add3A_1112 : vector<128x2048xf32>
      %mul3A_1114 = arith.mulf %add3A_1113, %add3A_1113 : vector<128x2048xf32>
      %add3A_1115 = arith.addf %add3A_1104, %mul3A_1114 : vector<128x2048xf32>
      %get3A_1116 = arith.constant 0 : index
      %get3A_1117 = arith.constant 31 : index
      %get3A_1118 = vector.load %arg1[%get3A_1116, %get3A_1117] : memref<128x32xf32, #tpu.memory_space<vmem>>, vector<128x1xf32>
      %get3A_1119 = arith.constant 31 : index
      %get3A_1120 = arith.constant 4096 : index
      %get3A_1121 = vector.load %arg2[%get3A_1119, %get3A_1120] : memref<32x8192xf32, #tpu.memory_space<vmem>>, vector<1x2048xf32>
      %add3A_1122 = vector.broadcast %get3A_1118 : vector<128x1xf32> to vector<128x2048xf32>
      %add3A_1123 = vector.broadcast %get3A_1121 : vector<1x2048xf32> to vector<128x2048xf32>
      %add3A_1124 = arith.addf %add3A_1122, %add3A_1123 : vector<128x2048xf32>
      %mul3A_1125 = arith.mulf %add3A_1124, %add3A_1124 : vector<128x2048xf32>
      %add3A_1126 = arith.addf %add3A_1115, %mul3A_1125 : vector<128x2048xf32>
      %add3A_1127 = arith.addf %add3A_825, %add3A_997 : vector<128x2048xf32>
      %add3A_1128 = arith.addf %add3A_868, %add3A_1040 : vector<128x2048xf32>
      %add3A_1129 = arith.addf %add3A_911, %add3A_1083 : vector<128x2048xf32>
      %add3A_1130 = arith.addf %add3A_954, %add3A_1126 : vector<128x2048xf32>
      %add3A_1131 = arith.addf %add3A_1127, %add3A_1129 : vector<128x2048xf32>
      %add3A_1132 = arith.addf %add3A_1128, %add3A_1130 : vector<128x2048xf32>
      %add3A_1133 = arith.addf %add3A_1131, %add3A_1132 : vector<128x2048xf32>
      %iota3A_1134 = tpu.iota {dimensions = array<i32: 1>} : vector<128x2048xi32>
      %add3A_1135 = arith.constant 4096 : i32
      %add3A_1136 = vector.broadcast %add3A_1135 : i32 to vector<128x2048xi32>
      %add3A_1137 = arith.addi %iota3A_1134, %add3A_1136 : vector<128x2048xi32>
      %lt3A_1138 = arith.cmpf olt, %add3A_1133, %select_n3A_781 : vector<128x2048xf32>
      %select_n3A_1139 = arith.select %lt3A_1138, %add3A_1133, %select_n3A_781 : vector<128x2048xi1>, vector<128x2048xf32>
      %select_n3A_1140 = arith.select %lt3A_1138, %add3A_1137, %select_n3A_782 : vector<128x2048xi1>, vector<128x2048xi32>
      %get3A_1141 = arith.constant 0 : index
      %get3A_1142 = arith.constant 0 : index
      %get3A_1143 = vector.load %arg1[%get3A_1141, %get3A_1142] : memref<128x32xf32, #tpu.memory_space<vmem>>, vector<128x1xf32>
      %get3A_1144 = arith.constant 0 : index
      %get3A_1145 = arith.constant 6144 : index
      %get3A_1146 = vector.load %arg2[%get3A_1144, %get3A_1145] : memref<32x8192xf32, #tpu.memory_space<vmem>>, vector<1x2048xf32>
      %add3A_1147 = vector.broadcast %get3A_1143 : vector<128x1xf32> to vector<128x2048xf32>
      %add3A_1148 = vector.broadcast %get3A_1146 : vector<1x2048xf32> to vector<128x2048xf32>
      %add3A_1149 = arith.addf %add3A_1147, %add3A_1148 : vector<128x2048xf32>
      %mul3A_1150 = arith.mulf %add3A_1149, %add3A_1149 : vector<128x2048xf32>
      %get3A_1151 = arith.constant 0 : index
      %get3A_1152 = arith.constant 8 : index
      %get3A_1153 = vector.load %arg1[%get3A_1151, %get3A_1152] : memref<128x32xf32, #tpu.memory_space<vmem>>, vector<128x1xf32>
      %get3A_1154 = arith.constant 8 : index
      %get3A_1155 = arith.constant 6144 : index
      %get3A_1156 = vector.load %arg2[%get3A_1154, %get3A_1155] : memref<32x8192xf32, #tpu.memory_space<vmem>>, vector<1x2048xf32>
      %add3A_1157 = vector.broadcast %get3A_1153 : vector<128x1xf32> to vector<128x2048xf32>
      %add3A_1158 = vector.broadcast %get3A_1156 : vector<1x2048xf32> to vector<128x2048xf32>
      %add3A_1159 = arith.addf %add3A_1157, %add3A_1158 : vector<128x2048xf32>
      %mul3A_1160 = arith.mulf %add3A_1159, %add3A_1159 : vector<128x2048xf32>
      %add3A_1161 = arith.addf %mul3A_1150, %mul3A_1160 : vector<128x2048xf32>
      %get3A_1162 = arith.constant 0 : index
      %get3A_1163 = arith.constant 16 : index
      %get3A_1164 = vector.load %arg1[%get3A_1162, %get3A_1163] : memref<128x32xf32, #tpu.memory_space<vmem>>, vector<128x1xf32>
      %get3A_1165 = arith.constant 16 : index
      %get3A_1166 = arith.constant 6144 : index
      %get3A_1167 = vector.load %arg2[%get3A_1165, %get3A_1166] : memref<32x8192xf32, #tpu.memory_space<vmem>>, vector<1x2048xf32>
      %add3A_1168 = vector.broadcast %get3A_1164 : vector<128x1xf32> to vector<128x2048xf32>
      %add3A_1169 = vector.broadcast %get3A_1167 : vector<1x2048xf32> to vector<128x2048xf32>
      %add3A_1170 = arith.addf %add3A_1168, %add3A_1169 : vector<128x2048xf32>
      %mul3A_1171 = arith.mulf %add3A_1170, %add3A_1170 : vector<128x2048xf32>
      %add3A_1172 = arith.addf %add3A_1161, %mul3A_1171 : vector<128x2048xf32>
      %get3A_1173 = arith.constant 0 : index
      %get3A_1174 = arith.constant 24 : index
      %get3A_1175 = vector.load %arg1[%get3A_1173, %get3A_1174] : memref<128x32xf32, #tpu.memory_space<vmem>>, vector<128x1xf32>
      %get3A_1176 = arith.constant 24 : index
      %get3A_1177 = arith.constant 6144 : index
      %get3A_1178 = vector.load %arg2[%get3A_1176, %get3A_1177] : memref<32x8192xf32, #tpu.memory_space<vmem>>, vector<1x2048xf32>
      %add3A_1179 = vector.broadcast %get3A_1175 : vector<128x1xf32> to vector<128x2048xf32>
      %add3A_1180 = vector.broadcast %get3A_1178 : vector<1x2048xf32> to vector<128x2048xf32>
      %add3A_1181 = arith.addf %add3A_1179, %add3A_1180 : vector<128x2048xf32>
      %mul3A_1182 = arith.mulf %add3A_1181, %add3A_1181 : vector<128x2048xf32>
      %add3A_1183 = arith.addf %add3A_1172, %mul3A_1182 : vector<128x2048xf32>
      %get3A_1184 = arith.constant 0 : index
      %get3A_1185 = arith.constant 1 : index
      %get3A_1186 = vector.load %arg1[%get3A_1184, %get3A_1185] : memref<128x32xf32, #tpu.memory_space<vmem>>, vector<128x1xf32>
      %get3A_1187 = arith.constant 1 : index
      %get3A_1188 = arith.constant 6144 : index
      %get3A_1189 = vector.load %arg2[%get3A_1187, %get3A_1188] : memref<32x8192xf32, #tpu.memory_space<vmem>>, vector<1x2048xf32>
      %add3A_1190 = vector.broadcast %get3A_1186 : vector<128x1xf32> to vector<128x2048xf32>
      %add3A_1191 = vector.broadcast %get3A_1189 : vector<1x2048xf32> to vector<128x2048xf32>
      %add3A_1192 = arith.addf %add3A_1190, %add3A_1191 : vector<128x2048xf32>
      %mul3A_1193 = arith.mulf %add3A_1192, %add3A_1192 : vector<128x2048xf32>
      %get3A_1194 = arith.constant 0 : index
      %get3A_1195 = arith.constant 9 : index
      %get3A_1196 = vector.load %arg1[%get3A_1194, %get3A_1195] : memref<128x32xf32, #tpu.memory_space<vmem>>, vector<128x1xf32>
      %get3A_1197 = arith.constant 9 : index
      %get3A_1198 = arith.constant 6144 : index
      %get3A_1199 = vector.load %arg2[%get3A_1197, %get3A_1198] : memref<32x8192xf32, #tpu.memory_space<vmem>>, vector<1x2048xf32>
      %add3A_1200 = vector.broadcast %get3A_1196 : vector<128x1xf32> to vector<128x2048xf32>
      %add3A_1201 = vector.broadcast %get3A_1199 : vector<1x2048xf32> to vector<128x2048xf32>
      %add3A_1202 = arith.addf %add3A_1200, %add3A_1201 : vector<128x2048xf32>
      %mul3A_1203 = arith.mulf %add3A_1202, %add3A_1202 : vector<128x2048xf32>
      %add3A_1204 = arith.addf %mul3A_1193, %mul3A_1203 : vector<128x2048xf32>
      %get3A_1205 = arith.constant 0 : index
      %get3A_1206 = arith.constant 17 : index
      %get3A_1207 = vector.load %arg1[%get3A_1205, %get3A_1206] : memref<128x32xf32, #tpu.memory_space<vmem>>, vector<128x1xf32>
      %get3A_1208 = arith.constant 17 : index
      %get3A_1209 = arith.constant 6144 : index
      %get3A_1210 = vector.load %arg2[%get3A_1208, %get3A_1209] : memref<32x8192xf32, #tpu.memory_space<vmem>>, vector<1x2048xf32>
      %add3A_1211 = vector.broadcast %get3A_1207 : vector<128x1xf32> to vector<128x2048xf32>
      %add3A_1212 = vector.broadcast %get3A_1210 : vector<1x2048xf32> to vector<128x2048xf32>
      %add3A_1213 = arith.addf %add3A_1211, %add3A_1212 : vector<128x2048xf32>
      %mul3A_1214 = arith.mulf %add3A_1213, %add3A_1213 : vector<128x2048xf32>
      %add3A_1215 = arith.addf %add3A_1204, %mul3A_1214 : vector<128x2048xf32>
      %get3A_1216 = arith.constant 0 : index
      %get3A_1217 = arith.constant 25 : index
      %get3A_1218 = vector.load %arg1[%get3A_1216, %get3A_1217] : memref<128x32xf32, #tpu.memory_space<vmem>>, vector<128x1xf32>
      %get3A_1219 = arith.constant 25 : index
      %get3A_1220 = arith.constant 6144 : index
      %get3A_1221 = vector.load %arg2[%get3A_1219, %get3A_1220] : memref<32x8192xf32, #tpu.memory_space<vmem>>, vector<1x2048xf32>
      %add3A_1222 = vector.broadcast %get3A_1218 : vector<128x1xf32> to vector<128x2048xf32>
      %add3A_1223 = vector.broadcast %get3A_1221 : vector<1x2048xf32> to vector<128x2048xf32>
      %add3A_1224 = arith.addf %add3A_1222, %add3A_1223 : vector<128x2048xf32>
      %mul3A_1225 = arith.mulf %add3A_1224, %add3A_1224 : vector<128x2048xf32>
      %add3A_1226 = arith.addf %add3A_1215, %mul3A_1225 : vector<128x2048xf32>
      %get3A_1227 = arith.constant 0 : index
      %get3A_1228 = arith.constant 2 : index
      %get3A_1229 = vector.load %arg1[%get3A_1227, %get3A_1228] : memref<128x32xf32, #tpu.memory_space<vmem>>, vector<128x1xf32>
      %get3A_1230 = arith.constant 2 : index
      %get3A_1231 = arith.constant 6144 : index
      %get3A_1232 = vector.load %arg2[%get3A_1230, %get3A_1231] : memref<32x8192xf32, #tpu.memory_space<vmem>>, vector<1x2048xf32>
      %add3A_1233 = vector.broadcast %get3A_1229 : vector<128x1xf32> to vector<128x2048xf32>
      %add3A_1234 = vector.broadcast %get3A_1232 : vector<1x2048xf32> to vector<128x2048xf32>
      %add3A_1235 = arith.addf %add3A_1233, %add3A_1234 : vector<128x2048xf32>
      %mul3A_1236 = arith.mulf %add3A_1235, %add3A_1235 : vector<128x2048xf32>
      %get3A_1237 = arith.constant 0 : index
      %get3A_1238 = arith.constant 10 : index
      %get3A_1239 = vector.load %arg1[%get3A_1237, %get3A_1238] : memref<128x32xf32, #tpu.memory_space<vmem>>, vector<128x1xf32>
      %get3A_1240 = arith.constant 10 : index
      %get3A_1241 = arith.constant 6144 : index
      %get3A_1242 = vector.load %arg2[%get3A_1240, %get3A_1241] : memref<32x8192xf32, #tpu.memory_space<vmem>>, vector<1x2048xf32>
      %add3A_1243 = vector.broadcast %get3A_1239 : vector<128x1xf32> to vector<128x2048xf32>
      %add3A_1244 = vector.broadcast %get3A_1242 : vector<1x2048xf32> to vector<128x2048xf32>
      %add3A_1245 = arith.addf %add3A_1243, %add3A_1244 : vector<128x2048xf32>
      %mul3A_1246 = arith.mulf %add3A_1245, %add3A_1245 : vector<128x2048xf32>
      %add3A_1247 = arith.addf %mul3A_1236, %mul3A_1246 : vector<128x2048xf32>
      %get3A_1248 = arith.constant 0 : index
      %get3A_1249 = arith.constant 18 : index
      %get3A_1250 = vector.load %arg1[%get3A_1248, %get3A_1249] : memref<128x32xf32, #tpu.memory_space<vmem>>, vector<128x1xf32>
      %get3A_1251 = arith.constant 18 : index
      %get3A_1252 = arith.constant 6144 : index
      %get3A_1253 = vector.load %arg2[%get3A_1251, %get3A_1252] : memref<32x8192xf32, #tpu.memory_space<vmem>>, vector<1x2048xf32>
      %add3A_1254 = vector.broadcast %get3A_1250 : vector<128x1xf32> to vector<128x2048xf32>
      %add3A_1255 = vector.broadcast %get3A_1253 : vector<1x2048xf32> to vector<128x2048xf32>
      %add3A_1256 = arith.addf %add3A_1254, %add3A_1255 : vector<128x2048xf32>
      %mul3A_1257 = arith.mulf %add3A_1256, %add3A_1256 : vector<128x2048xf32>
      %add3A_1258 = arith.addf %add3A_1247, %mul3A_1257 : vector<128x2048xf32>
      %get3A_1259 = arith.constant 0 : index
      %get3A_1260 = arith.constant 26 : index
      %get3A_1261 = vector.load %arg1[%get3A_1259, %get3A_1260] : memref<128x32xf32, #tpu.memory_space<vmem>>, vector<128x1xf32>
      %get3A_1262 = arith.constant 26 : index
      %get3A_1263 = arith.constant 6144 : index
      %get3A_1264 = vector.load %arg2[%get3A_1262, %get3A_1263] : memref<32x8192xf32, #tpu.memory_space<vmem>>, vector<1x2048xf32>
      %add3A_1265 = vector.broadcast %get3A_1261 : vector<128x1xf32> to vector<128x2048xf32>
      %add3A_1266 = vector.broadcast %get3A_1264 : vector<1x2048xf32> to vector<128x2048xf32>
      %add3A_1267 = arith.addf %add3A_1265, %add3A_1266 : vector<128x2048xf32>
      %mul3A_1268 = arith.mulf %add3A_1267, %add3A_1267 : vector<128x2048xf32>
      %add3A_1269 = arith.addf %add3A_1258, %mul3A_1268 : vector<128x2048xf32>
      %get3A_1270 = arith.constant 0 : index
      %get3A_1271 = arith.constant 3 : index
      %get3A_1272 = vector.load %arg1[%get3A_1270, %get3A_1271] : memref<128x32xf32, #tpu.memory_space<vmem>>, vector<128x1xf32>
      %get3A_1273 = arith.constant 3 : index
      %get3A_1274 = arith.constant 6144 : index
      %get3A_1275 = vector.load %arg2[%get3A_1273, %get3A_1274] : memref<32x8192xf32, #tpu.memory_space<vmem>>, vector<1x2048xf32>
      %add3A_1276 = vector.broadcast %get3A_1272 : vector<128x1xf32> to vector<128x2048xf32>
      %add3A_1277 = vector.broadcast %get3A_1275 : vector<1x2048xf32> to vector<128x2048xf32>
      %add3A_1278 = arith.addf %add3A_1276, %add3A_1277 : vector<128x2048xf32>
      %mul3A_1279 = arith.mulf %add3A_1278, %add3A_1278 : vector<128x2048xf32>
      %get3A_1280 = arith.constant 0 : index
      %get3A_1281 = arith.constant 11 : index
      %get3A_1282 = vector.load %arg1[%get3A_1280, %get3A_1281] : memref<128x32xf32, #tpu.memory_space<vmem>>, vector<128x1xf32>
      %get3A_1283 = arith.constant 11 : index
      %get3A_1284 = arith.constant 6144 : index
      %get3A_1285 = vector.load %arg2[%get3A_1283, %get3A_1284] : memref<32x8192xf32, #tpu.memory_space<vmem>>, vector<1x2048xf32>
      %add3A_1286 = vector.broadcast %get3A_1282 : vector<128x1xf32> to vector<128x2048xf32>
      %add3A_1287 = vector.broadcast %get3A_1285 : vector<1x2048xf32> to vector<128x2048xf32>
      %add3A_1288 = arith.addf %add3A_1286, %add3A_1287 : vector<128x2048xf32>
      %mul3A_1289 = arith.mulf %add3A_1288, %add3A_1288 : vector<128x2048xf32>
      %add3A_1290 = arith.addf %mul3A_1279, %mul3A_1289 : vector<128x2048xf32>
      %get3A_1291 = arith.constant 0 : index
      %get3A_1292 = arith.constant 19 : index
      %get3A_1293 = vector.load %arg1[%get3A_1291, %get3A_1292] : memref<128x32xf32, #tpu.memory_space<vmem>>, vector<128x1xf32>
      %get3A_1294 = arith.constant 19 : index
      %get3A_1295 = arith.constant 6144 : index
      %get3A_1296 = vector.load %arg2[%get3A_1294, %get3A_1295] : memref<32x8192xf32, #tpu.memory_space<vmem>>, vector<1x2048xf32>
      %add3A_1297 = vector.broadcast %get3A_1293 : vector<128x1xf32> to vector<128x2048xf32>
      %add3A_1298 = vector.broadcast %get3A_1296 : vector<1x2048xf32> to vector<128x2048xf32>
      %add3A_1299 = arith.addf %add3A_1297, %add3A_1298 : vector<128x2048xf32>
      %mul3A_1300 = arith.mulf %add3A_1299, %add3A_1299 : vector<128x2048xf32>
      %add3A_1301 = arith.addf %add3A_1290, %mul3A_1300 : vector<128x2048xf32>
      %get3A_1302 = arith.constant 0 : index
      %get3A_1303 = arith.constant 27 : index
      %get3A_1304 = vector.load %arg1[%get3A_1302, %get3A_1303] : memref<128x32xf32, #tpu.memory_space<vmem>>, vector<128x1xf32>
      %get3A_1305 = arith.constant 27 : index
      %get3A_1306 = arith.constant 6144 : index
      %get3A_1307 = vector.load %arg2[%get3A_1305, %get3A_1306] : memref<32x8192xf32, #tpu.memory_space<vmem>>, vector<1x2048xf32>
      %add3A_1308 = vector.broadcast %get3A_1304 : vector<128x1xf32> to vector<128x2048xf32>
      %add3A_1309 = vector.broadcast %get3A_1307 : vector<1x2048xf32> to vector<128x2048xf32>
      %add3A_1310 = arith.addf %add3A_1308, %add3A_1309 : vector<128x2048xf32>
      %mul3A_1311 = arith.mulf %add3A_1310, %add3A_1310 : vector<128x2048xf32>
      %add3A_1312 = arith.addf %add3A_1301, %mul3A_1311 : vector<128x2048xf32>
      %get3A_1313 = arith.constant 0 : index
      %get3A_1314 = arith.constant 4 : index
      %get3A_1315 = vector.load %arg1[%get3A_1313, %get3A_1314] : memref<128x32xf32, #tpu.memory_space<vmem>>, vector<128x1xf32>
      %get3A_1316 = arith.constant 4 : index
      %get3A_1317 = arith.constant 6144 : index
      %get3A_1318 = vector.load %arg2[%get3A_1316, %get3A_1317] : memref<32x8192xf32, #tpu.memory_space<vmem>>, vector<1x2048xf32>
      %add3A_1319 = vector.broadcast %get3A_1315 : vector<128x1xf32> to vector<128x2048xf32>
      %add3A_1320 = vector.broadcast %get3A_1318 : vector<1x2048xf32> to vector<128x2048xf32>
      %add3A_1321 = arith.addf %add3A_1319, %add3A_1320 : vector<128x2048xf32>
      %mul3A_1322 = arith.mulf %add3A_1321, %add3A_1321 : vector<128x2048xf32>
      %get3A_1323 = arith.constant 0 : index
      %get3A_1324 = arith.constant 12 : index
      %get3A_1325 = vector.load %arg1[%get3A_1323, %get3A_1324] : memref<128x32xf32, #tpu.memory_space<vmem>>, vector<128x1xf32>
      %get3A_1326 = arith.constant 12 : index
      %get3A_1327 = arith.constant 6144 : index
      %get3A_1328 = vector.load %arg2[%get3A_1326, %get3A_1327] : memref<32x8192xf32, #tpu.memory_space<vmem>>, vector<1x2048xf32>
      %add3A_1329 = vector.broadcast %get3A_1325 : vector<128x1xf32> to vector<128x2048xf32>
      %add3A_1330 = vector.broadcast %get3A_1328 : vector<1x2048xf32> to vector<128x2048xf32>
      %add3A_1331 = arith.addf %add3A_1329, %add3A_1330 : vector<128x2048xf32>
      %mul3A_1332 = arith.mulf %add3A_1331, %add3A_1331 : vector<128x2048xf32>
      %add3A_1333 = arith.addf %mul3A_1322, %mul3A_1332 : vector<128x2048xf32>
      %get3A_1334 = arith.constant 0 : index
      %get3A_1335 = arith.constant 20 : index
      %get3A_1336 = vector.load %arg1[%get3A_1334, %get3A_1335] : memref<128x32xf32, #tpu.memory_space<vmem>>, vector<128x1xf32>
      %get3A_1337 = arith.constant 20 : index
      %get3A_1338 = arith.constant 6144 : index
      %get3A_1339 = vector.load %arg2[%get3A_1337, %get3A_1338] : memref<32x8192xf32, #tpu.memory_space<vmem>>, vector<1x2048xf32>
      %add3A_1340 = vector.broadcast %get3A_1336 : vector<128x1xf32> to vector<128x2048xf32>
      %add3A_1341 = vector.broadcast %get3A_1339 : vector<1x2048xf32> to vector<128x2048xf32>
      %add3A_1342 = arith.addf %add3A_1340, %add3A_1341 : vector<128x2048xf32>
      %mul3A_1343 = arith.mulf %add3A_1342, %add3A_1342 : vector<128x2048xf32>
      %add3A_1344 = arith.addf %add3A_1333, %mul3A_1343 : vector<128x2048xf32>
      %get3A_1345 = arith.constant 0 : index
      %get3A_1346 = arith.constant 28 : index
      %get3A_1347 = vector.load %arg1[%get3A_1345, %get3A_1346] : memref<128x32xf32, #tpu.memory_space<vmem>>, vector<128x1xf32>
      %get3A_1348 = arith.constant 28 : index
      %get3A_1349 = arith.constant 6144 : index
      %get3A_1350 = vector.load %arg2[%get3A_1348, %get3A_1349] : memref<32x8192xf32, #tpu.memory_space<vmem>>, vector<1x2048xf32>
      %add3A_1351 = vector.broadcast %get3A_1347 : vector<128x1xf32> to vector<128x2048xf32>
      %add3A_1352 = vector.broadcast %get3A_1350 : vector<1x2048xf32> to vector<128x2048xf32>
      %add3A_1353 = arith.addf %add3A_1351, %add3A_1352 : vector<128x2048xf32>
      %mul3A_1354 = arith.mulf %add3A_1353, %add3A_1353 : vector<128x2048xf32>
      %add3A_1355 = arith.addf %add3A_1344, %mul3A_1354 : vector<128x2048xf32>
      %get3A_1356 = arith.constant 0 : index
      %get3A_1357 = arith.constant 5 : index
      %get3A_1358 = vector.load %arg1[%get3A_1356, %get3A_1357] : memref<128x32xf32, #tpu.memory_space<vmem>>, vector<128x1xf32>
      %get3A_1359 = arith.constant 5 : index
      %get3A_1360 = arith.constant 6144 : index
      %get3A_1361 = vector.load %arg2[%get3A_1359, %get3A_1360] : memref<32x8192xf32, #tpu.memory_space<vmem>>, vector<1x2048xf32>
      %add3A_1362 = vector.broadcast %get3A_1358 : vector<128x1xf32> to vector<128x2048xf32>
      %add3A_1363 = vector.broadcast %get3A_1361 : vector<1x2048xf32> to vector<128x2048xf32>
      %add3A_1364 = arith.addf %add3A_1362, %add3A_1363 : vector<128x2048xf32>
      %mul3A_1365 = arith.mulf %add3A_1364, %add3A_1364 : vector<128x2048xf32>
      %get3A_1366 = arith.constant 0 : index
      %get3A_1367 = arith.constant 13 : index
      %get3A_1368 = vector.load %arg1[%get3A_1366, %get3A_1367] : memref<128x32xf32, #tpu.memory_space<vmem>>, vector<128x1xf32>
      %get3A_1369 = arith.constant 13 : index
      %get3A_1370 = arith.constant 6144 : index
      %get3A_1371 = vector.load %arg2[%get3A_1369, %get3A_1370] : memref<32x8192xf32, #tpu.memory_space<vmem>>, vector<1x2048xf32>
      %add3A_1372 = vector.broadcast %get3A_1368 : vector<128x1xf32> to vector<128x2048xf32>
      %add3A_1373 = vector.broadcast %get3A_1371 : vector<1x2048xf32> to vector<128x2048xf32>
      %add3A_1374 = arith.addf %add3A_1372, %add3A_1373 : vector<128x2048xf32>
      %mul3A_1375 = arith.mulf %add3A_1374, %add3A_1374 : vector<128x2048xf32>
      %add3A_1376 = arith.addf %mul3A_1365, %mul3A_1375 : vector<128x2048xf32>
      %get3A_1377 = arith.constant 0 : index
      %get3A_1378 = arith.constant 21 : index
      %get3A_1379 = vector.load %arg1[%get3A_1377, %get3A_1378] : memref<128x32xf32, #tpu.memory_space<vmem>>, vector<128x1xf32>
      %get3A_1380 = arith.constant 21 : index
      %get3A_1381 = arith.constant 6144 : index
      %get3A_1382 = vector.load %arg2[%get3A_1380, %get3A_1381] : memref<32x8192xf32, #tpu.memory_space<vmem>>, vector<1x2048xf32>
      %add3A_1383 = vector.broadcast %get3A_1379 : vector<128x1xf32> to vector<128x2048xf32>
      %add3A_1384 = vector.broadcast %get3A_1382 : vector<1x2048xf32> to vector<128x2048xf32>
      %add3A_1385 = arith.addf %add3A_1383, %add3A_1384 : vector<128x2048xf32>
      %mul3A_1386 = arith.mulf %add3A_1385, %add3A_1385 : vector<128x2048xf32>
      %add3A_1387 = arith.addf %add3A_1376, %mul3A_1386 : vector<128x2048xf32>
      %get3A_1388 = arith.constant 0 : index
      %get3A_1389 = arith.constant 29 : index
      %get3A_1390 = vector.load %arg1[%get3A_1388, %get3A_1389] : memref<128x32xf32, #tpu.memory_space<vmem>>, vector<128x1xf32>
      %get3A_1391 = arith.constant 29 : index
      %get3A_1392 = arith.constant 6144 : index
      %get3A_1393 = vector.load %arg2[%get3A_1391, %get3A_1392] : memref<32x8192xf32, #tpu.memory_space<vmem>>, vector<1x2048xf32>
      %add3A_1394 = vector.broadcast %get3A_1390 : vector<128x1xf32> to vector<128x2048xf32>
      %add3A_1395 = vector.broadcast %get3A_1393 : vector<1x2048xf32> to vector<128x2048xf32>
      %add3A_1396 = arith.addf %add3A_1394, %add3A_1395 : vector<128x2048xf32>
      %mul3A_1397 = arith.mulf %add3A_1396, %add3A_1396 : vector<128x2048xf32>
      %add3A_1398 = arith.addf %add3A_1387, %mul3A_1397 : vector<128x2048xf32>
      %get3A_1399 = arith.constant 0 : index
      %get3A_1400 = arith.constant 6 : index
      %get3A_1401 = vector.load %arg1[%get3A_1399, %get3A_1400] : memref<128x32xf32, #tpu.memory_space<vmem>>, vector<128x1xf32>
      %get3A_1402 = arith.constant 6 : index
      %get3A_1403 = arith.constant 6144 : index
      %get3A_1404 = vector.load %arg2[%get3A_1402, %get3A_1403] : memref<32x8192xf32, #tpu.memory_space<vmem>>, vector<1x2048xf32>
      %add3A_1405 = vector.broadcast %get3A_1401 : vector<128x1xf32> to vector<128x2048xf32>
      %add3A_1406 = vector.broadcast %get3A_1404 : vector<1x2048xf32> to vector<128x2048xf32>
      %add3A_1407 = arith.addf %add3A_1405, %add3A_1406 : vector<128x2048xf32>
      %mul3A_1408 = arith.mulf %add3A_1407, %add3A_1407 : vector<128x2048xf32>
      %get3A_1409 = arith.constant 0 : index
      %get3A_1410 = arith.constant 14 : index
      %get3A_1411 = vector.load %arg1[%get3A_1409, %get3A_1410] : memref<128x32xf32, #tpu.memory_space<vmem>>, vector<128x1xf32>
      %get3A_1412 = arith.constant 14 : index
      %get3A_1413 = arith.constant 6144 : index
      %get3A_1414 = vector.load %arg2[%get3A_1412, %get3A_1413] : memref<32x8192xf32, #tpu.memory_space<vmem>>, vector<1x2048xf32>
      %add3A_1415 = vector.broadcast %get3A_1411 : vector<128x1xf32> to vector<128x2048xf32>
      %add3A_1416 = vector.broadcast %get3A_1414 : vector<1x2048xf32> to vector<128x2048xf32>
      %add3A_1417 = arith.addf %add3A_1415, %add3A_1416 : vector<128x2048xf32>
      %mul3A_1418 = arith.mulf %add3A_1417, %add3A_1417 : vector<128x2048xf32>
      %add3A_1419 = arith.addf %mul3A_1408, %mul3A_1418 : vector<128x2048xf32>
      %get3A_1420 = arith.constant 0 : index
      %get3A_1421 = arith.constant 22 : index
      %get3A_1422 = vector.load %arg1[%get3A_1420, %get3A_1421] : memref<128x32xf32, #tpu.memory_space<vmem>>, vector<128x1xf32>
      %get3A_1423 = arith.constant 22 : index
      %get3A_1424 = arith.constant 6144 : index
      %get3A_1425 = vector.load %arg2[%get3A_1423, %get3A_1424] : memref<32x8192xf32, #tpu.memory_space<vmem>>, vector<1x2048xf32>
      %add3A_1426 = vector.broadcast %get3A_1422 : vector<128x1xf32> to vector<128x2048xf32>
      %add3A_1427 = vector.broadcast %get3A_1425 : vector<1x2048xf32> to vector<128x2048xf32>
      %add3A_1428 = arith.addf %add3A_1426, %add3A_1427 : vector<128x2048xf32>
      %mul3A_1429 = arith.mulf %add3A_1428, %add3A_1428 : vector<128x2048xf32>
      %add3A_1430 = arith.addf %add3A_1419, %mul3A_1429 : vector<128x2048xf32>
      %get3A_1431 = arith.constant 0 : index
      %get3A_1432 = arith.constant 30 : index
      %get3A_1433 = vector.load %arg1[%get3A_1431, %get3A_1432] : memref<128x32xf32, #tpu.memory_space<vmem>>, vector<128x1xf32>
      %get3A_1434 = arith.constant 30 : index
      %get3A_1435 = arith.constant 6144 : index
      %get3A_1436 = vector.load %arg2[%get3A_1434, %get3A_1435] : memref<32x8192xf32, #tpu.memory_space<vmem>>, vector<1x2048xf32>
      %add3A_1437 = vector.broadcast %get3A_1433 : vector<128x1xf32> to vector<128x2048xf32>
      %add3A_1438 = vector.broadcast %get3A_1436 : vector<1x2048xf32> to vector<128x2048xf32>
      %add3A_1439 = arith.addf %add3A_1437, %add3A_1438 : vector<128x2048xf32>
      %mul3A_1440 = arith.mulf %add3A_1439, %add3A_1439 : vector<128x2048xf32>
      %add3A_1441 = arith.addf %add3A_1430, %mul3A_1440 : vector<128x2048xf32>
      %get3A_1442 = arith.constant 0 : index
      %get3A_1443 = arith.constant 7 : index
      %get3A_1444 = vector.load %arg1[%get3A_1442, %get3A_1443] : memref<128x32xf32, #tpu.memory_space<vmem>>, vector<128x1xf32>
      %get3A_1445 = arith.constant 7 : index
      %get3A_1446 = arith.constant 6144 : index
      %get3A_1447 = vector.load %arg2[%get3A_1445, %get3A_1446] : memref<32x8192xf32, #tpu.memory_space<vmem>>, vector<1x2048xf32>
      %add3A_1448 = vector.broadcast %get3A_1444 : vector<128x1xf32> to vector<128x2048xf32>
      %add3A_1449 = vector.broadcast %get3A_1447 : vector<1x2048xf32> to vector<128x2048xf32>
      %add3A_1450 = arith.addf %add3A_1448, %add3A_1449 : vector<128x2048xf32>
      %mul3A_1451 = arith.mulf %add3A_1450, %add3A_1450 : vector<128x2048xf32>
      %get3A_1452 = arith.constant 0 : index
      %get3A_1453 = arith.constant 15 : index
      %get3A_1454 = vector.load %arg1[%get3A_1452, %get3A_1453] : memref<128x32xf32, #tpu.memory_space<vmem>>, vector<128x1xf32>
      %get3A_1455 = arith.constant 15 : index
      %get3A_1456 = arith.constant 6144 : index
      %get3A_1457 = vector.load %arg2[%get3A_1455, %get3A_1456] : memref<32x8192xf32, #tpu.memory_space<vmem>>, vector<1x2048xf32>
      %add3A_1458 = vector.broadcast %get3A_1454 : vector<128x1xf32> to vector<128x2048xf32>
      %add3A_1459 = vector.broadcast %get3A_1457 : vector<1x2048xf32> to vector<128x2048xf32>
      %add3A_1460 = arith.addf %add3A_1458, %add3A_1459 : vector<128x2048xf32>
      %mul3A_1461 = arith.mulf %add3A_1460, %add3A_1460 : vector<128x2048xf32>
      %add3A_1462 = arith.addf %mul3A_1451, %mul3A_1461 : vector<128x2048xf32>
      %get3A_1463 = arith.constant 0 : index
      %get3A_1464 = arith.constant 23 : index
      %get3A_1465 = vector.load %arg1[%get3A_1463, %get3A_1464] : memref<128x32xf32, #tpu.memory_space<vmem>>, vector<128x1xf32>
      %get3A_1466 = arith.constant 23 : index
      %get3A_1467 = arith.constant 6144 : index
      %get3A_1468 = vector.load %arg2[%get3A_1466, %get3A_1467] : memref<32x8192xf32, #tpu.memory_space<vmem>>, vector<1x2048xf32>
      %add3A_1469 = vector.broadcast %get3A_1465 : vector<128x1xf32> to vector<128x2048xf32>
      %add3A_1470 = vector.broadcast %get3A_1468 : vector<1x2048xf32> to vector<128x2048xf32>
      %add3A_1471 = arith.addf %add3A_1469, %add3A_1470 : vector<128x2048xf32>
      %mul3A_1472 = arith.mulf %add3A_1471, %add3A_1471 : vector<128x2048xf32>
      %add3A_1473 = arith.addf %add3A_1462, %mul3A_1472 : vector<128x2048xf32>
      %get3A_1474 = arith.constant 0 : index
      %get3A_1475 = arith.constant 31 : index
      %get3A_1476 = vector.load %arg1[%get3A_1474, %get3A_1475] : memref<128x32xf32, #tpu.memory_space<vmem>>, vector<128x1xf32>
      %get3A_1477 = arith.constant 31 : index
      %get3A_1478 = arith.constant 6144 : index
      %get3A_1479 = vector.load %arg2[%get3A_1477, %get3A_1478] : memref<32x8192xf32, #tpu.memory_space<vmem>>, vector<1x2048xf32>
      %add3A_1480 = vector.broadcast %get3A_1476 : vector<128x1xf32> to vector<128x2048xf32>
      %add3A_1481 = vector.broadcast %get3A_1479 : vector<1x2048xf32> to vector<128x2048xf32>
      %add3A_1482 = arith.addf %add3A_1480, %add3A_1481 : vector<128x2048xf32>
      %mul3A_1483 = arith.mulf %add3A_1482, %add3A_1482 : vector<128x2048xf32>
      %add3A_1484 = arith.addf %add3A_1473, %mul3A_1483 : vector<128x2048xf32>
      %add3A_1485 = arith.addf %add3A_1183, %add3A_1355 : vector<128x2048xf32>
      %add3A_1486 = arith.addf %add3A_1226, %add3A_1398 : vector<128x2048xf32>
      %add3A_1487 = arith.addf %add3A_1269, %add3A_1441 : vector<128x2048xf32>
      %add3A_1488 = arith.addf %add3A_1312, %add3A_1484 : vector<128x2048xf32>
      %add3A_1489 = arith.addf %add3A_1485, %add3A_1487 : vector<128x2048xf32>
      %add3A_1490 = arith.addf %add3A_1486, %add3A_1488 : vector<128x2048xf32>
      %add3A_1491 = arith.addf %add3A_1489, %add3A_1490 : vector<128x2048xf32>
      %iota3A_1492 = tpu.iota {dimensions = array<i32: 1>} : vector<128x2048xi32>
      %add3A_1493 = arith.constant 6144 : i32
      %add3A_1494 = vector.broadcast %add3A_1493 : i32 to vector<128x2048xi32>
      %add3A_1495 = arith.addi %iota3A_1492, %add3A_1494 : vector<128x2048xi32>
      %lt3A_1496 = arith.cmpf olt, %add3A_1491, %select_n3A_1139 : vector<128x2048xf32>
      %select_n3A_1497 = arith.select %lt3A_1496, %add3A_1491, %select_n3A_1139 : vector<128x2048xi1>, vector<128x2048xf32>
      %select_n3A_1498 = arith.select %lt3A_1496, %add3A_1495, %select_n3A_1140 : vector<128x2048xi1>, vector<128x2048xi32>
      %reduce_min3A_1499 = arith.constant dense<0x7F800000> : vector<128xf32>
      %reduce_min3A_1500 = vector.multi_reduction <minimumf>, %select_n3A_1497, %reduce_min3A_1499 [1] : vector<128x2048xf32> to vector<128xf32>
      %broadcast_in_dim3A_1501 = vector.shape_cast %reduce_min3A_1500 : vector<128xf32> to vector<128x1xf32>
      %eq3A_1502 = vector.broadcast %broadcast_in_dim3A_1501 : vector<128x1xf32> to vector<128x2048xf32>
      %eq3A_1503 = arith.cmpf oeq, %select_n3A_1497, %eq3A_1502 : vector<128x2048xf32>
      %jit3A_1504 = arith.constant 2147483647 : i32
      %broadcast_in_dim3A_1505 = vector.broadcast %jit3A_1504 : i32 to vector<128x2048xi32>
      %select_n3A_1506 = arith.select %eq3A_1503, %select_n3A_1498, %broadcast_in_dim3A_1505 : vector<128x2048xi1>, vector<128x2048xi32>
      %reduce_min3A_1507 = arith.constant dense<2147483647> : vector<128xi32>
      %reduce_min3A_1508 = vector.multi_reduction <minsi>, %select_n3A_1506, %reduce_min3A_1507 [1] : vector<128x2048xi32> to vector<128xi32>
      %broadcast_in_dim3A_1509 = vector.shape_cast %reduce_min3A_1508 : vector<128xi32> to vector<128x1xi32>
      %concatenate3A = tpu.concatenate %broadcast_in_dim3A_1509, %broadcast_in_dim3A_1509, %broadcast_in_dim3A_1509, %broadcast_in_dim3A_1509, %broadcast_in_dim3A_1509, %broadcast_in_dim3A_1509, %broadcast_in_dim3A_1509, %broadcast_in_dim3A_1509 in 1 : vector<128x1xi32>, vector<128x1xi32>, vector<128x1xi32>, vector<128x1xi32>, vector<128x1xi32>, vector<128x1xi32>, vector<128x1xi32>, vector<128x1xi32> -> vector<128x8xi32>
      %swap3A_1510 = arith.constant 0 : index
      %swap3A_1511 = arith.constant 0 : index
      %swap3A_1512 = vector.load %arg3[%swap3A_1510, %swap3A_1511] : memref<128x8xi32, #tpu.memory_space<vmem>>, vector<128x8xi32>
      tpu.vector_store %arg3[%swap3A_1510, %swap3A_1511], %concatenate3A {strides = array<i32>} : memref<128x8xi32, #tpu.memory_space<vmem>>, vector<128x8xi32>,
      %get3A_1513 = arith.constant 0 : index
      %get3A_1514 = arith.constant 0 : index
      %get3A_1515 = vector.load %arg4[%get3A_1513, %get3A_1514] : memref<1x1xf32, #tpu.memory_space<vmem>>, vector<1x1xf32>
      %reduce_sum3A_1516 = vector.shape_cast %broadcast_in_dim3A_1501 : vector<128x1xf32> to vector<1x128x1xf32>
      %reduce_sum3A_1517 = arith.constant dense<0.000000e+00> : vector<1xf32>
      %reduce_sum3A_1518 = vector.multi_reduction <add>, %reduce_sum3A_1516, %reduce_sum3A_1517 [1, 2] : vector<1x128x1xf32> to vector<1xf32>
      %reduce_sum3A_1519 = vector.shape_cast %reduce_sum3A_1518 : vector<1xf32> to vector<1x1x1xf32>
      %reduce_sum3A_1520 = vector.extract %reduce_sum3A_1519[0, 0, 0] : f32 from vector<1x1x1xf32>
      %reshape3A = vector.broadcast %reduce_sum3A_1520 : f32 to vector<1x1xf32>
      %add3A_1521 = arith.addf %get3A_1515, %reshape3A : vector<1x1xf32>
      %swap3A_1522 = arith.constant 0 : index
      %swap3A_1523 = arith.constant 0 : index
      %swap3A_1524 = vector.load %arg4[%swap3A_1522, %swap3A_1523] : memref<1x1xf32, #tpu.memory_space<vmem>>, vector<1x1xf32>
      tpu.vector_store %arg4[%swap3A_1522, %swap3A_1523], %add3A_1521 {strides = array<i32>} : memref<1x1xf32, #tpu.memory_space<vmem>>, vector<1x1xf32>,
    } else {
    }
    %eq3A_60 = arith.constant 127 : i32
    %eq3A_61 = arith.cmpi eq, %arg0, %eq3A_60 : i32
    %convert_element_type3A_62 = arith.extui %eq3A_61 : i1 to i32
    %cond3A_63 = arith.constant 0 : i32
    %cond3A_64 = arith.cmpi ne, %convert_element_type3A_62, %cond3A_63 : i32
    scf.if %cond3A_64 {
      %get3A_65 = arith.constant 0 : index
      %get3A_66 = arith.constant 0 : index
      %get3A_67 = vector.load %arg4[%get3A_65, %get3A_66] : memref<1x1xf32, #tpu.memory_space<vmem>>, vector<1x1xf32>
      %mul3A_68 = arith.constant 2.38418579E-6 : f32
      %mul3A_69 = vector.broadcast %mul3A_68 : f32 to vector<1x1xf32>
      %mul3A_70 = arith.mulf %get3A_67, %mul3A_69 : vector<1x1xf32>
      %swap3A_71 = arith.constant 0 : index
      %swap3A_72 = arith.constant 0 : index
      %swap3A_73 = vector.load %arg4[%swap3A_71, %swap3A_72] : memref<1x1xf32, #tpu.memory_space<vmem>>, vector<1x1xf32>
      tpu.vector_store %arg4[%swap3A_71, %swap3A_72], %mul3A_70 {strides = array<i32>} : memref<1x1xf32, #tpu.memory_space<vmem>>, vector<1x1xf32>,
    } else {
    }
    return
  }
  func.func @transform_0(%arg0: i32) -> (i32, i32) {
    %c0_i32 = arith.constant 0 : i32
    %c0_i32_0 = arith.constant 0 : i32
    return %arg0, %c0_i32 : i32, i32
  }
  func.func @transform_1(%arg0: i32) -> (i32, i32) {
    %c0_i32 = arith.constant 0 : i32
    %c0_i32_0 = arith.constant 0 : i32
    %c0_i32_1 = arith.constant 0 : i32
    return %c0_i32, %c0_i32_0 : i32, i32
  }
  func.func @transform_2(%arg0: i32) -> (i32, i32) {
    %c0_i32 = arith.constant 0 : i32
    %c0_i32_0 = arith.constant 0 : i32
    return %arg0, %c0_i32 : i32, i32
  }
  func.func @transform_3(%arg0: i32) -> (i32, i32) {
    %c0_i32 = arith.constant 0 : i32
    %c0_i32_0 = arith.constant 0 : i32
    %c0_i32_1 = arith.constant 0 : i32
    return %c0_i32, %c0_i32_0 : i32, i32
  }
}

</mosaic_0001>

<sc_bundles>
// kernel: kernel.4.cloned.1.call-start
scs
__scs_entry_jumppad:
0x0: {  	(pc) =	sbr.rel $0x88, $3  }
0x1: {  	(tag) =	ssettag $0x0;
	lr =	simm.s32 $0x1  }
0x2: {  	[smem:$0x3F9F] =	sst lr;
	_ =	strace $0xD0000000  }
0x3: {  	_ = 	snop  }
0x4: {  	_ = 	snop  }
0x5: {  	_ = 	snop  }
0x6: {  	_ = 	snop  }
0x7: {  	_ = 	snop  }
__scs_overlays_trampoline_lowered:
0x8: {  	[smem:$0x3FAE] =	sst s0  }
0x9: {  	[smem:$0x3FAF] =	sst s1  }
0xa: {  	[smem:$0x3FB0] =	sst s2  }
0xb: {  	[smem:$0x3FB1] =	sst s3  }
0xc: {  	[smem:$0x3FB2] =	sst s4  }
0xd: {  	[smem:$0x3FB3] =	sst s5  }
0xe: {  	[smem:$0x3FB4] =	sst s6  }
0xf: {  	[smem:$0x3FB5] =	sst s7  }
0x10: {  	[smem:$0x3FB6] =	sst s8  }
0x11: {  	[smem:$0x3FB7] =	sst s9;
	s0 =	simm.s32 @!p0 $0x0  }
0x12: {  	s1 =	sld [smem:$0x3F9D];
	s0 =	simm.s32 @p0 $0x1  }
0x13: {  	[smem:$0x3FB8] =	sst s0;
	s0 =	simm.s32 @!p1 $0x0  }
0x14: {  	s2 =	sld [smem:$0x3F9C];
	s0 =	simm.s32 @p1 $0x1  }
0x15: {  	[smem:$0x3FB9] =	sst s0;
	s0 =	simm.s32 @!p2 $0x0  }
0x16: {  	s3 =	sld [smem:$0x3FDB];
	s0 =	simm.s32 @p2 $0x1  }
0x17: {  	s4 =	simm.s32 $0x1BF5;
	[smem:$0x3FBB] =	sst s0  }
0x18: {  	s0 =	sld [smem:$0x3F9E];
	_ =	swait.ge [sflag:s4], $0x0  }
0x19: {  	s7 =	sld [smem:$0x3F9F]  }
0x1a: {  	s8 =	sadd.s32 $0xFFFFE003, lr  }
0x1b: {  	s9 =	sadd.s32 $0xFFFFFEF7, lr;
	s5 =	simm.s32 $0xFFFFFFFF;
	p2 =	slt.u32 s8, $0xFFFFF086  }
0x1c: {  	p1 =	slt.u32 s9, $0xF7A;
	s5 =	simm.s32 @!p2 $0x0  }
0x1d: {  	s5 =	simm.s32 @p1 $0x1;
	p0 =	seq.s32 s7, s2  }
0x1e: {  	s7 =	smul.u32 @!p0 $0xF7A, s2;
	p2 =	seq.s32 @!p0 s5, $0x0  }
0x1f: {  	s9 =	smul.u32 $0xF7A, s1;
	s8 =	simm.s32 @!p0 $0x1BF5;
	p2 =	por !p2, p0  }
0x20: {  	[sflag:s8] =	ssyncset.s32 @!p0 $0xFFFFF086;
	s6 =	sadd.s32 @!p0 s3, s7;
	s7 =	simm.s32 @!p0 $0x108  }
0x21: {  	s3 =	sadd.s32 s3, s9;
	s6 =	sadd.s32 @!p0 $0x88, s6;
	s7 =	simm.s32 @p2 $0x1082  }
0x22: {  	[simem:s7], [sflag:s8] =	dma.local @!p0 [hbm:s6], $0xF7A  }
0x23: {  	s9 =	sor.u32 $0xD0000000, s2;
	s6 =	simm.s32 $0x108;
	_ =	swait.ge @!p0 [sflag:s8], $0x0  }
0x24: {  	s3 =	sadd.s32 $0x88, s3;
	s6 =	simm.s32 @!p1 $0x1082;
	[sflag:s4] =	ssyncset.s32 $0xFFFFF086  }
0x25: {  	[simem:s6], [sflag:s4] =	dma.local [hbm:s3], $0xF7A  }
0x26: {  	[smem:$0x3F9F] =	sst s1;
	(tag) =	ssettag s2;
	_ =	strace s9  }
0x27: {  	s1 =	sld [smem:$0x3FAF]  }
0x28: {  	s2 =	sld [smem:$0x3FB0]  }
0x29: {  	s4 =	sld [smem:$0x3FB2]  }
0x2a: {  	p0 =	seq.s32 s5, $0x0;
	s5 =	sld [smem:$0x3FB3]  }
0x2b: {  	s6 =	sld [smem:$0x3FB4]  }
0x2c: {  	s7 =	sld [smem:$0x3FB5]  }
0x2d: {  	s3 =	simm.s32 $0x108;
	s8 =	sld [smem:$0x3FB6]  }
0x2e: {  	s3 =	simm.s32 @!p0 $0x1082;
	s9 =	sld [smem:$0x3FB7]  }
0x2f: {  	lr =	sadd.s32 s0, s3;
	s0 =	sld [smem:$0x3FAE]  }
0x30: {  	s3 =	sld [smem:$0x3FB1]  }
0x31: {  	[smem:$0x3FBA] =	sst s10  }
0x32: {  	s10 =	sld [smem:$0x3FB8];
	_ =	sdelay $0x3  }
0x33: {  	p0 =	seq.s32 s10, $0x1;
	s10 =	sld [smem:$0x3FBA];
	_ =	sdelay $0x3  }
0x34: {  	[smem:$0x3FBA] =	sst s10  }
0x35: {  	s10 =	sld [smem:$0x3FB9];
	_ =	sdelay $0x3  }
0x36: {  	p1 =	seq.s32 s10, $0x1;
	s10 =	sld [smem:$0x3FBA];
	_ =	sdelay $0x3  }
0x37: {  	[smem:$0x3FBA] =	sst s10  }
0x38: {  	s10 =	sld [smem:$0x3FBB]  }
0x39: {  	_ = 	snop;
	(pc) =	sbr.ind lr, $3  }
0x3a: {  	_ = 	snop  }
0x3b: {  	_ = 	snop  }
0x3c: {  	p2 =	seq.s32 s10, $0x1;
	s10 =	sld [smem:$0x3FBA]  }
0x3d: {  	_ =	shalt  }
0x3e: {  	_ =	shalt  }
0x3f: {  	_ =	shalt  }
0x40: {  	_ =	shalt  }
0x41: {  	_ =	shalt  }
0x42: {  	_ =	shalt  }
0x43: {  	_ =	shalt  }
0x44: {  	_ =	shalt  }
0x45: {  	_ =	shalt  }
0x46: {  	_ =	shalt  }
0x47: {  	_ =	shalt  }
0x48: {  	_ =	shalt  }
0x49: {  	_ =	shalt  }
0x4a: {  	_ =	shalt  }
0x4b: {  	_ =	shalt  }
0x4c: {  	_ =	shalt  }
0x4d: {  	_ =	shalt  }
0x4e: {  	_ =	shalt  }
0x4f: {  	_ =	shalt  }
0x50: {  	_ =	shalt  }
0x51: {  	_ =	shalt  }
0x52: {  	_ =	shalt  }
0x53: {  	_ =	shalt  }
0x54: {  	_ =	shalt  }
0x55: {  	_ =	shalt  }
0x56: {  	_ =	shalt  }
0x57: {  	_ =	shalt  }
0x58: {  	_ =	shalt  }
0x59: {  	_ =	shalt  }
0x5a: {  	_ =	shalt  }
0x5b: {  	_ =	shalt  }
0x5c: {  	_ =	shalt  }
0x5d: {  	_ =	shalt  }
0x5e: {  	_ =	shalt  }
0x5f: {  	_ =	shalt  }
0x60: {  	_ =	shalt  }
0x61: {  	_ =	shalt  }
0x62: {  	_ =	shalt  }
0x63: {  	_ =	shalt  }
0x64: {  	_ =	shalt  }
0x65: {  	_ =	shalt  }
0x66: {  	_ =	shalt  }
0x67: {  	_ =	shalt  }
0x68: {  	_ =	shalt  }
0x69: {  	_ =	shalt  }
0x6a: {  	_ =	shalt  }
0x6b: {  	_ =	shalt  }
0x6c: {  	_ =	shalt  }
0x6d: {  	_ =	shalt  }
0x6e: {  	_ =	shalt  }
0x6f: {  	_ =	shalt  }
0x70: {  	_ =	shalt  }
0x71: {  	_ =	shalt  }
0x72: {  	_ =	shalt  }
0x73: {  	_ =	shalt  }
0x74: {  	_ =	shalt  }
0x75: {  	_ =	shalt  }
0x76: {  	_ =	shalt  }
0x77: {  	_ =	shalt  }
0x78: {  	_ =	shalt  }
0x79: {  	_ =	shalt  }
0x7a: {  	_ =	shalt  }
0x7b: {  	_ =	shalt  }
0x7c: {  	_ =	shalt  }
0x7d: {  	_ =	shalt  }
0x7e: {  	_ =	shalt  }
0x7f: {  	_ =	shalt  }
0x80: {  	_ =	shalt  }
0x81: {  	_ =	shalt  }
0x82: {  	_ =	shalt  }
0x83: {  	_ =	shalt  }
0x84: {  	_ =	shalt  }
0x85: {  	_ =	shalt  }
0x86: {  	_ =	shalt  }
0x87: {  	_ =	shalt  }
.Lfunc_end0:
.L_simem_size_0:
called_computation_lowered:
.L_overlay_start_0:
0x88: {  	s2 =	sld [smem:$0x3FD9]  }
0x89: {  	s3 =	sld [smem:$0x3FFE];
	_ =	sdelay $0x1  }
0x8a: {  	s1 =	srdreg.scid  }
0x8b: {  	s0 =	sand.u32 $0x1, s1  }
0x8c: {  	s14 =	sshll.u32 s0, $0xA;
	s2 =	sadd.s32 s3, s2  }
0x8d: {  	s2 =	sadd.s32 s2, s14  }
0x8e: {  	[smem:$0x3FC6] =	sst s2  }
0x8f: {  	_ = 	snop  }
0x90: {  	s2 =	sld [smem:$0x3FD0];
	_ =	sdelay $0x2  }
0x91: {  	s15 =	simm.s32 $0xA;
	s4 =	simm.s32 $0x10  }
0x92: {  	[smem:s4], [sflag:s15] =	dma.local [hbm:s2], $0x1  }
0x93: {  	_ =	swait.eq [sflag:s15], $0x1  }
0x94: {  	[sflag:s15] =	ssyncset.done $0x0  }
0x95: {  	s16 =	sld [smem:$0x10];
	[sflag:s15] =	ssyncadd.s32 $0xFFFFFFFF  }
0x96: {  	s17 =	sld [smem:$0x12];
	(tm) =	ssettm $0x1  }
0x97: {  	s18 =	sld [smem:$0x3FFB];
	_ =	sdelay $0x3  }
0x98: {  	_ =	strace s18  }
0x99: {  	s4 =	sld [smem:$0x3FFC];
	_ =	sdelay $0x3  }
0x9a: {  	_ =	strace s4  }
0x9b: {  	s4 =	sld [smem:$0x3FFD];
	_ =	sdelay $0x3  }
0x9c: {  	_ =	strace s4  }
0x9d: {  	_ =	strace $0x8FFFFFFF  }
0x9e: {  	s19 =	sld [smem:$0x3FDB];
	_ =	sdelay $0x1  }
0x9f: {  	s5 =	simm.s32 $_scs_section_size  }
0xa0: {  	s6 =	simm.s32 $_size__tile_overlayer_lowered;
	s7 =	simm.s32 $_tile_overlayer_lowered  }
0xa1: {  	s22 =	simm.s32 $0x1BFF;
	s21 =	sshll.u32 s7, $0x1;
	s4 =	sadd.s32 s5, s19  }
0xa2: {  	s8 =	simm.s32 $0x0;
	s20 =	sshll.u32 s6, $0x1;
	s6 =	sadd.s32 s21, s4  }
0xa3: {  	[timem:s8], [sflag:s22] =	dma.local [hbm:s6], s20  }
0xa4: {  	_ =	swait.ge [sflag:s22], s20  }
0xa5: {  	s5 =	ssub.s32 $0x0, s20;
	[sflag:s22] =	ssyncset.done $0x0  }
0xa6: {  	[sflag:s22] =	ssyncadd.s32 s5;
	_ =	sdelay $0x1  }
0xa7: {  	s23 =	simm.s32 $0x1B8B  }
0xa8: {  	_ =	swait.ge [sflag:s23], $0x1  }
0xa9: {  	[sflag:s23] =	ssyncset.done $0x0  }
0xaa: {  	s25 =	simm.s32 $0x1B8E;
	s24 =	sld [smem:$0x3FFE];
	[sflag:s23] =	ssyncadd.s32 $0xFFFFFFFF  }
0xab: {  	s26 =	simm.s32 $execute0_lowered;
	[smem:$0x3FD2] =	sst s25  }
0xac: {  	s6 =	sshll.u32 s26, $0x1;
	_ =	strace $0x80000046;
	[dreg:$0x1] =	wrdreg $0xFFFFFFFF  }
0xad: {  	s28 =	simm.s32 $_size_execute0_lowered;
	s4 =	sadd.s32 s4, s6;
	[dreg:$0x0] =	wrdreg $0x0  }
0xae: {  	s6 =	sshll.u32 s28, $0x1;
	[dreg:$0x2] =	wrdreg s4  }
0xaf: {  	[dreg:$0x3] =	wrdreg s6  }
0xb0: {  	[dreg:$0x4] =	wrdreg $0xC0  }
0xb1: {  	_ =	task [dreg:s8], $0x5FFFF  }
0xb2: {  	[dreg:$0x1] =	wrdreg $0xFFFFFFFF  }
0xb3: {  	[dreg:$0x0] =	wrdreg $0x60  }
0xb4: {  	[dreg:$0x2] =	wrdreg s24  }
0xb5: {  	[dreg:$0x3] =	wrdreg s16  }
0xb6: {  	[dreg:$0x4] =	wrdreg s17  }
0xb7: {  	[dreg:$0x5] =	wrdreg $0x9  }
0xb8: {  	_ =	task.clear_ibuf [dreg:s8], $0x6FFFF;
	_ =	strace $0x90000046  }
0xb9: {  	s29 =	simm.s32 $0x9;
	_ =	strace $0x80000048  }
0xba: {  	_ =	swait.ge [sflag:s29], $0x1  }
0xbb: {  	[sflag:s29] =	ssyncadd.s32 $0xFFFFFFFF  }
0xbc: {  	_ =	strace $0x90000048  }
0xbd: {  	_ =	sfence  }
0xbe: {  	s30 =	sld [smem:$0x0];
	_ =	sdelay $0x2  }
0xbf: {  	s31 =	sshll.u32 s1, $0xD;
	s1 =	sshrl.u32 s1, $0x2  }
0xc0: {  	s3 =	sand.u32 $0x4000, s31;
	s1 =	sadd.s32 s1, s30  }
0xc1: {  	s0 =	sor.u32 s3, s0;
	s1 =	sshll.u32 s1, $0x11  }
0xc2: {  	s0 =	sor.u32 s1, s0  }
0xc3: {  	s0 =	sadd.s32 $0x8F2B, s0  }
0xc4: {  	[sflag:s0] =	ssyncadd.remote.s32 $0x1  }
0xc5: {  	_ =	sfence.sel $0xFFFF  }
0xc6: {  	[dreg:$0x0] =	wrdreg $0xFFFFFFFF;
	(pc) =	sbr.abs _section_cstart, $3  }
0xc7: {  	[dreg:$0x1] =	wrdreg $0xFFFFFFFF  }
0xc8: {  	_ =	task.clear_ibuf [dreg:s8], $0x2FFFF;
	_ =	strace $0x9FFFFFFF  }
0xc9: {  	(tm) =	ssettm $0x7FFFFFFF  }
tec
execute0_lowered:
.L_overlay_start_1:
0x0: {  	(tag) =	ssettag $0x1  }
0x1: {  	vm1 =	vcmask $0x300;
	v0 =	vimm.s32 $0x80000007;
	vm14 =	vcmask $0x704  }
0x2: {  	vm13 =	vcmask $0xB08;
	vm12 =	vcmask $0xF0C;
	vm11 =	vcmask $0x1310  }
0x3: {  	vm10 =	vcmask $0x1714;
	vm9 =	vcmask $0x1B18;
	vm8 =	vcmask $0x1F1C  }
0x4: {  	vm7 =	vcmask $0x2320;
	vm6 =	vcmask $0x2724;
	vm5 =	vcmask $0x2B28  }
0x5: {  	vm4 =	vcmask $0x2F2C;
	vm3 =	vcmask $0x3330;
	vm2 =	vcmask $0x3734  }
0x6: {  	s6 =	rddreg [dreg:$0x0];
	s3 =	simm.s32 $0x0;
	vm0 =	vcmask $0x3B38;
	v1 =	vimm.s32 $0x80000003;
	v2 =	vimm.s32 $0x80000001  }
0x7: {  	v3 =	vimm.s32 $0x80000000;
	s13 =	simm.s32 $0x1080;
	s14 =	simm.s32 $0x1280;
	s15 =	simm.s32 $0x1480;
	v0 =	vsel vm1, $0x80000008, v0  }
0x8: {  	v4 =	vimm.s32 $0x0;
	v5 =	vlaneseq.u32;
	[smem:$0x7FF] =	sst s3;
	s4 =	sadd.s32 $0x4C00, s6;
	s5 =	sadd.s32 $0xC00, s6;
	v1 =	vsel vm1, $0x80000004, v1  }
0x9: {  	s1 =	rddreg [dreg:$0x1];
	v2 =	vsel vm1, $0x80000002, v2;
	v3 =	vsel vm1, $0x80000001, v3;
	v0 =	vsel vm14, $0x80000009, v0  }
0xa: {  	s2 =	rddreg [dreg:$0x2];
	v4 =	vsel vm1, $0x3, v4;
	_ =	strace $0x80000047;
	v1 =	vsel vm14, $0x80000005, v1;
	v2 =	vsel vm14, $0x80000003, v2  }
0xb: {  	v3 =	vsel vm14, $0x80000002, v3;
	v0 =	vsel vm13, $0x8000000A, v0;
	v1 =	vsel vm13, $0x80000006, v1  }
0xc: {  	v2 =	vsel vm13, $0x80000004, v2;
	v3 =	vsel vm13, $0x80000003, v3;
	v0 =	vsel vm12, $0x8000000B, v0  }
0xd: {  	v1 =	vsel vm12, $0x80000007, v1;
	v2 =	vsel vm12, $0x80000005, v2;
	v3 =	vsel vm12, $0x80000004, v3  }
0xe: {  	v0 =	vsel vm11, $0x8000000C, v0;
	v1 =	vsel vm11, $0x80000008, v1;
	v2 =	vsel vm11, $0x80000006, v2  }
0xf: {  	v3 =	vsel vm11, $0x80000005, v3;
	v0 =	vsel vm10, $0x8000000D, v0;
	v1 =	vsel vm10, $0x80000009, v1  }
0x10: {  	v2 =	vsel vm10, $0x80000007, v2;
	v3 =	vsel vm10, $0x80000006, v3;
	v0 =	vsel vm9, $0x8000000E, v0  }
0x11: {  	v1 =	vsel vm9, $0x8000000A, v1;
	v2 =	vsel vm9, $0x80000008, v2;
	v3 =	vsel vm9, $0x80000007, v3  }
0x12: {  	v0 =	vsel vm8, $0x8000000F, v0;
	v1 =	vsel vm8, $0x8000000B, v1;
	v2 =	vsel vm8, $0x80000009, v2  }
0x13: {  	s0 =	stileid.u32;
	s6 =	sadd.s32 $0xCC00, s6;
	v3 =	vsel vm8, $0x80000008, v3;
	v0 =	vsel vm7, $0x80000000, v0;
	v1 =	vsel vm7, $0x8000000C, v1  }
0x14: {  	s9 =	sshll.u32 s0, $0xA;
	v2 =	vsel vm7, $0x8000000A, v2;
	v3 =	vsel vm7, $0x80000009, v3;
	v0 =	vsel vm6, $0x80000001, v0  }
0x15: {  	v1 =	vsel vm6, $0x8000000D, v1;
	v2 =	vsel vm6, $0x8000000B, v2;
	v3 =	vsel vm6, $0x8000000A, v3  }
0x16: {  	v0 =	vsel vm5, $0x80000002, v0;
	v1 =	vsel vm5, $0x8000000E, v1;
	v2 =	vsel vm5, $0x8000000C, v2  }
0x17: {  	s8 =	srdreg.scid;
	v3 =	vsel vm5, $0x8000000B, v3;
	v0 =	vsel vm4, $0x80000003, v0;
	v1 =	vsel vm4, $0x8000000F, v1  }
0x18: {  	s8 =	sand.u32 $0x1, s8;
	v2 =	vsel vm4, $0x8000000D, v2;
	v3 =	vsel vm4, $0x8000000C, v3;
	v0 =	vsel vm3, $0x80000004, v0  }
0x19: {  	s10 =	ssub.s32 $0x2, s8;
	s8 =	sshll.u32 s8, $0x9;
	v1 =	vsel vm3, $0x80000000, v1;
	v2 =	vsel vm3, $0x8000000E, v2;
	v3 =	vsel vm3, $0x8000000D, v3  }
0x1a: {  	s12 =	simm.s32 $0x1;
	s11 =	sshrl.u32 s10, $0x1;
	v0 =	vsel vm2, $0x80000005, v0;
	v1 =	vsel vm2, $0x80000001, v1;
	v2 =	vsel vm2, $0x8000000F, v2  }
0x1b: {  	s16 =	simm.s32 $0x0;
	s8 =	sor.u32 s8, s9;
	s10 =	ssub.s32 s10, s11;
	v3 =	vsel vm2, $0x8000000E, v3;
	v0 =	vsel vm0, $0x80000006, v0;
	v1 =	vsel vm0, $0x80000002, v1  }
0x1c: {  	s11 =	simm.s32 $0x80;
	s9 =	smax.u32 s10, $0x1;
	s10 =	simm.s32 $0x2;
	v2 =	vsel vm0, $0x80000000, v2;
	v3 =	vsel vm0, $0x8000000F, v3;
	vm0 =	vcmask $0x1B20  }
.LBB2_1:
0x1d: {  	s17 =	simm.s32 $0x0  }
.LBB2_2:
0x1e: {  	s18 =	sshll.u32 s17, $0x4  }
0x1f: {  	s18 =	sadd.s32 s8, s18  }
0x20: {  	s20 =	simm.s32 $0x0;
	s19 =	sadd.s32 s5, s18  }
0x21: {  	[tilespmem:s20], [sflag:$0x2] =	stream.linear.gather [hbm4b:s19+s20], $0x80, $0x38;
	[tilespmem:$0x1490] =	vst v63  }
0x22: {  	_ =	swait.ge [sflag:s10], $0x80  }
0x23: {  	[sflag:s10] =	ssyncset.done $0x0  }
0x24: {  	[sflag:s10] =	ssyncadd.s32 $0xFFFFFF80  }
0x25: {  	[tilespmem:s11], [sflag:$0x1] =	stream.indirect.gather [hbm4b:s4+s11], $0x20, s20, s11, $0xb8;
	[tilespmem:$0x1490] =	vst v63  }
0x26: {  	_ =	swait.ge [sflag:s12], $0x1000  }
0x27: {  	s19 =	sshll.u32 s18, $0x2;
	[sflag:s12] =	ssyncset.done $0x0  }
0x28: {  	s21 =	sadd.s32 s1, s19;
	[sflag:s12] =	ssyncadd.s32 $0xFFFFF000  }
0x29: {  	[tilespmem:s13], [sflag:$0x2] =	stream.linear.gather [hbm4b:s21+s20], $0x200, $0x38;
	[tilespmem:$0x1490] =	vst v63  }
0x2a: {  	_ =	swait.ge [sflag:s10], $0x200  }
0x2b: {  	[sflag:s10] =	ssyncset.done $0x0  }
0x2c: {  	s21 =	simm.s32 $0x1090;
	[sflag:s10] =	ssyncadd.s32 $0xFFFFFE00  }
0x2d: {  	s22 =	simm.s32 $0x100;
	v6 =	vld [tilespmem:s21+$0xFFFFFFF0]  }
0x2e: {  	v16 =	vld [tilespmem:s22+$0xFFFFFF80];
	_ =	sdelay $0x4  }
0x2f: {  	v7 =	vld [tilespmem:s21+$0x0];
	v9 =	vsub.f32 v6, v16  }
0x30: {  	v18 =	vld [tilespmem:s22+$0xFFFFFFE0]  }
0x31: {  	v17 =	vld [tilespmem:s22+$0xFFFFFF90];
	v14 =	vmul.f32 v9, v9  }
0x32: {  	v8 =	vld [tilespmem:s22+$0x20]  }
0x33: {  	(xrf1) =	vsort.ascd.msk.u32 $0xffff, v0, v14;
	_ =	sdelay $0x1  }
0x34: {  	v9 =	vsub.f32 v6, v18  }
0x35: {  	v19 =	vld [tilespmem:s22+$0xFFFFFFA0];
	v11 =	vsub.f32 v7, v17  }
0x36: {  	v12 =	vsub.f32 v6, v8;
	v15 =	vmul.f32 v9, v9  }
0x37: {  	v24 =	vmul.f32 v11, v11  }
0x38: {  	v10 =	vld [tilespmem:s22+$0x30];
	v25 =	vmul.f32 v12, v12;
	(xrf1) =	vsort.ascd.msk.u32 $0xffff, v0, v15  }
0x39: {  	v20 =	vld [tilespmem:s22+$0xFFFFFFB0];
	(xrf1) =	vsort.ascd.msk.u32 $0xffff, v0, v24  }
0x3a: {  	v11 =	vsub.f32 v6, v19;
	v9 =	vld [tilespmem:s22+$0x40];
	(xrf1) =	vsort.ascd.msk.u32 $0xffff, v0, v25  }
0x3b: {  	v22 =	vld [tilespmem:s22+$0xFFFFFFC0]  }
0x3c: {  	v26 =	vmul.f32 v11, v11  }
0x3d: {  	v11 =	vsub.f32 v7, v10  }
0x3e: {  	v13 =	vsub.f32 v7, v20;
	v12 =	vld [tilespmem:s22+$0x0];
	(xrf1) =	vsort.ascd.msk.u32 $0xffff, v0, v26  }
0x3f: {  	v23 =	vld [tilespmem:s22+$0xFFFFFFD0];
	v27 =	vmul.f32 v11, v11;
	v28 =	vsub.f32 v6, v9  }
0x40: {  	v29 =	vmul.f32 v13, v13;
	v13 =	vsub.f32 v6, v22;
	v11 =	vld [tilespmem:s22+$0x50];
	_, v35, _ =	vpop (xrf1)  }
0x41: {  	v21 =	vld [tilespmem:s22+$0xFFFFFFF0];
	(xrf1) =	vsort.ascd.msk.u32 $0xffff, v0, v27;
	v28 =	vmul.f32 v28, v28;
	v14 =	vadd.f32 v35, v14  }
0x42: {  	v31 =	vmul.f32 v13, v13;
	v13 =	vld [tilespmem:s22+$0x10];
	(xrf1) =	vsort.ascd.msk.u32 $0xffff, v0, v29  }
0x43: {  	v30 =	vsub.f32 v6, v12;
	(xrf1) =	vsort.ascd.msk.u32 $0xffff, v0, v28;
	v14 =	vadd.f32 v14, v24  }
0x44: {  	v32 =	vsub.f32 v7, v23;
	(xrf1) =	vsort.ascd.msk.u32 $0xffff, v0, v31  }
0x45: {  	v30 =	vmul.f32 v30, v30;
	v33 =	vsub.f32 v7, v11  }
0x46: {  	v34 =	vsub.f32 v7, v21;
	v32 =	vmul.f32 v32, v32;
	_, v36, _ =	vpop (xrf1)  }
0x47: {  	v48 =	vsub.f32 v7, v13;
	v33 =	vmul.f32 v33, v33;
	(xrf1) =	vsort.ascd.msk.u32 $0xffff, v0, v30;
	_, v50, _ =	vpop (xrf1)  }
0x48: {  	v34 =	vmul.f32 v34, v34;
	(xrf1) =	vsort.ascd.msk.u32 $0xffff, v0, v32;
	v35 =	vadd.f32 v14, v50;
	_, v14, _ =	vpop (xrf1)  }
0x49: {  	v49 =	vmul.f32 v48, v48;
	(xrf1) =	vsort.ascd.msk.u32 $0xffff, v0, v33;
	v14 =	vadd.f32 v14, v25  }
0x4a: {  	(xrf1) =	vsort.ascd.msk.u32 $0xffff, v0, v34  }
0x4b: {  	(xrf1) =	vsort.ascd.msk.u32 $0xffff, v0, v49;
	v14 =	vadd.f32 v14, v27  }
0x4c: {  	_, v51, _ =	vpop (xrf1)  }
0x4d: {  	(xrf1) =	vsort.ascd.msk.u32 $0xffff, v1, v35;
	v25 =	vadd.f32 v51, v26;
	_ =	sdelay $0x1  }
0x4e: {  	_, v52, _ =	vpop (xrf1);
	v25 =	vadd.f32 v25, v29  }
0x4f: {  	v26 =	vadd.f32 v14, v52;
	_, v14, _ =	vpop (xrf1)  }
0x50: {  	v25 =	vadd.f32 v25, v14;
	_, v14, _ =	vpop (xrf1)  }
0x51: {  	v15 =	vadd.f32 v36, v15;
	(xrf1) =	vsort.ascd.msk.u32 $0xffff, v1, v26;
	_, v53, _ =	vpop (xrf1)  }
0x52: {  	v27 =	vadd.f32 v53, v31;
	(xrf1) =	vsort.ascd.msk.u32 $0xffff, v1, v25  }
0x53: {  	v28 =	vadd.f32 v14, v28;
	v14 =	vld [tilespmem:s22+$0x60]  }
0x54: {  	_, v54, _ =	vpop (xrf1);
	v27 =	vadd.f32 v27, v32  }
0x55: {  	v29 =	vadd.f32 v54, v30;
	v28 =	vadd.f32 v28, v33;
	_, v55, _ =	vpop (xrf1)  }
0x56: {  	v56 =	vadd.f32 v15, v34;
	_, v15, _ =	vpop (xrf1);
	v27 =	vadd.f32 v27, v55  }
0x57: {  	v24 =	vadd.f32 v29, v49;
	v28 =	vadd.f32 v28, v15;
	_, v57, _ =	vpop (xrf1)  }
0x58: {  	v15 =	vld [tilespmem:s22+$0x70];
	v29 =	vadd.f32 v56, v57;
	v58 =	vsub.f32 v6, v14;
	_, v59, _ =	vpop (xrf1);
	(xrf1) =	vsort.ascd.msk.u32 $0xffff, v1, v27  }
0x59: {  	v24 =	vadd.f32 v24, v59;
	(xrf1) =	vsort.ascd.msk.u32 $0xffff, v1, v28  }
0x5a: {  	_, v60, _ =	vpop (xrf1);
	v30 =	vmul.f32 v58, v58;
	(xrf1) =	vsort.ascd.msk.u32 $0xffff, v1, v29  }
0x5b: {  	v31 =	vadd.f32 v60, v35;
	(xrf1) =	vsort.ascd.msk.u32 $0xffff, v1, v24  }
0x5c: {  	(xrf1) =	vsort.ascd.msk.u32 $0xffff, v0, v30  }
0x5d: {  	v61 =	vsub.f32 v7, v15;
	(xrf1) =	vsort.ascd.msk.u32 $0xffff, v2, v31;
	_ =	sdelay $0x1  }
0x5e: {  	v32 =	vmul.f32 v61, v61;
	_, v62, _ =	vpop (xrf1)  }
0x5f: {  	v26 =	vadd.f32 v62, v26;
	_, v63, _ =	vpop (xrf1)  }
0x60: {  	(xrf1) =	vsort.ascd.msk.u32 $0xffff, v0, v32;
	v25 =	vadd.f32 v63, v25  }
0x61: {  	(xrf1) =	vsort.ascd.msk.u32 $0xffff, v2, v26  }
0x62: {  	(xrf1) =	vsort.ascd.msk.u32 $0xffff, v2, v25;
	_ =	sdelay $0x2  }
0x63: {  	_, v36, _ =	vpop (xrf1)  }
0x64: {  	_, v37, _ =	vpop (xrf1)  }
0x65: {  	v27 =	vadd.f32 v36, v27;
	_, v38, _ =	vpop (xrf1)  }
0x66: {  	v28 =	vadd.f32 v37, v28;
	_, v39, _ =	vpop (xrf1)  }
0x67: {  	(xrf1) =	vsort.ascd.msk.u32 $0xffff, v2, v27;
	v29 =	vadd.f32 v38, v29;
	_, v40, _ =	vpop (xrf1)  }
0x68: {  	v24 =	vadd.f32 v39, v24;
	(xrf1) =	vsort.ascd.msk.u32 $0xffff, v2, v28;
	_, v41, _ =	vpop (xrf1)  }
0x69: {  	v30 =	vadd.f32 v40, v30;
	(xrf1) =	vsort.ascd.msk.u32 $0xffff, v2, v29;
	v31 =	vadd.f32 v41, v31  }
0x6a: {  	(xrf1) =	vsort.ascd.msk.u32 $0xffff, v2, v24  }
0x6b: {  	v30 =	vadd.f32 v30, v32;
	(xrf1) =	vsort.ascd.msk.u32 $0xffff, v3, v31  }
0x6c: {  	s23 =	simm.s32 $0x0;
	_, v42, _ =	vpop (xrf1)  }
0x6d: {  	v43 =	vmov s23;
	_, v44, _ =	vpop (xrf1);
	v30 =	vadd.f32 v30, v42  }
0x6e: {  	s24 =	simm.s32 $0x1;
	v33 =	vshrl.u32 v43, $0x3;
	v26 =	vadd.f32 v44, v26;
	_, v45, _ =	vpop (xrf1)  }
0x6f: {  	v47 =	vmov s24;
	v33 =	vshll.u32 v33, v4;
	(xrf1) =	vsort.ascd.msk.u32 $0xffff, v1, v30;
	v25 =	vadd.f32 v45, v25  }
0x70: {  	v46 =	vbroadcast v33, $0x0;
	v33 =	vshrl.u32 v47, $0x3;
	(xrf1) =	vsort.ascd.msk.u32 $0xffff, v3, v26  }
0x71: {  	v33 =	vshll.u32 v33, v4;
	(xrf1) =	vsort.ascd.msk.u32 $0xffff, v3, v25  }
0x72: {  	v33 =	vadd.s32 $0x1, v33  }
0x73: {  	v33 =	vbroadcast v33, $0x0  }
0x74: {  	s25 =	simm.s32 $0x2  }
0x75: {  	v50 =	vmov s25;
	_, v48, _ =	vpop (xrf1)  }
0x76: {  	v35 =	vshrl.u32 v50, $0x3;
	v32 =	vld.idx.msk [tilespmem:v46+s3+$0x0], $0xffff;
	v27 =	vadd.f32 v48, v27;
	_, v49, _ =	vpop (xrf1)  }
0x77: {  	v35 =	vshll.u32 v35, v4;
	_, v51, _ =	vpop (xrf1);
	v28 =	vadd.f32 v49, v28  }
0x78: {  	v35 =	vadd.s32 $0x2, v35;
	(xrf1) =	vsort.ascd.msk.u32 $0xffff, v3, v27;
	_, v52, _ =	vpop (xrf1);
	v29 =	vadd.f32 v51, v29  }
0x79: {  	v35 =	vbroadcast v35, $0x0;
	v33 =	vld.idx.msk [tilespmem:v33+s3+$0x0], $0xffff;
	(xrf1) =	vsort.ascd.msk.u32 $0xffff, v3, v28;
	v24 =	vadd.f32 v52, v24;
	_, v53, _ =	vpop (xrf1)  }
0x7a: {  	s26 =	simm.s32 $0x3;
	(xrf1) =	vsort.ascd.msk.u32 $0xffff, v3, v29;
	v31 =	vadd.f32 v53, v31  }
0x7b: {  	v54 =	vmov s26;
	v32 =	vxor.u32 $0x80000000, v32;
	(xrf1) =	vsort.ascd.msk.u32 $0xffff, v3, v24  }
0x7c: {  	v56 =	vshrl.u32 v54, $0x3;
	(xrf0) =	vmax.scan.msk.u32 $0xffff, v32;
	v31 =	vsel vm0, $0xFF800000, v31  }
0x7d: {  	_, v55, _ =	vpop (xrf1);
	(xrf0) =	vmax.scan.msk.f32 $0xffff, v31;
	v31 =	vshll.u32 v56, v4  }
0x7e: {  	v33 =	vxor.u32 $0x80000000, v33;
	_, v57, _ =	vpop (xrf1);
	v31 =	vadd.s32 $0x3, v31  }
0x7f: {  	v59 =	vld.idx.msk [tilespmem:v35+s3+$0x0], $0xffff;
	v30 =	vadd.f32 v55, v30;
	(xrf0) =	vmax.scan.msk.u32 $0xffff, v33;
	_, v58, _ =	vpop (xrf1);
	v31 =	vbroadcast v31, $0x0  }
0x80: {  	v25 =	vadd.f32 v58, v25  }
0x81: {  	s0 =	simm.s32 $0x4;
	(xrf1) =	vsort.ascd.msk.u32 $0xffff, v2, v30  }
0x82: {  	v62 =	vmov s0;
	v25 =	vsel vm0, $0xFF800000, v25  }
0x83: {  	v60, _, _ =	vpop (xrf0);
	v26 =	vadd.f32 v57, v26;
	(xrf0) =	vmax.scan.msk.f32 $0xffff, v25;
	v25 =	vshrl.u32 v62, $0x3  }
0x84: {  	v36 =	vxor.u32 $0x80000000, v59;
	v61, _, _ =	vpop (xrf0);
	v25 =	vshll.u32 v25, v4  }
0x85: {  	v26 =	vsel vm0, $0xFF800000, v26;
	(xrf0) =	vmax.scan.msk.u32 $0xffff, v36;
	v37, _, _ =	vpop (xrf0);
	v25 =	vadd.s32 $0x4, v25;
	v31 =	vld.idx.msk [tilespmem:v31+s3+$0x0], $0xffff  }
0x86: {  	(v2sf) =	vpush v60, $0xF;
	_, v63, _ =	vpop (xrf1);
	(xrf0) =	vmax.scan.msk.f32 $0xffff, v26;
	v25 =	vbroadcast v25, $0x0  }
0x87: {  	(v2sf) =	vpush v61, $0xF;
	v27 =	vadd.f32 v63, v27;
	_, v40, _ =	vpop (xrf1)  }
0x88: {  	_, v41, _ =	vpop (xrf1)  }
0x89: {  	v38 =	vsel vm0, $0xFF800000, v27;
	v27 =	vadd.f32 v41, v29;
	_, v42, _ =	vpop (xrf1)  }
0x8a: {  	v39, _, _ =	vpop (xrf0);
	(xrf0) =	vmax.scan.msk.f32 $0xffff, v38;
	v31 =	vxor.u32 $0x80000000, v31  }
0x8b: {  	v43, _, _ =	vpop (xrf0);
	v27 =	vsel vm0, $0xFF800000, v27;
	(xrf0) =	vmax.scan.msk.u32 $0xffff, v31  }
0x8c: {  	(v2sf) =	vpush v37, $0xF;
	v24 =	vadd.f32 v42, v24;
	v44, _, _ =	vpop (xrf0);
	v25 =	vld.idx.msk [tilespmem:v25+s3+$0x0], $0xffff;
	(xrf0) =	vmax.scan.msk.f32 $0xffff, v27  }
0x8d: {  	v26 =	vadd.f32 v40, v28;
	(v2sf) =	vpush v39, $0xF  }
0x8e: {  	s23 =	simm.s32 $0x5;
	v24 =	vsel vm0, $0xFF800000, v24  }
0x8f: {  	v48 =	vmov s23;
	v26 =	vsel vm0, $0xFF800000, v26;
	_, v46, _ =	vpop (xrf1);
	(xrf0) =	vmax.scan.msk.f32 $0xffff, v24  }
0x90: {  	v45, _, _ =	vpop (xrf0);
	(xrf0) =	vmax.scan.msk.f32 $0xffff, v26;
	v26 =	vshrl.u32 v48, $0x3  }
0x91: {  	v47 =	vadd.f32 v46, v30;
	v51 =	vshll.u32 v26, v4;
	v25 =	vxor.u32 $0x80000000, v25;
	v49, _, _ =	vpop (xrf0)  }
0x92: {  	(v2sf) =	vpush v43, $0xF;
	v50, _, _ =	vpop (xrf0);
	(xrf0) =	vmax.scan.msk.u32 $0xffff, v25;
	v25 =	vadd.s32 $0x5, v51  }
0x93: {  	(v2sf) =	vpush v45, $0xF;
	(xrf1) =	vsort.ascd.msk.u32 $0xffff, v3, v47;
	v25 =	vbroadcast v25, $0x0;
	_ =	sdelay $0x1  }
0x94: {  	s24 =	simm.s32 $0x6;
	s7 =	spop (v2sf)  }
0x95: {  	v52 =	vmov s24;
	(v2sf) =	vpush v49, $0xF;
	s28 =	spop (v2sf)  }
0x96: {  	v26 =	vshrl.u32 v52, $0x3;
	(v2sf) =	vpush v50, $0xF;
	p0 =	seq.f32 s28, $+Inf  }
0x97: {  	p1 =	sne.s32 s7, $0xFFFFFFFF;
	v26 =	vshll.u32 v26, v4  }
0x98: {  	v26 =	vadd.s32 $0x6, v26;
	v53, _, _ =	vpop (xrf0);
	p2 =	slt.f32 s28, $+Inf;
	p0 =	por !p1, !p0;
	v25 =	vld.idx.msk [tilespmem:v25+s3+$0x0], $0xffff  }
0x99: {  	v26 =	vbroadcast v26, $0x0;
	v54, _, _ =	vpop (xrf0);
	p0 =	por !p0, !p0  }
0x9a: {  	s24 =	simm.s32 $0x7;
	s25 =	spop (v2sf);
	p0 =	por p2, p0;
	v55, _, _ =	vpop (xrf0)  }
0x9b: {  	v56 =	vmov s24;
	s29 =	sxor.u32 $0x80000000, s7;
	s28 =	simm.s32 @!p0 $0x7F800000;
	s22 =	spop (v2sf);
	(v2sf) =	vpush v55, $0xF  }
0x9c: {  	v27 =	vshrl.u32 v56, $0x3;
	s23 =	sxor.u32 $0x80000000, s25;
	s29 =	simm.s32 @!p0 $0x7FFFFFFF;
	p2 =	seq.f32 s22, s28;
	(v2sf) =	vpush v53, $0xF  }
0x9d: {  	v27 =	vshll.u32 v27, v4;
	p4 =	slt.s32 s23, s29;
	v25 =	vxor.u32 $0x80000000, v25  }
0x9e: {  	v27 =	vadd.s32 $0x7, v27;
	p3 =	slt.f32 s22, s28;
	p1 =	por !p2, !p4;
	(xrf0) =	vmax.scan.msk.u32 $0xffff, v25  }
0x9f: {  	v27 =	vbroadcast v27, $0x0;
	v26 =	vld.idx.msk [tilespmem:v26+s3+$0x0], $0xffff;
	p1 =	por !p1, !p1  }
0xa0: {  	s26 =	spop (v2sf);
	p1 =	por p3, p1;
	_, v57, _ =	vpop (xrf1)  }
0xa1: {  	s25 =	spop (v2sf);
	s28 =	smov.u32 @p1 s22;
	v24 =	vadd.f32 v57, v47  }
0xa2: {  	s22 =	sxor.u32 $0x80000000, s26;
	s29 =	smov.u32 @p1 s23;
	p5 =	seq.f32 s25, s28  }
0xa3: {  	p6 =	slt.s32 s22, s29;
	v24 =	vsel vm0, $0xFF800000, v24  }
0xa4: {  	v58 =	vxor.u32 $0x80000000, v26;
	p4 =	slt.f32 s25, s28;
	s0 =	spop (v2sf);
	(v2sf) =	vpush v44, $0xF;
	p2 =	por !p5, !p6;
	(xrf0) =	vmax.scan.msk.f32 $0xffff, v24;
	v62, _, _ =	vpop (xrf0)  }
0xa5: {  	v59 =	vld.idx.msk [tilespmem:v27+s3+$0x0], $0xffff;
	s26 =	spop (v2sf);
	p2 =	por !p2, !p2;
	(xrf0) =	vmax.scan.msk.u32 $0xffff, v58;
	(v2sf) =	vpush v62, $0xF  }
0xa6: {  	p2 =	por p4, p2  }
0xa7: {  	v60 =	vpsel p0, v16, v6;
	s28 =	smov.u32 @p2 s25  }
0xa8: {  	v61 =	vpsel p0, v17, v7;
	v19 =	vpsel p1, v19, v60;
	s31 =	sxor.u32 $0x80000000, s0;
	s29 =	smov.u32 @p2 s22;
	p4 =	seq.f32 s26, s28  }
0xa9: {  	s24 =	simm.s32 $0xF;
	v20 =	vpsel p1, v20, v61;
	v19 =	vpsel p2, v22, v19;
	p5 =	slt.s32 s31, s29  }
0xaa: {  	v23 =	vpsel p2, v23, v20;
	v20 =	vxor.u32 $0x80000000, v59;
	p6 =	slt.f32 s26, s28;
	p3 =	por !p4, !p5;
	s7 =	spop (v2sf);
	(v2sf) =	vpush v54, $0xF;
	v22, _, _ =	vpop (xrf0)  }
0xab: {  	s23 =	simm.s32 $0x1290;
	(xrf0) =	vmax.scan.msk.u32 $0xffff, v20;
	p3 =	por !p3, !p3;
	s30 =	spop (v2sf);
	v63, _, _ =	vpop (xrf0);
	(v2sf) =	vpush v22, $0xF  }
0xac: {  	s25 =	simm.s32 $0x200;
	s22 =	simm.s32 $0x1290;
	p0 =	por p6, p3;
	(v2sf) =	vpush v63, $0xF  }
0xad: {  	v16 =	vimm.s32 $0x0;
	s28 =	smov.u32 @p0 s26;
	s29 =	smov.u32 @p0 s31;
	s31 =	sxor.u32 $0x80000000, s7  }
0xae: {  	v17 =	vmov s20;
	v20 =	vpsel p0, v18, v19;
	v18 =	vpsel p0, v21, v23;
	p1 =	slt.f32 s30, s28;
	p2 =	seq.f32 s30, s28;
	p3 =	slt.s32 s31, s29  }
.LBB2_3:
0xaf: {  	s20 =	sadd.s32 $0x1, s20  }
0xb0: {  	s23 =	sadd.s32 $0x20, s23;
	s21 =	sadd.s32 $0x20, s21;
	s26 =	smov.u32 s24  }
0xb1: {  	p0 =	sne.s32 s24, $0x7F;
	s24 =	sadd.s32 $0x8, s24;
	v19 =	vmov s20;
	p2 =	por !p2, !p3;
	v21, _, _ =	vpop (xrf0)  }
0xb2: {  	p2 =	por !p2, !p2;
	(v2sf) =	vpush v21, $0xF  }
0xb3: {  	p1 =	por p1, p2;
	s0 =	spop (v2sf)  }
0xb4: {  	s28 =	smov.u32 @p1 s30;
	v12 =	vpsel p1, v12, v20;
	v13 =	vpsel p1, v13, v18;
	s30 =	spop (v2sf)  }
0xb5: {  	s29 =	smov.u32 @p1 s31;
	s30 =	sxor.u32 $0x80000000, s30;
	p1 =	seq.f32 s0, s28  }
0xb6: {  	p2 =	slt.s32 s30, s29  }
0xb7: {  	p3 =	slt.f32 s0, s28;
	p1 =	por !p1, !p2  }
0xb8: {  	p1 =	por !p1, !p1  }
0xb9: {  	p1 =	por p3, p1;
	s31 =	spop (v2sf)  }
0xba: {  	v8 =	vpsel p1, v8, v12;
	v10 =	vpsel p1, v10, v13;
	s7 =	spop (v2sf)  }
0xbb: {  	s28 =	smov.u32 @p1 s0;
	s0 =	spop (v2sf)  }
0xbc: {  	s29 =	smov.u32 @p1 s30;
	p1 =	seq.f32 s31, s28;
	s0 =	sxor.u32 $0x80000000, s0  }
0xbd: {  	p2 =	slt.f32 s31, s28;
	p3 =	slt.s32 s0, s29  }
0xbe: {  	p1 =	por !p1, !p3  }
0xbf: {  	p1 =	por !p1, !p1  }
0xc0: {  	p1 =	por p2, p1  }
0xc1: {  	s28 =	smov.u32 @p1 s31;
	v8 =	vpsel p1, v9, v8;
	v9 =	vpsel p1, v11, v10;
	s30 =	spop (v2sf)  }
0xc2: {  	s29 =	smov.u32 @p1 s0;
	s0 =	sxor.u32 $0x80000000, s30;
	p1 =	seq.f32 s7, s28  }
0xc3: {  	p2 =	slt.f32 s7, s28;
	p3 =	slt.s32 s0, s29  }
0xc4: {  	p1 =	por !p1, !p3  }
0xc5: {  	p1 =	por !p1, !p1  }
0xc6: {  	p1 =	por p2, p1  }
0xc7: {  	vm1 =	veq.s32 v17, v5;
	v17 =	vmovc v19;
	s29 =	smov.u32 @p1 s0;
	v8 =	vpsel p1, v14, v8;
	v9 =	vpsel p1, v15, v9  }
0xc8: {  	v8 =	vsub.f32 v8, v6;
	v9 =	vsub.f32 v9, v7;
	v16 =	vsel vm1, s29, v16;
	_ =	sdelay $0x1  }
0xc9: {  	v6 =	vadd.f32 v8, v6;
	v7 =	vadd.f32 v9, v7;
	_ =	sdelay $0x1  }
0xca: {  	[tilespmem:s22+$0xFFFFFFF0] =	vst v6  }
0xcb: {  	[tilespmem:s22+$0x0] =	vst v7;
	s22 =	smov.u32 s23;
	_ =	sdelay $0x1  }
0xcc: {  	v6 =	vld [tilespmem:s21+$0xFFFFFFF0]  }
0xcd: {  	v20 =	vld [tilespmem:s25+$0xFFFFFFD0]  }
0xce: {  	v7 =	vld [tilespmem:s21+$0x0]  }
0xcf: {  	v24 =	vld [tilespmem:s25+$0xFFFFFF80]  }
0xd0: {  	v18 =	vld [tilespmem:s25+$0xFFFFFFE0]  }
0xd1: {  	v25 =	vld [tilespmem:s25+$0xFFFFFF90];
	_ =	sdelay $0x1  }
0xd2: {  	v19 =	vld [tilespmem:s25+$0xFFFFFFF0]  }
0xd3: {  	v14 =	vsub.f32 v7, v20;
	v9 =	vsub.f32 v6, v24;
	v8 =	vld [tilespmem:s25+$0x20]  }
0xd4: {  	v22 =	vld [tilespmem:s25+$0xFFFFFFA0];
	v10 =	vsub.f32 v6, v18  }
0xd5: {  	v11 =	vsub.f32 v7, v25;
	v15 =	vmul.f32 v9, v9  }
0xd6: {  	v26 =	vmul.f32 v10, v10  }
0xd7: {  	v27 =	vmul.f32 v11, v11;
	v28 =	vsub.f32 v7, v19;
	v10 =	vld [tilespmem:s25+$0x30];
	(xrf1) =	vsort.ascd.msk.u32 $0xffff, v0, v15  }
0xd8: {  	v23 =	vld [tilespmem:s25+$0xFFFFFFB0];
	v11 =	vsub.f32 v6, v8;
	(xrf1) =	vsort.ascd.msk.u32 $0xffff, v0, v26  }
0xd9: {  	v12 =	vsub.f32 v6, v22;
	v9 =	vld [tilespmem:s25+$0x40];
	(xrf1) =	vsort.ascd.msk.u32 $0xffff, v0, v27  }
0xda: {  	v21 =	vld [tilespmem:s25+$0xFFFFFFC0];
	v29 =	vmul.f32 v11, v11  }
0xdb: {  	v30 =	vmul.f32 v12, v12;
	v12 =	vld [tilespmem:s25+$0x0]  }
0xdc: {  	v13 =	vsub.f32 v7, v10;
	(xrf1) =	vsort.ascd.msk.u32 $0xffff, v0, v29  }
0xdd: {  	v31 =	vsub.f32 v7, v23;
	v11 =	vld [tilespmem:s25+$0x50];
	(xrf1) =	vsort.ascd.msk.u32 $0xffff, v0, v30  }
0xde: {  	v32 =	vmul.f32 v13, v13;
	v13 =	vsub.f32 v6, v9  }
0xdf: {  	v31 =	vmul.f32 v31, v31;
	v33 =	vsub.f32 v6, v21  }
0xe0: {  	v34 =	vsub.f32 v6, v12;
	v35 =	vmul.f32 v13, v13;
	(xrf1) =	vsort.ascd.msk.u32 $0xffff, v0, v32  }
0xe1: {  	v33 =	vmul.f32 v33, v33;
	v13 =	vld [tilespmem:s25+$0x10];
	(xrf1) =	vsort.ascd.msk.u32 $0xffff, v0, v31  }
0xe2: {  	v34 =	vmul.f32 v34, v34;
	(xrf1) =	vsort.ascd.msk.u32 $0xffff, v0, v35  }
0xe3: {  	v39 =	vsub.f32 v7, v11;
	(xrf1) =	vsort.ascd.msk.u32 $0xffff, v0, v33  }
0xe4: {  	(xrf1) =	vsort.ascd.msk.u32 $0xffff, v0, v34  }
0xe5: {  	v37 =	vmul.f32 v14, v14;
	v14 =	vmul.f32 v39, v39;
	_, v36, _ =	vpop (xrf1)  }
0xe6: {  	v40 =	vadd.f32 v36, v15;
	v36 =	vsub.f32 v7, v13;
	_, v38, _ =	vpop (xrf1)  }
0xe7: {  	v28 =	vmul.f32 v28, v28;
	v26 =	vadd.f32 v38, v26;
	_, v38, _ =	vpop (xrf1);
	(xrf1) =	vsort.ascd.msk.u32 $0xffff, v0, v37  }
0xe8: {  	v39 =	vadd.f32 v40, v27;
	v27 =	vmul.f32 v36, v36;
	(xrf1) =	vsort.ascd.msk.u32 $0xffff, v0, v14  }
0xe9: {  	v26 =	vadd.f32 v26, v28;
	(xrf1) =	vsort.ascd.msk.u32 $0xffff, v0, v28  }
0xea: {  	v28 =	vadd.f32 v39, v38;
	(xrf1) =	vsort.ascd.msk.u32 $0xffff, v0, v27;
	_, v15, _ =	vpop (xrf1)  }
0xeb: {  	v36 =	vadd.f32 v15, v29;
	_, v29, _ =	vpop (xrf1)  }
0xec: {  	v29 =	vadd.f32 v29, v30;
	(xrf1) =	vsort.ascd.msk.u32 $0xffff, v1, v28  }
0xed: {  	v32 =	vadd.f32 v36, v32  }
0xee: {  	v29 =	vadd.f32 v29, v31;
	_, v30, _ =	vpop (xrf1)  }
0xef: {  	v30 =	vadd.f32 v32, v30;
	_, v15, _ =	vpop (xrf1)  }
0xf0: {  	v29 =	vadd.f32 v29, v15;
	_, v15, _ =	vpop (xrf1)  }
0xf1: {  	v15 =	vadd.f32 v15, v35;
	_, v31, _ =	vpop (xrf1);
	(xrf1) =	vsort.ascd.msk.u32 $0xffff, v1, v30  }
0xf2: {  	v31 =	vadd.f32 v31, v33;
	(xrf1) =	vsort.ascd.msk.u32 $0xffff, v1, v29;
	_, v32, _ =	vpop (xrf1)  }
0xf3: {  	v34 =	vadd.f32 v32, v34;
	v15 =	vadd.f32 v15, v14;
	v14 =	vld [tilespmem:s25+$0x60]  }
0xf4: {  	v31 =	vadd.f32 v31, v37  }
0xf5: {  	v27 =	vadd.f32 v34, v27;
	_, v32, _ =	vpop (xrf1)  }
0xf6: {  	v31 =	vadd.f32 v31, v32;
	_, v32, _ =	vpop (xrf1)  }
0xf7: {  	v32 =	vadd.f32 v15, v32;
	v15 =	vld [tilespmem:s25+$0x70];
	_, v33, _ =	vpop (xrf1)  }
0xf8: {  	v26 =	vadd.f32 v26, v33;
	v33 =	vsub.f32 v6, v14;
	(xrf1) =	vsort.ascd.msk.u32 $0xffff, v1, v31;
	_, v34, _ =	vpop (xrf1)  }
0xf9: {  	v27 =	vadd.f32 v27, v34;
	(xrf1) =	vsort.ascd.msk.u32 $0xffff, v1, v32  }
0xfa: {  	v33 =	vmul.f32 v33, v33;
	_, v34, _ =	vpop (xrf1);
	(xrf1) =	vsort.ascd.msk.u32 $0xffff, v1, v26  }
0xfb: {  	v28 =	vadd.f32 v34, v28;
	(xrf1) =	vsort.ascd.msk.u32 $0xffff, v1, v27  }
0xfc: {  	v34 =	vsub.f32 v7, v15;
	(xrf1) =	vsort.ascd.msk.u32 $0xffff, v0, v33  }
0xfd: {  	(xrf1) =	vsort.ascd.msk.u32 $0xffff, v2, v28  }
0xfe: {  	v34 =	vmul.f32 v34, v34  }
0xff: {  	_, v35, _ =	vpop (xrf1)  }
0x100: {  	v30 =	vadd.f32 v35, v30;
	_, v35, _ =	vpop (xrf1);
	(xrf1) =	vsort.ascd.msk.u32 $0xffff, v0, v34  }
0x101: {  	v29 =	vadd.f32 v35, v29  }
0x102: {  	(xrf1) =	vsort.ascd.msk.u32 $0xffff, v2, v30  }
0x103: {  	(xrf1) =	vsort.ascd.msk.u32 $0xffff, v2, v29;
	_ =	sdelay $0x2  }
0x104: {  	_, v35, _ =	vpop (xrf1)  }
0x105: {  	v31 =	vadd.f32 v35, v31;
	_, v35, _ =	vpop (xrf1)  }
0x106: {  	v32 =	vadd.f32 v35, v32;
	_, v35, _ =	vpop (xrf1)  }
0x107: {  	v26 =	vadd.f32 v35, v26;
	(xrf1) =	vsort.ascd.msk.u32 $0xffff, v2, v31;
	_, v35, _ =	vpop (xrf1)  }
0x108: {  	v27 =	vadd.f32 v35, v27;
	(xrf1) =	vsort.ascd.msk.u32 $0xffff, v2, v32;
	_, v35, _ =	vpop (xrf1)  }
0x109: {  	s0 =	sadd.s32 $0xFFFFFFF9, s26;
	v33 =	vadd.f32 v35, v33;
	_, v35, _ =	vpop (xrf1);
	(xrf1) =	vsort.ascd.msk.u32 $0xffff, v2, v26  }
0x10a: {  	v37 =	vmov s0;
	v28 =	vadd.f32 v35, v28;
	(xrf1) =	vsort.ascd.msk.u32 $0xffff, v2, v27  }
0x10b: {  	v37 =	vshrl.u32 v37, $0x3;
	v33 =	vadd.f32 v33, v34  }
0x10c: {  	v34 =	vshll.u32 v37, v4;
	(xrf1) =	vsort.ascd.msk.u32 $0xffff, v3, v28;
	_, v35, _ =	vpop (xrf1)  }
0x10d: {  	s0 =	sadd.s32 $0xFFFFFFFA, s26;
	v34 =	vbroadcast v34, $0x0;
	v33 =	vadd.f32 v33, v35  }
0x10e: {  	v35 =	vmov s0;
	_, v36, _ =	vpop (xrf1)  }
0x10f: {  	v35 =	vshrl.u32 v35, $0x3;
	v30 =	vadd.f32 v36, v30;
	_, v36, _ =	vpop (xrf1);
	(xrf1) =	vsort.ascd.msk.u32 $0xffff, v1, v33  }
0x110: {  	v35 =	vshll.u32 v35, v4;
	v29 =	vadd.f32 v36, v29  }
0x111: {  	v35 =	vadd.s32 $0x1, v35;
	(xrf1) =	vsort.ascd.msk.u32 $0xffff, v3, v30  }
0x112: {  	v35 =	vbroadcast v35, $0x0;
	(xrf1) =	vsort.ascd.msk.u32 $0xffff, v3, v29  }
0x113: {  	s0 =	sadd.s32 $0xFFFFFFFB, s26;
	v34 =	vld.idx.msk [tilespmem:v34+s3+$0x0], $0xffff  }
0x114: {  	v36 =	vmov s0  }
0x115: {  	v36 =	vshrl.u32 v36, $0x3;
	_, v37, _ =	vpop (xrf1)  }
0x116: {  	v36 =	vshll.u32 v36, v4;
	v31 =	vadd.f32 v37, v31;
	_, v37, _ =	vpop (xrf1)  }
0x117: {  	v36 =	vadd.s32 $0x2, v36;
	v32 =	vadd.f32 v37, v32;
	_, v37, _ =	vpop (xrf1)  }
0x118: {  	v36 =	vbroadcast v36, $0x0;
	v35 =	vld.idx.msk [tilespmem:v35+s3+$0x0], $0xffff;
	v26 =	vadd.f32 v37, v26;
	(xrf1) =	vsort.ascd.msk.u32 $0xffff, v3, v31;
	_, v37, _ =	vpop (xrf1)  }
0x119: {  	s0 =	sadd.s32 $0xFFFFFFFC, s26;
	v34 =	vxor.u32 $0x80000000, v34;
	v27 =	vadd.f32 v37, v27;
	(xrf1) =	vsort.ascd.msk.u32 $0xffff, v3, v32  }
0x11a: {  	v37 =	vmov s0;
	_, v38, _ =	vpop (xrf1);
	(xrf1) =	vsort.ascd.msk.u32 $0xffff, v3, v26  }
0x11b: {  	v37 =	vshrl.u32 v37, $0x3;
	v39 =	vadd.f32 v38, v28;
	(xrf1) =	vsort.ascd.msk.u32 $0xffff, v3, v27  }
0x11c: {  	v37 =	vshll.u32 v37, v4  }
0x11d: {  	v37 =	vadd.s32 $0x3, v37;
	v38 =	vsel vm0, $0xFF800000, v39;
	(xrf0) =	vmax.scan.msk.u32 $0xffff, v34;
	_, v34, _ =	vpop (xrf1)  }
0x11e: {  	v35 =	vxor.u32 $0x80000000, v35;
	v37 =	vbroadcast v37, $0x0;
	v36 =	vld.idx.msk [tilespmem:v36+s3+$0x0], $0xffff;
	v33 =	vadd.f32 v34, v33;
	(xrf0) =	vmax.scan.msk.f32 $0xffff, v38  }
0x11f: {  	s0 =	sadd.s32 $0xFFFFFFFD, s26;
	(xrf0) =	vmax.scan.msk.u32 $0xffff, v35;
	_, v28, _ =	vpop (xrf1)  }
0x120: {  	v34 =	vmov s0;
	v28 =	vadd.f32 v28, v30;
	_, v30, _ =	vpop (xrf1);
	(xrf1) =	vsort.ascd.msk.u32 $0xffff, v2, v33  }
0x121: {  	v29 =	vadd.f32 v30, v29;
	v30 =	vshrl.u32 v34, $0x3  }
0x122: {  	v30 =	vshll.u32 v30, v4;
	v28 =	vsel vm0, $0xFF800000, v28  }
0x123: {  	v38 =	vsel vm0, $0xFF800000, v29;
	v30 =	vadd.s32 $0x4, v30;
	v34, _, _ =	vpop (xrf0)  }
0x124: {  	v35 =	vxor.u32 $0x80000000, v36;
	v36 =	vld.idx.msk [tilespmem:v37+s3+$0x0], $0xffff;
	v30 =	vbroadcast v30, $0x0;
	v37, _, _ =	vpop (xrf0);
	(v2sf) =	vpush v34, $0xF;
	(xrf0) =	vmax.scan.msk.f32 $0xffff, v38  }
0x125: {  	(v2sf) =	vpush v37, $0xF;
	v34, _, _ =	vpop (xrf0);
	(xrf0) =	vmax.scan.msk.u32 $0xffff, v35  }
0x126: {  	(v2sf) =	vpush v34, $0xF;
	_, v29, _ =	vpop (xrf1);
	(xrf0) =	vmax.scan.msk.f32 $0xffff, v28  }
0x127: {  	v28 =	vadd.f32 v29, v31;
	_, v29, _ =	vpop (xrf1)  }
0x128: {  	v29 =	vadd.f32 v29, v32;
	_, v31, _ =	vpop (xrf1)  }
0x129: {  	v34 =	vsel vm0, $0xFF800000, v28;
	v35 =	vadd.f32 v31, v26;
	_, v31, _ =	vpop (xrf1)  }
0x12a: {  	v32 =	vxor.u32 $0x80000000, v36;
	v27 =	vadd.f32 v31, v27;
	v30 =	vld.idx.msk [tilespmem:v30+s3+$0x0], $0xffff;
	v29 =	vsel vm0, $0xFF800000, v29;
	v31, _, _ =	vpop (xrf0);
	(xrf0) =	vmax.scan.msk.f32 $0xffff, v34  }
0x12b: {  	s0 =	sadd.s32 $0xFFFFFFFE, s26;
	v34 =	vsel vm0, $0xFF800000, v35;
	(v2sf) =	vpush v31, $0xF;
	v28, _, _ =	vpop (xrf0);
	(xrf0) =	vmax.scan.msk.u32 $0xffff, v32  }
0x12c: {  	v31 =	vmov s0;
	v27 =	vsel vm0, $0xFF800000, v27;
	(v2sf) =	vpush v28, $0xF;
	(xrf0) =	vmax.scan.msk.f32 $0xffff, v34;
	v26, _, _ =	vpop (xrf0)  }
0x12d: {  	v31 =	vshrl.u32 v31, $0x3;
	(xrf0) =	vmax.scan.msk.f32 $0xffff, v27  }
0x12e: {  	v27 =	vshll.u32 v31, v4;
	(xrf0) =	vmax.scan.msk.f32 $0xffff, v29;
	_, v28, _ =	vpop (xrf1)  }
0x12f: {  	v27 =	vadd.s32 $0x5, v27;
	v28 =	vadd.f32 v28, v33  }
0x130: {  	v29 =	vxor.u32 $0x80000000, v30;
	v27 =	vbroadcast v27, $0x0;
	v30, _, _ =	vpop (xrf0)  }
0x131: {  	s0 =	sadd.s32 $0xFFFFFFFF, s26;
	(v2sf) =	vpush v30, $0xF;
	v30, _, _ =	vpop (xrf0);
	(xrf1) =	vsort.ascd.msk.u32 $0xffff, v3, v28  }
0x132: {  	v33 =	vmov s0;
	v32, _, _ =	vpop (xrf0);
	(v2sf) =	vpush v30, $0xF;
	(xrf0) =	vmax.scan.msk.u32 $0xffff, v29  }
0x133: {  	v29 =	vshrl.u32 v33, $0x3;
	s0 =	spop (v2sf);
	v30, _, _ =	vpop (xrf0)  }
0x134: {  	v29 =	vshll.u32 v29, v4;
	s28 =	spop (v2sf);
	v31, _, _ =	vpop (xrf0)  }
0x135: {  	v29 =	vadd.s32 $0x6, v29;
	p1 =	seq.f32 s28, $+Inf;
	s7 =	spop (v2sf)  }
0x136: {  	p2 =	sne.s32 s0, $0xFFFFFFFF;
	v29 =	vbroadcast v29, $0x0;
	v27 =	vld.idx.msk [tilespmem:v27+s3+$0x0], $0xffff  }
0x137: {  	p3 =	slt.f32 s28, $+Inf;
	p1 =	por !p2, !p1;
	(v2sf) =	vpush v32, $0xF  }
0x138: {  	p1 =	por !p1, !p1;
	v32, _, _ =	vpop (xrf0)  }
0x139: {  	v33 =	vmov s26;
	s29 =	sxor.u32 $0x80000000, s0;
	p1 =	por p3, p1;
	(v2sf) =	vpush v32, $0xF  }
0x13a: {  	v32 =	vshrl.u32 v33, $0x3;
	s28 =	simm.s32 @!p1 $0x7F800000;
	v24 =	vpsel p1, v24, v6;
	v25 =	vpsel p1, v25, v7;
	s0 =	spop (v2sf)  }
0x13b: {  	s7 =	sxor.u32 $0x80000000, s7;
	v32 =	vshll.u32 v32, v4;
	p2 =	seq.f32 s0, s28;
	s26 =	spop (v2sf)  }
0x13c: {  	s29 =	simm.s32 @!p1 $0x7FFFFFFF;
	v33 =	vxor.u32 $0x80000000, v27;
	v32 =	vadd.s32 $0x7, v32;
	v29 =	vld.idx.msk [tilespmem:v29+s3+$0x0], $0xffff;
	(v2sf) =	vpush v30, $0xF  }
0x13d: {  	p1 =	slt.f32 s0, s28;
	p3 =	slt.s32 s7, s29;
	v30 =	vbroadcast v32, $0x0;
	(xrf0) =	vmax.scan.msk.u32 $0xffff, v33  }
0x13e: {  	p2 =	por !p2, !p3  }
0x13f: {  	p2 =	por !p2, !p2;
	_, v27, _ =	vpop (xrf1)  }
0x140: {  	p1 =	por p1, p2;
	v27 =	vadd.f32 v27, v28;
	s30 =	spop (v2sf)  }
0x141: {  	s28 =	smov.u32 @p1 s0;
	v22 =	vpsel p1, v22, v24;
	v23 =	vpsel p1, v23, v25;
	s0 =	sxor.u32 $0x80000000, s26;
	s26 =	spop (v2sf)  }
0x142: {  	s29 =	smov.u32 @p1 s7;
	p1 =	seq.f32 s30, s28;
	v24 =	vxor.u32 $0x80000000, v29;
	s7 =	sxor.u32 $0x80000000, s26;
	v25 =	vsel vm0, $0xFF800000, v27  }
0x143: {  	p2 =	slt.s32 s0, s29;
	v27 =	vld.idx.msk [tilespmem:v30+s3+$0x0], $0xffff;
	(v2sf) =	vpush v26, $0xF;
	v26, _, _ =	vpop (xrf0);
	(xrf0) =	vmax.scan.msk.f32 $0xffff, v25  }
0x144: {  	p3 =	slt.f32 s30, s28;
	p1 =	por !p1, !p2;
	(v2sf) =	vpush v26, $0xF;
	(xrf0) =	vmax.scan.msk.u32 $0xffff, v24  }
0x145: {  	p1 =	por !p1, !p1  }
0x146: {  	p1 =	por p3, p1;
	s26 =	spop (v2sf)  }
0x147: {  	s28 =	smov.u32 @p1 s30;
	s29 =	smov.u32 @p1 s0;
	v21 =	vpsel p1, v21, v22;
	v22 =	vpsel p1, v20, v23  }
0x148: {  	p1 =	seq.f32 s26, s28;
	s0 =	spop (v2sf)  }
0x149: {  	p2 =	slt.s32 s7, s29;
	v20 =	vxor.u32 $0x80000000, v27;
	(v2sf) =	vpush v31, $0xF;
	v23, _, _ =	vpop (xrf0)  }
.Ltmp0:
0x14a: {  	p3 =	slt.f32 s26, s28;
	p1 =	por !p1, !p2;
	v24, _, _ =	vpop (xrf0);
	(v2sf) =	vpush v23, $0xF;
	(xrf0) =	vmax.scan.msk.u32 $0xffff, v20;
	(pc) =	sbr.rel @p0 .LBB2_3-.Ltmp0, $4  }
0x14b: {  	p1 =	por !p1, !p1;
	s30 =	spop (v2sf);
	(v2sf) =	vpush v24, $0xF  }
0x14c: {  	s25 =	sadd.s32 $0x100, s25;
	p1 =	por p3, p1  }
0x14d: {  	s31 =	sxor.u32 $0x80000000, s0;
	s28 =	smov.u32 @p1 s26;
	s29 =	smov.u32 @p1 s7;
	v20 =	vpsel p1, v18, v21;
	v18 =	vpsel p1, v19, v22  }
0x14e: {  	p1 =	slt.f32 s30, s28;
	p2 =	seq.f32 s30, s28;
	p3 =	slt.s32 s31, s29  }
0x14f: {  	_ = 	snop  }
0x150: {  	v19, _, _ =	vpop (xrf0)  }
0x151: {  	p0 =	por !p2, !p3;
	(v2sf) =	vpush v19, $0xF  }
0x152: {  	p0 =	por !p0, !p0  }
0x153: {  	p0 =	por p1, p0;
	s0 =	spop (v2sf)  }
0x154: {  	s28 =	smov.u32 @p0 s30;
	s7 =	spop (v2sf)  }
0x155: {  	s29 =	smov.u32 @p0 s31;
	s7 =	sxor.u32 $0x80000000, s7;
	p2 =	seq.f32 s0, s28  }
0x156: {  	p3 =	slt.s32 s7, s29  }
0x157: {  	p4 =	slt.f32 s0, s28;
	p1 =	por !p2, !p3  }
0x158: {  	p1 =	por !p1, !p1;
	s20 =	spop (v2sf)  }
0x159: {  	p1 =	por p4, p1;
	s21 =	spop (v2sf)  }
0x15a: {  	s28 =	smov.u32 @p1 s0;
	s25 =	spop (v2sf)  }
0x15b: {  	s29 =	smov.u32 @p1 s7;
	p5 =	seq.f32 s20, s28;
	s0 =	sxor.u32 $0x80000000, s25  }
0x15c: {  	p6 =	slt.s32 s0, s29  }
0x15d: {  	p4 =	slt.f32 s20, s28;
	p2 =	por !p5, !p6  }
0x15e: {  	p2 =	por !p2, !p2  }
0x15f: {  	p2 =	por p4, p2  }
0x160: {  	s28 =	smov.u32 @p2 s20;
	s26 =	spop (v2sf)  }
0x161: {  	s29 =	smov.u32 @p2 s0;
	s0 =	sxor.u32 $0x80000000, s26;
	p5 =	seq.f32 s21, s28  }
0x162: {  	p6 =	slt.s32 s0, s29  }
0x163: {  	v12 =	vpsel p0, v12, v20;
	p3 =	por !p5, !p6;
	p5 =	slt.f32 s21, s28  }
0x164: {  	v13 =	vpsel p0, v13, v18;
	v8 =	vpsel p1, v8, v12;
	p6 =	por !p3, !p3  }
0x165: {  	v10 =	vpsel p1, v10, v13;
	v8 =	vpsel p2, v9, v8;
	p0 =	por p5, p6  }
0x166: {  	v63 =	vpsel p2, v11, v10;
	v8 =	vpsel p0, v14, v8  }
0x167: {  	v9 =	vpsel p0, v15, v63;
	v8 =	vsub.f32 v8, v6  }
0x168: {  	v9 =	vsub.f32 v9, v7  }
0x169: {  	v6 =	vadd.f32 v8, v6  }
0x16a: {  	v7 =	vadd.f32 v9, v7  }
0x16b: {  	vm1 =	veq.s32 v17, v5;
	s29 =	smov.u32 @p0 s0;
	[tilespmem:s22+$0xFFFFFFF0] =	vst v6  }
0x16c: {  	v6 =	vsel vm1, s29, v16;
	[tilespmem:s22+$0x0] =	vst v7  }
0x16d: {  	s30 =	sadd.s32 s6, s19;
	[tilespmem:$0x1480] =	vst v6  }
0x16e: {  	[hbm4b:s30+s3] =	stream.linear.scatter [tilespmem:s14], [sflag:$0x2], $0x200, $0x38;
	[tilespmem:$0x1490] =	vst v63  }
0x16f: {  	s17 =	sadd.s32 $0x1, s17;
	_ =	swait.ge [sflag:s10], $0x200  }
0x170: {  	s31 =	sshrl.u32 s18, $0x3;
	p0 =	sne.s32 s17, $0x20;
	[sflag:s10] =	ssyncset.done $0x0  }
.Ltmp1:
0x171: {  	s0 =	sadd.s32 s2, s31;
	[sflag:s10] =	ssyncadd.s32 $0xFFFFFE00;
	(pc) =	sbr.rel @p0 .LBB2_2-.Ltmp1, $4  }
0x172: {  	[hbm4b:s0+s3] =	stream.linear.scatter [tilespmem:s15], [sflag:$0x2], $0x10, $0x38;
	[tilespmem:$0x1490] =	vst v63  }
0x173: {  	_ =	swait.ge [sflag:s10], $0x10  }
0x174: {  	[sflag:s10] =	ssyncset.done $0x0  }
0x175: {  	[sflag:s10] =	ssyncadd.s32 $0xFFFFFFF0  }
0x176: {  	s16 =	sadd.s32 $0x1, s16  }
0x177: {  	p0 =	sne.s32 s16, s9  }
.Ltmp2:
0x178: {  	_ = 	snop;
	(pc) =	sbr.rel @p0 .LBB2_1-.Ltmp2, $1  }
0x179: {  	_ =	sdelay $0x3  }
0x17a: {  	_ =	sfence.sel $0x180000  }
0x17b: {  	[bflag:$0x0] =	sbarrier.arrive $0xFFFF  }
0x17c: {  	_ =	strace $0x90000047  }
0x17d: {  	s0 =	stileid.u32;
	[bflag:$0x2] =	sbarrier.arrive $0xFFFF  }
0x17e: {  	p0 =	sne.s32 s0, $0x0;
	s0 =	rddreg [dreg:$0x3]  }
0x17f: {  	s0 =	sadd.s32 @!p0 $0x100000, s0  }
0x180: {  	[sflag:s0] =	ssyncadd.tile.s32 @!p0 $0x1;
	_ =	shalt  }
.Lfunc_end2:
_tile_overlayer_lowered:
.L_overlay_start_2:
0x181: {  	(tag) =	ssettag $0x2  }
0x182: {  	s0 =	rddreg [dreg:$0x0];
	s2 =	stileid.u32  }
0x183: {  	s1 =	rddreg [dreg:$0x1];
	p0 =	sne.s32 s2, $0x0  }
0x184: {  	s3 =	rddreg [dreg:$0x2];
	[bflag:$0x3] =	sbarrier.arrive $0xFFFF;
	s2 =	simm.s32 @!p0 $0x1C02  }
0x185: {  	[timem:s3], [sflag:s2] =	dma.local @!p0 [hbm:s0], s1  }
0x186: {  	s0 =	simm.s32 @!p0 $0x2  }
0x187: {  	_ =	swait.ge @!p0 [sflag:s0], s1  }
0x188: {  	s1 =	ssub.s32 @!p0 $0x0, s1;
	[sflag:s0] =	ssyncset.done @!p0 $0x0  }
0x189: {  	[sflag:s0] =	ssyncadd.s32 @!p0 s1  }
0x18a: {  	[bflag:$0x3] =	sbarrier.arrive $0xFFFF  }
0x18b: {  	_ =	shalt  }

</sc_bundles>
